<compile_context>
chip_gen: v7x
topology: tpu7x:2x2x1
jax: 0.10.2.dev20260603
libtpu: 0.0.44.dev20260713+nightly
codegen_flags: <defaults>
</compile_context>

<pallas_src>
import functools

import jax
import jax.numpy as jnp
from jax import lax
from jax.experimental import pallas as pl
from jax.experimental.pallas import tpu as pltpu
from jax.experimental.pallas import tpu_sc as plsc

N_NODES = 50000
N_EDGES = 800000
E_PAD = 819200
N_REL = 10
REL_DIM = 32
GAMMA = 12.0
EPSILON = 2.0
PI = 3.1415926235897933
REL_RANGE = (GAMMA + EPSILON) / REL_DIM
SHIFT = 60.0

NC, NS = 2, 16
CHUNK = 512
A_ITERS = (E_PAD // (NC * NS)) // CHUNK
BCHUNK = 256
B_ITERS = (E_PAD // NS) // BCHUNK
N_PAD = 50048
NROW = N_PAD // NS


def _rsqrt(x):
    i = 0x5F3759DF - (plsc.bitcast(x, jnp.int32) >> 1)
    y = plsc.bitcast(i, jnp.float32)
    xh = x * 0.5
    for _ in range(2):
        y = y * (1.5 - xh * y * y)
    return y


def _relprep_body(r_ref, cos_ref, sin_ref):
    phase = r_ref[...] * (PI / REL_RANGE)
    cos_ref[...] = jnp.cos(phase)
    sin_ref[...] = jnp.sin(phase)


def _rel_tables(rel_pad):
    return pl.pallas_call(
        _relprep_body,
        out_shape=(jax.ShapeDtypeStruct((16, REL_DIM), jnp.float32),
                   jax.ShapeDtypeStruct((16, REL_DIM), jnp.float32)),
    )(rel_pad)


def _att_body(src2d, dst2d, ety1d, embed, relc, rels, zeros16, w_out, den_out,
              src_v, dst_v, ety_v, h_rows, t_rows, relc_v, rels_v, w_v,
              w16_v, sem, den16):
    c = lax.axis_index("c")
    s = lax.axis_index("s")
    wid = c * NS + s
    pltpu.sync_copy(relc, relc_v)
    pltpu.sync_copy(rels, rels_v)
    pltpu.sync_copy(zeros16.at[pl.ds(s * NROW, NROW)],
                    den16.at[pl.ds(s * NROW, NROW)])
    plsc.subcore_barrier()
    rowbase = wid * (A_ITERS * 4)
    ebase = wid * (A_ITERS * CHUNK)

    lanes = lax.iota(jnp.int32, 16)
    rot = [(lanes + (1 << k)) & 15 for k in range(4)]

    @pl.loop(0, A_ITERS)
    def _chunk(i):
        r0 = rowbase + i * 4
        e0 = ebase + i * CHUNK
        d1 = pltpu.async_copy(src2d.at[pl.ds(r0, 4)], src_v, sem)
        d2 = pltpu.async_copy(dst2d.at[pl.ds(r0, 4)], dst_v, sem)
        d3 = pltpu.async_copy(ety1d.at[pl.ds(e0, CHUNK)],
                              ety_v.at[pl.ds(0, CHUNK)], sem)
        d1.wait()
        d2.wait()
        d3.wait()
        descs = []
        for j in range(4):
            descs.append(pltpu.async_copy(
                embed.at[src_v.at[j]], h_rows.at[pl.ds(j * 128, 128)], sem))
            descs.append(pltpu.async_copy(
                embed.at[dst_v.at[j]], t_rows.at[pl.ds(j * 128, 128)], sem))
        for d in descs:
            d.wait()

        zl = jnp.zeros((16,), jnp.int32)

        @plsc.parallel_loop(0, CHUNK, unroll=8)
        def _edge(e):
            ev = ety_v[pl.ds(e, 16)]
            etyb = ev.at[zl].get(mode="promise_in_bounds")
            ridx = etyb * REL_DIM + lanes
            h0 = h_rows[e, pl.ds(0, 16)]
            h1 = h_rows[e, pl.ds(16, 16)]
            h2 = h_rows[e, pl.ds(32, 16)]
            h3 = h_rows[e, pl.ds(48, 16)]
            t0 = t_rows[e, pl.ds(0, 16)]
            t1 = t_rows[e, pl.ds(16, 16)]
            t2 = t_rows[e, pl.ds(32, 16)]
            t3 = t_rows[e, pl.ds(48, 16)]
            c0 = plsc.load_gather(relc_v, [ridx])
            c1 = plsc.load_gather(relc_v, [ridx + 16])
            s0 = plsc.load_gather(rels_v, [ridx])
            s1 = plsc.load_gather(rels_v, [ridx + 16])
            re_a = h0 * c0 - h2 * s0 - t0
            im_a = h0 * s0 + h2 * c0 - t2
            re_b = h1 * c1 - h3 * s1 - t1
            im_b = h1 * s1 + h3 * c1 - t3
            sq_a = jnp.maximum(re_a * re_a + im_a * im_a, 1e-12)
            sq_b = jnp.maximum(re_b * re_b + im_b * im_b, 1e-12)
            term = sq_a * _rsqrt(sq_a) + sq_b * _rsqrt(sq_b)
            for k in range(4):
                term = term + term.at[rot[k]].get(mode="promise_in_bounds")
            w16_v[e, :] = term

        @pl.loop(0, CHUNK // 16)
        def _grp(g):
            eids = lax.iota(jnp.int32, 16) + g * 16
            att = plsc.load_gather(w16_v, [eids, jnp.zeros((16,), jnp.int32)])
            w = jnp.exp(att - SHIFT)
            w = jnp.where(e0 + eids < N_EDGES, w, 0.0)
            w_v[pl.ds(g * 16, 16)] = w

        zlane = jnp.zeros((16,), jnp.int32)

        @plsc.parallel_loop(0, CHUNK, unroll=8)
        def _wrow(e):
            wv = w_v[pl.ds(e, 16)]
            w16_v[e, :] = wv.at[zlane].get(mode="promise_in_bounds")

        pltpu.sync_copy(w_v.at[pl.ds(0, CHUNK)], w_out.at[pl.ds(e0, CHUNK)])
        dsc = [pltpu.async_copy(w16_v.at[pl.ds(j * 128, 128)],
                                den16.at[dst_v.at[j]], sem, add=True)
               for j in range(4)]
        for d in dsc:
            d.wait()

    plsc.subcore_barrier()
    pltpu.sync_copy(den16.at[pl.ds(s * NROW, NROW)],
                    den_out.at[c, pl.ds(s * NROW, NROW)])


def _att_weights(src2d, dst2d, ety1d, embed, relc, rels):
    mesh = plsc.VectorSubcoreMesh(core_axis_name="c", subcore_axis_name="s",
                                  num_cores=NC, num_subcores=NS)
    zeros16 = jnp.zeros((N_PAD, 16), jnp.float32)
    f = functools.partial(
        pl.kernel, _att_body,
        out_type=(jax.ShapeDtypeStruct((E_PAD,), jnp.float32),
                  jax.ShapeDtypeStruct((NC, N_PAD, 16), jnp.float32)),
        mesh=mesh,
        scratch_types=[
            pltpu.VMEM((4, 128), jnp.int32),
            pltpu.VMEM((4, 128), jnp.int32),
            pltpu.VMEM((CHUNK + 16,), jnp.int32),
            pltpu.VMEM((CHUNK, 64), jnp.float32),
            pltpu.VMEM((CHUNK, 64), jnp.float32),
            pltpu.VMEM((16 * REL_DIM,), jnp.float32),
            pltpu.VMEM((16 * REL_DIM,), jnp.float32),
            pltpu.VMEM((CHUNK + 16,), jnp.float32),
            pltpu.VMEM((CHUNK, 16), jnp.float32),
            pltpu.SemaphoreType.DMA,
            pltpu.VMEM_SHARED((N_PAD, 16), jnp.float32),
        ],
        compiler_params=pltpu.CompilerParams(needs_layout_passes=False,
                                             use_tc_tiling_on_sc=False))()
    return f(src2d, dst2d, ety1d, embed, relc, rels, zeros16)


def _agg_body(fdim, srcg, dst2d, w_hbm, table, zeros2d,
              nh_out, gsrc_v, dst_v, w_v, rows, sem, acc):
    c = lax.axis_index("c")
    s = lax.axis_index("s")
    pltpu.sync_copy(zeros2d.at[pl.ds(s * NROW, NROW)],
                    acc.at[pl.ds(s * NROW, NROW)])
    plsc.subcore_barrier()
    rowbase = s * ((E_PAD // NS) // CHUNK * 4)
    ebase = s * (E_PAD // NS)
    zl = jnp.zeros((16,), jnp.int32)

    @pl.loop(0, (E_PAD // NS) // CHUNK)
    def _chunk(i):
        r0 = rowbase + i * 4
        e0 = ebase + i * CHUNK
        d1 = pltpu.async_copy(srcg.at[c, pl.ds(r0, 4)], gsrc_v, sem)
        d2 = pltpu.async_copy(dst2d.at[pl.ds(r0, 4)], dst_v, sem)
        d3 = pltpu.async_copy(w_hbm.at[pl.ds(e0, CHUNK)],
                              w_v.at[pl.ds(0, CHUNK)], sem)
        d1.wait()
        d2.wait()
        d3.wait()
        descs = [pltpu.async_copy(table.at[gsrc_v.at[j]],
                                  rows.at[pl.ds(j * 128, 128)], sem)
                 for j in range(4)]
        for d in descs:
            d.wait()

        @plsc.parallel_loop(0, CHUNK, unroll=8)
        def _edge(e):
            wv = w_v[pl.ds(e, 16)]
            wb = wv.at[zl].get(mode="promise_in_bounds")
            for k in range(fdim // 16):
                rows[e, pl.ds(k * 16, 16)] = rows[e, pl.ds(k * 16, 16)] * wb

        dsc = [pltpu.async_copy(rows.at[pl.ds(j * 128, 128)],
                                acc.at[dst_v.at[j]], sem, add=True)
               for j in range(4)]
        for d in dsc:
            d.wait()

    plsc.subcore_barrier()
    pltpu.sync_copy(acc.at[pl.ds(s * NROW, NROW)],
                    nh_out.at[c, pl.ds(s * NROW, NROW)])


def _aggregate(fdim, srcg, dst2d, w, table2d):
    mesh = plsc.VectorSubcoreMesh(core_axis_name="c", subcore_axis_name="s",
                                  num_cores=NC, num_subcores=NS)
    zeros2d = jnp.zeros((N_PAD, fdim), jnp.float32)
    f = functools.partial(
        pl.kernel, functools.partial(_agg_body, fdim),
        out_type=jax.ShapeDtypeStruct((NC, N_PAD, fdim), jnp.float32),
        mesh=mesh,
        scratch_types=[
            pltpu.VMEM((4, 128), jnp.int32),
            pltpu.VMEM((4, 128), jnp.int32),
            pltpu.VMEM((CHUNK + 16,), jnp.float32),
            pltpu.VMEM((CHUNK, fdim), jnp.float32),
            pltpu.SemaphoreType.DMA,
            pltpu.VMEM_SHARED((N_PAD, fdim), jnp.float32),
        ],
        compiler_params=pltpu.CompilerParams(needs_layout_passes=False,
                                             use_tc_tiling_on_sc=False))()
    return f(srcg, dst2d, w, table2d, zeros2d)


def _dense_body(ego_ref, nh0_ref, nh1_ref, den_ref, w1_ref, b1_ref, w2_ref,
                b2_ref, out_ref, norm_ref):
    nh = jnp.concatenate([nh0_ref[...], nh1_ref[...]], axis=1)
    nh = nh / jnp.maximum(den_ref[...], 1e-30)
    ego = ego_ref[...]
    a = (ego + nh) @ w1_ref[...] + b1_ref[...]
    m = (ego * nh) @ w2_ref[...] + b2_ref[...]
    out = jnp.where(a >= 0, a, 0.01 * a) + jnp.where(m >= 0, m, 0.01 * m)
    out_ref[...] = out
    nrm = jnp.sqrt(jnp.sum(out * out, axis=1, keepdims=True))
    norm_ref[...] = out / jnp.maximum(nrm, 1e-12)


def _dense_layer(ego, nh0, nh1, den2d, W1, b1, W2, b2):
    n, din = ego.shape
    dout = W1.shape[1]
    blk = 2000
    grid = n // blk
    return pl.pallas_call(
        _dense_body,
        grid=(grid,),
        in_specs=[
            pl.BlockSpec((blk, din), lambda i: (i, 0)),
            pl.BlockSpec((blk, din // 2), lambda i: (i, 0)),
            pl.BlockSpec((blk, din // 2), lambda i: (i, 0)),
            pl.BlockSpec((blk, 1), lambda i: (i, 0)),
            pl.BlockSpec((din, dout), lambda i: (0, 0)),
            pl.BlockSpec((1, dout), lambda i: (0, 0)),
            pl.BlockSpec((din, dout), lambda i: (0, 0)),
            pl.BlockSpec((1, dout), lambda i: (0, 0)),
        ],
        out_specs=(pl.BlockSpec((blk, dout), lambda i: (i, 0)),
                   pl.BlockSpec((blk, dout), lambda i: (i, 0))),
        out_shape=(jax.ShapeDtypeStruct((n, dout), jnp.float32),
                   jax.ShapeDtypeStruct((n, dout), jnp.float32)),
    )(ego, nh0, nh1, den2d, W1, b1, W2, b2)


def kernel(node_ids, edge_index, edge_type, entity_user_embed,
           relation_embedding, W1_0, b1_0, W2_0, b2_0, W1_1, b1_1, W2_1, b2_1):
    src = edge_index[0].astype(jnp.int32)
    dst = edge_index[1].astype(jnp.int32)
    npad = E_PAD - N_EDGES
    padidx = (jnp.arange(npad, dtype=jnp.int32) % N_NODES)
    src_p = jnp.concatenate([src, padidx])
    dst_p = jnp.concatenate([dst, padidx])
    ety_p = jnp.concatenate(
        [edge_type.astype(jnp.int32), jnp.zeros((npad,), jnp.int32)])
    src2d = src_p.reshape(E_PAD // 128, 128)
    dst2d = dst_p.reshape(E_PAD // 128, 128)
    srcg = jnp.stack([src_p * 2, src_p * 2 + 1]).reshape(2, E_PAD // 128, 128)
    rel_pad = jnp.pad(relation_embedding, ((0, 16 - N_REL), (0, 0)))

    relc, rels = _rel_tables(rel_pad)
    w, den16 = _att_weights(src2d, dst2d, ety_p, entity_user_embed,
                            relc.reshape(-1), rels.reshape(-1))
    den = den16[0, :N_NODES, 0] + den16[1, :N_NODES, 0]

    table0 = entity_user_embed.reshape(2 * N_NODES, 32)
    nh0 = _aggregate(32, srcg, dst2d, w, table0)
    nh0 = nh0[:, :N_NODES]
    den2d = den.reshape(N_NODES, 1)
    out0, norm0 = _dense_layer(entity_user_embed, nh0[0], nh0[1], den2d,
                               W1_0, b1_0.reshape(1, -1), W2_0,
                               b2_0.reshape(1, -1))

    table1 = out0.reshape(2 * N_NODES, 16)
    nh1 = _aggregate(16, srcg, dst2d, w, table1)
    nh1 = nh1[:, :N_NODES]
    out1, norm1 = _dense_layer(out0, nh1[0], nh1[1], den2d,
                               W1_1, b1_1.reshape(1, -1), W2_1,
                               b2_1.reshape(1, -1))

    return jnp.concatenate([entity_user_embed, norm0, norm1], axis=1)

# --- scband reference (transcript-rebuilt; emitter-appended) ---
"""Pipeline reference for scband-kgat-rotat-e-55241869361805 (READ-ONLY COPY).

The authoritative reference and input builder live on the scoring server;
editing this copy changes nothing except your own understanding.
"""

import jax, jax.numpy as jnp
import numpy as np

N_NODES = 50000
N_EDGES = 800000
N_REL = 10
ENT_DIM = 32          # entity_dim; node embedding dim = 2*ENT_DIM = 64
REL_DIM = 32
GAMMA = 12.0
EPSILON = 2.0
PI = 3.1415926235897933
REL_RANGE = (GAMMA + EPSILON) / REL_DIM          # rel_embedding_range
ENT_RANGE = (GAMMA + EPSILON) / ENT_DIM * 2       # ent_embedding_range
DIMS = [64, 32, 16]   # conv_dim_list = [entity_dim*2] + [32, 16]


def setup_inputs(seed: int = 0) -> dict:
    key = jax.random.key(seed)
    ks = jax.random.split(key, 12)
    node_ids = jnp.arange(N_NODES)
    edge_index = jax.random.randint(ks[0], (2, N_EDGES), 0, N_NODES)
    edge_type = jax.random.randint(ks[1], (N_EDGES,), 0, N_REL)
    entity_user_embed = jax.random.uniform(ks[2], (N_NODES, 2 * ENT_DIM), minval=-ENT_RANGE, maxval=ENT_RANGE, dtype=jnp.float32)
    relation_embedding = jax.random.uniform(ks[3], (N_REL, REL_DIM), minval=-REL_RANGE, maxval=REL_RANGE, dtype=jnp.float32)
    # bi-interaction aggregator weights for 2 layers: 64->32, 32->16
    W1_0 = jax.random.normal(ks[4], (DIMS[0], DIMS[1]), dtype=jnp.float32) * 0.1
    b1_0 = jnp.zeros((DIMS[1],), dtype=jnp.float32)
    W2_0 = jax.random.normal(ks[5], (DIMS[0], DIMS[1]), dtype=jnp.float32) * 0.1
    b2_0 = jnp.zeros((DIMS[1],), dtype=jnp.float32)
    W1_1 = jax.random.normal(ks[6], (DIMS[1], DIMS[2]), dtype=jnp.float32) * 0.1
    b1_1 = jnp.zeros((DIMS[2],), dtype=jnp.float32)
    W2_1 = jax.random.normal(ks[7], (DIMS[1], DIMS[2]), dtype=jnp.float32) * 0.1
    b2_1 = jnp.zeros((DIMS[2],), dtype=jnp.float32)
    return {"node_ids": node_ids, "edge_index": edge_index, "edge_type": edge_type,
            "entity_user_embed": entity_user_embed, "relation_embedding": relation_embedding,
            "W1_0": W1_0, "b1_0": b1_0, "W2_0": W2_0, "b2_0": b2_0,
            "W1_1": W1_1, "b1_1": b1_1, "W2_1": W2_1, "b2_1": b2_1}


def reference(node_ids, edge_index, edge_type, entity_user_embed, relation_embedding,
              W1_0, b1_0, W2_0, b2_0, W1_1, b1_1, W2_1, b2_1):
    src = edge_index[0]
    dst = edge_index[1]

    # ---- compute_attention / att_score (RotatE scoring per edge) ----
    h = jnp.take(entity_user_embed, src, axis=0)   # [E, 64]
    t = jnp.take(entity_user_embed, dst, axis=0)   # [E, 64]
    r = jnp.take(relation_embedding, edge_type, axis=0)  # [E, 32]
    re_head, im_head = jnp.split(h, 2, axis=-1)
    re_tail, im_tail = jnp.split(t, 2, axis=-1)
    phase_relation = r / (REL_RANGE / PI)
    re_relation = jnp.cos(phase_relation)
    im_relation = jnp.sin(phase_relation)
    re_score = re_head * re_relation - im_head * im_relation - re_tail
    im_score = re_head * im_relation + im_head * re_relation - im_tail
    att = jnp.sqrt(re_score ** 2 + im_score ** 2).sum(axis=-1)  # [E]

    # ---- edge softmax over incoming edges of dst ----
    m = jax.ops.segment_max(att, dst, num_segments=N_NODES)
    e = jnp.exp(att - jnp.take(m, dst, axis=0))
    den = jax.ops.segment_sum(e, dst, num_segments=N_NODES)
    att_n = e / jnp.take(den, dst, axis=0)  # [E]

    # ---- cf_embedding with bi-interaction aggregators (dropout = identity, eval) ----
    ego = jnp.take(entity_user_embed, node_ids, axis=0)  # [N, 64]
    all_embed = [ego]
    for (W1, b1, W2, b2) in ((W1_0, b1_0, W2_0, b2_0), (W1_1, b1_1, W2_1, b2_1)):
        side = jnp.take(ego, src, axis=0) * att_n[:, None]          # u_mul_e
        N_h = jax.ops.segment_sum(side, dst, num_segments=N_NODES)  # sum aggregation
        out1 = jax.nn.leaky_relu((ego + N_h) @ W1 + b1)
        out2 = jax.nn.leaky_relu((ego * N_h) @ W2 + b2)
        out = out1 + out2
        norm_embed = out / jnp.maximum(jnp.linalg.norm(out, axis=1, keepdims=True), 1e-12)
        all_embed.append(norm_embed)
        ego = out
    return jnp.concatenate(all_embed, axis=1)  # [N, 64+32+16]

if __name__ == "__main__":
    import jax
    _d = setup_inputs()
    print(jax.jit(kernel)(*tuple(_d.values())))

</pallas_src>

<mosaic_0001>
#map = affine_map<(d0, d1) -> (0, 0, 0)>
#map1 = affine_map<(d0, d1) -> (0, 0)>
#map2 = affine_map<(d0, d1) -> (0)>
module attributes {stable_mosaic.version = 14 : i64} {
  func.func @_agg_body(%arg0: i32, %arg1: i32, %arg2: memref<2x6400x128xi32, #tpu.memory_space<hbm>>, %arg3: memref<6400x128xi32, #tpu.memory_space<hbm>>, %arg4: memref<819200xf32, #tpu.memory_space<hbm>>, %arg5: memref<100000x16xf32, #tpu.memory_space<hbm>>, %arg6: memref<50048x16xf32, #tpu.memory_space<hbm>>, %arg7: memref<2x50048x16xf32, #tpu.memory_space<hbm>>, %arg8: memref<4x128xi32, #tpu.memory_space<vmem>>, %arg9: memref<4x128xi32, #tpu.memory_space<vmem>>, %arg10: memref<528xf32, #tpu.memory_space<vmem>>, %arg11: memref<512x16xf32, #tpu.memory_space<vmem>>, %arg12: memref<!tpu.dma_semaphore, #tpu.memory_space<semaphore_mem>>, %arg13: memref<50048x16xf32, #tpu.memory_space<vmem_shared>>) attributes {dimension_semantics = [#tpu.dimension_semantics<core_parallel>, #tpu.dimension_semantics<subcore_parallel>], iteration_bounds = array<i64: 2, 16>, scalar_prefetch = 0 : i64, scratch_operands = 6 : i64, tpu.core_type = #tpu.core_type<sc_vector_subcore>, window_params = [{transform_indices = #map}, {transform_indices = #map1}, {transform_indices = #map2}, {transform_indices = #map1}, {transform_indices = #map1}, {transform_indices = #map}]} {
    %mul3A = arith.constant 3128 : i32
    %mul3A_0 = arith.muli %arg1, %mul3A : i32
    %mul3A_1 = arith.constant 3128 : i32
    %mul3A_2 = arith.muli %arg1, %mul3A_1 : i32
    "tpu.region"() ({
      %run_scoped3A = tpu.sem_alloc : memref<!tpu.dma_semaphore, #tpu.memory_space<semaphore_mem>>
      %dma_start3A = arith.constant 0 : i32
      %dma_start3A_17 = tpu.memref_slice %arg13[%mul3A_2, %dma_start3A] : memref<50048x16xf32, #tpu.memory_space<vmem_shared>> -> memref<3128x16xf32, #tpu.memory_space<vmem_shared>>
      %dma_start3A_18 = arith.constant 0 : i32
      %dma_start3A_19 = tpu.memref_slice %arg6[%mul3A_0, %dma_start3A_18] : memref<50048x16xf32, #tpu.memory_space<hbm>> -> memref<3128x16xf32, #tpu.memory_space<hbm>>
      tpu.enqueue_dma source(%dma_start3A_19 : memref<3128x16xf32, #tpu.memory_space<hbm>>) target(%dma_start3A_17 : memref<3128x16xf32, #tpu.memory_space<vmem_shared>>) target_semaphore(%run_scoped3A : memref<!tpu.dma_semaphore, #tpu.memory_space<semaphore_mem>>)
      %dma_wait3A = arith.constant 0 : i32
      %dma_wait3A_20 = tpu.memref_slice %arg13[%mul3A_2, %dma_wait3A] : memref<50048x16xf32, #tpu.memory_space<vmem_shared>> -> memref<3128x16xf32, #tpu.memory_space<vmem_shared>>
      %dma_wait3A_21 = arith.constant 0 : i32
      %dma_wait3A_22 = tpu.memref_slice %arg6[%mul3A_0, %dma_wait3A_21] : memref<50048x16xf32, #tpu.memory_space<hbm>> -> memref<3128x16xf32, #tpu.memory_space<hbm>>
      tpu.wait_dma2 semaphore(%run_scoped3A : memref<!tpu.dma_semaphore, #tpu.memory_space<semaphore_mem>>) src(%dma_wait3A_22 : memref<3128x16xf32, #tpu.memory_space<hbm>>) dst(%dma_wait3A_20 : memref<3128x16xf32, #tpu.memory_space<vmem_shared>>)
      tpu.yield
    }) : () -> ()
    %barrier3A = arith.constant 0 : index
    tpu.barrier barrier_id(%barrier3A)
    %mul3A_3 = arith.constant 400 : i32
    %mul3A_4 = arith.muli %arg1, %mul3A_3 : i32
    %mul3A_5 = arith.constant 51200 : i32
    %mul3A_6 = arith.muli %arg1, %mul3A_5 : i32
    %broadcast_in_dim3A = arith.constant 0 : i32
    %broadcast_in_dim3A_7 = vector.broadcast %broadcast_in_dim3A : i32 to vector<16xi32>
    %scan3A = arith.constant 0 : i32
    %scan3A_8 = arith.constant 100 : i32
    %scan3A_9 = arith.addi %scan3A, %scan3A_8 : i32
    %scan3A_10 = arith.constant 1 : i32
    scf.for %scan3A_17 = %scan3A to %scan3A_9 step %scan3A_10  : i32 {
      %mul3A_18 = arith.constant 1 : i32
      %mul3A_19 = arith.muli %scan3A_17, %mul3A_18 : i32
      %add3A = arith.constant 0 : i32
      %add3A_20 = arith.addi %add3A, %mul3A_19 : i32
      %mul3A_21 = arith.constant 4 : i32
      %mul3A_22 = arith.muli %add3A_20, %mul3A_21 : i32
      %add3A_23 = arith.addi %mul3A_4, %mul3A_22 : i32
      %mul3A_24 = arith.constant 512 : i32
      %mul3A_25 = arith.muli %add3A_20, %mul3A_24 : i32
      %add3A_26 = arith.addi %mul3A_6, %mul3A_25 : i32
      %dma_start3A = arith.constant 0 : i32
      %dma_start3A_27 = tpu.memref_slice %arg2[%arg0, %add3A_23, %dma_start3A] : memref<2x6400x128xi32, #tpu.memory_space<hbm>> -> memref<1x4x128xi32, #tpu.memory_space<hbm>>
      %dma_start3A_28 = tpu.memref_squeeze %dma_start3A_27 : memref<1x4x128xi32, #tpu.memory_space<hbm>> -> memref<4x128xi32, #tpu.memory_space<hbm>>
      %dma_start3A_29 = arith.constant 0 : i32
      %dma_start3A_30 = tpu.memref_slice %arg2[%arg0, %add3A_23, %dma_start3A_29] : memref<2x6400x128xi32, #tpu.memory_space<hbm>> -> memref<1x4x128xi32, #tpu.memory_space<hbm>>
      %dma_start3A_31 = tpu.memref_squeeze %dma_start3A_30 : memref<1x4x128xi32, #tpu.memory_space<hbm>> -> memref<4x128xi32, #tpu.memory_space<hbm>>
      tpu.enqueue_dma source(%dma_start3A_31 : memref<4x128xi32, #tpu.memory_space<hbm>>) target(%arg8 : memref<4x128xi32, #tpu.memory_space<vmem>>) target_semaphore(%arg12 : memref<!tpu.dma_semaphore, #tpu.memory_space<semaphore_mem>>)
      %dma_start3A_32 = arith.constant 0 : i32
      %dma_start3A_33 = tpu.memref_slice %arg3[%add3A_23, %dma_start3A_32] : memref<6400x128xi32, #tpu.memory_space<hbm>> -> memref<4x128xi32, #tpu.memory_space<hbm>>
      %dma_start3A_34 = arith.constant 0 : i32
      %dma_start3A_35 = tpu.memref_slice %arg3[%add3A_23, %dma_start3A_34] : memref<6400x128xi32, #tpu.memory_space<hbm>> -> memref<4x128xi32, #tpu.memory_space<hbm>>
      tpu.enqueue_dma source(%dma_start3A_35 : memref<4x128xi32, #tpu.memory_space<hbm>>) target(%arg9 : memref<4x128xi32, #tpu.memory_space<vmem>>) target_semaphore(%arg12 : memref<!tpu.dma_semaphore, #tpu.memory_space<semaphore_mem>>)
      %dma_start3A_36 = arith.constant 0 : i32
      %dma_start3A_37 = tpu.memref_slice %arg10[%dma_start3A_36] : memref<528xf32, #tpu.memory_space<vmem>> -> memref<512xf32, #tpu.memory_space<vmem>>
      %dma_start3A_38 = tpu.memref_slice %arg4[%add3A_26] : memref<819200xf32, #tpu.memory_space<hbm>> -> memref<512xf32, #tpu.memory_space<hbm>>
      %dma_start3A_39 = arith.constant 0 : i32
      %dma_start3A_40 = tpu.memref_slice %arg10[%dma_start3A_39] : memref<528xf32, #tpu.memory_space<vmem>> -> memref<512xf32, #tpu.memory_space<vmem>>
      %dma_start3A_41 = tpu.memref_slice %arg4[%add3A_26] : memref<819200xf32, #tpu.memory_space<hbm>> -> memref<512xf32, #tpu.memory_space<hbm>>
      tpu.enqueue_dma source(%dma_start3A_41 : memref<512xf32, #tpu.memory_space<hbm>>) target(%dma_start3A_40 : memref<512xf32, #tpu.memory_space<vmem>>) target_semaphore(%arg12 : memref<!tpu.dma_semaphore, #tpu.memory_space<semaphore_mem>>)
      %dma_wait3A = arith.constant 0 : i32
      %dma_wait3A_42 = tpu.memref_slice %arg2[%arg0, %add3A_23, %dma_wait3A] : memref<2x6400x128xi32, #tpu.memory_space<hbm>> -> memref<1x4x128xi32, #tpu.memory_space<hbm>>
      %dma_wait3A_43 = tpu.memref_squeeze %dma_wait3A_42 : memref<1x4x128xi32, #tpu.memory_space<hbm>> -> memref<4x128xi32, #tpu.memory_space<hbm>>
      %dma_wait3A_44 = arith.constant 0 : i32
      %dma_wait3A_45 = tpu.memref_slice %arg2[%arg0, %add3A_23, %dma_wait3A_44] : memref<2x6400x128xi32, #tpu.memory_space<hbm>> -> memref<1x4x128xi32, #tpu.memory_space<hbm>>
      %dma_wait3A_46 = tpu.memref_squeeze %dma_wait3A_45 : memref<1x4x128xi32, #tpu.memory_space<hbm>> -> memref<4x128xi32, #tpu.memory_space<hbm>>
      tpu.wait_dma2 semaphore(%arg12 : memref<!tpu.dma_semaphore, #tpu.memory_space<semaphore_mem>>) src(%dma_wait3A_46 : memref<4x128xi32, #tpu.memory_space<hbm>>) dst(%arg8 : memref<4x128xi32, #tpu.memory_space<vmem>>)
      %dma_wait3A_47 = arith.constant 0 : i32
      %dma_wait3A_48 = tpu.memref_slice %arg3[%add3A_23, %dma_wait3A_47] : memref<6400x128xi32, #tpu.memory_space<hbm>> -> memref<4x128xi32, #tpu.memory_space<hbm>>
      %dma_wait3A_49 = arith.constant 0 : i32
      %dma_wait3A_50 = tpu.memref_slice %arg3[%add3A_23, %dma_wait3A_49] : memref<6400x128xi32, #tpu.memory_space<hbm>> -> memref<4x128xi32, #tpu.memory_space<hbm>>
      tpu.wait_dma2 semaphore(%arg12 : memref<!tpu.dma_semaphore, #tpu.memory_space<semaphore_mem>>) src(%dma_wait3A_50 : memref<4x128xi32, #tpu.memory_space<hbm>>) dst(%arg9 : memref<4x128xi32, #tpu.memory_space<vmem>>)
      %dma_wait3A_51 = arith.constant 0 : i32
      %dma_wait3A_52 = tpu.memref_slice %arg10[%dma_wait3A_51] : memref<528xf32, #tpu.memory_space<vmem>> -> memref<512xf32, #tpu.memory_space<vmem>>
      %dma_wait3A_53 = tpu.memref_slice %arg4[%add3A_26] : memref<819200xf32, #tpu.memory_space<hbm>> -> memref<512xf32, #tpu.memory_space<hbm>>
      %dma_wait3A_54 = arith.constant 0 : i32
      %dma_wait3A_55 = tpu.memref_slice %arg10[%dma_wait3A_54] : memref<528xf32, #tpu.memory_space<vmem>> -> memref<512xf32, #tpu.memory_space<vmem>>
      %dma_wait3A_56 = tpu.memref_slice %arg4[%add3A_26] : memref<819200xf32, #tpu.memory_space<hbm>> -> memref<512xf32, #tpu.memory_space<hbm>>
      tpu.wait_dma2 semaphore(%arg12 : memref<!tpu.dma_semaphore, #tpu.memory_space<semaphore_mem>>) src(%dma_wait3A_56 : memref<512xf32, #tpu.memory_space<hbm>>) dst(%dma_wait3A_55 : memref<512xf32, #tpu.memory_space<vmem>>)
      %dma_start3A_57 = arith.constant 0 : i32
      %dma_start3A_58 = arith.constant 0 : i32
      %dma_start3A_59 = arith.constant 0 : i32
      %dma_start3A_60 = tpu.memref_slice %arg11[%dma_start3A_58, %dma_start3A_59] : memref<512x16xf32, #tpu.memory_space<vmem>> -> memref<128x16xf32, #tpu.memory_space<vmem>>
      %dma_start3A_61 = arith.constant 0 : i32
      %dma_start3A_62 = tpu.memref_slice %arg8[%dma_start3A_57, %dma_start3A_61] : memref<4x128xi32, #tpu.memory_space<vmem>> -> memref<1x128xi32, #tpu.memory_space<vmem>>
      %dma_start3A_63 = tpu.memref_squeeze %dma_start3A_62 : memref<1x128xi32, #tpu.memory_space<vmem>> -> memref<128xi32, #tpu.memory_space<vmem>>
      %dma_start3A_64 = arith.constant 0 : i32
      %dma_start3A_65 = arith.constant 0 : i32
      %dma_start3A_66 = tpu.memref_slice %arg5[%dma_start3A_64, %dma_start3A_65] : memref<100000x16xf32, #tpu.memory_space<hbm>> -> memref<100000x16xf32, #tpu.memory_space<hbm>>
      tpu.enqueue_indirect_dma source(%dma_start3A_66 : memref<100000x16xf32, #tpu.memory_space<hbm>>) target(%dma_start3A_60 : memref<128x16xf32, #tpu.memory_space<vmem>>) offsets(%dma_start3A_63 : memref<128xi32, #tpu.memory_space<vmem>>) semaphore(%arg12 : memref<!tpu.dma_semaphore, #tpu.memory_space<semaphore_mem>>)
      %dma_start3A_67 = arith.constant 1 : i32
      %dma_start3A_68 = arith.constant 128 : i32
      %dma_start3A_69 = arith.constant 0 : i32
      %dma_start3A_70 = tpu.memref_slice %arg11[%dma_start3A_68, %dma_start3A_69] : memref<512x16xf32, #tpu.memory_space<vmem>> -> memref<128x16xf32, #tpu.memory_space<vmem>>
      %dma_start3A_71 = arith.constant 0 : i32
      %dma_start3A_72 = tpu.memref_slice %arg8[%dma_start3A_67, %dma_start3A_71] : memref<4x128xi32, #tpu.memory_space<vmem>> -> memref<1x128xi32, #tpu.memory_space<vmem>>
      %dma_start3A_73 = tpu.memref_squeeze %dma_start3A_72 : memref<1x128xi32, #tpu.memory_space<vmem>> -> memref<128xi32, #tpu.memory_space<vmem>>
      %dma_start3A_74 = arith.constant 0 : i32
      %dma_start3A_75 = arith.constant 0 : i32
      %dma_start3A_76 = tpu.memref_slice %arg5[%dma_start3A_74, %dma_start3A_75] : memref<100000x16xf32, #tpu.memory_space<hbm>> -> memref<100000x16xf32, #tpu.memory_space<hbm>>
      tpu.enqueue_indirect_dma source(%dma_start3A_76 : memref<100000x16xf32, #tpu.memory_space<hbm>>) target(%dma_start3A_70 : memref<128x16xf32, #tpu.memory_space<vmem>>) offsets(%dma_start3A_73 : memref<128xi32, #tpu.memory_space<vmem>>) semaphore(%arg12 : memref<!tpu.dma_semaphore, #tpu.memory_space<semaphore_mem>>)
      %dma_start3A_77 = arith.constant 2 : i32
      %dma_start3A_78 = arith.constant 256 : i32
      %dma_start3A_79 = arith.constant 0 : i32
      %dma_start3A_80 = tpu.memref_slice %arg11[%dma_start3A_78, %dma_start3A_79] : memref<512x16xf32, #tpu.memory_space<vmem>> -> memref<128x16xf32, #tpu.memory_space<vmem>>
      %dma_start3A_81 = arith.constant 0 : i32
      %dma_start3A_82 = tpu.memref_slice %arg8[%dma_start3A_77, %dma_start3A_81] : memref<4x128xi32, #tpu.memory_space<vmem>> -> memref<1x128xi32, #tpu.memory_space<vmem>>
      %dma_start3A_83 = tpu.memref_squeeze %dma_start3A_82 : memref<1x128xi32, #tpu.memory_space<vmem>> -> memref<128xi32, #tpu.memory_space<vmem>>
      %dma_start3A_84 = arith.constant 0 : i32
      %dma_start3A_85 = arith.constant 0 : i32
      %dma_start3A_86 = tpu.memref_slice %arg5[%dma_start3A_84, %dma_start3A_85] : memref<100000x16xf32, #tpu.memory_space<hbm>> -> memref<100000x16xf32, #tpu.memory_space<hbm>>
      tpu.enqueue_indirect_dma source(%dma_start3A_86 : memref<100000x16xf32, #tpu.memory_space<hbm>>) target(%dma_start3A_80 : memref<128x16xf32, #tpu.memory_space<vmem>>) offsets(%dma_start3A_83 : memref<128xi32, #tpu.memory_space<vmem>>) semaphore(%arg12 : memref<!tpu.dma_semaphore, #tpu.memory_space<semaphore_mem>>)
      %dma_start3A_87 = arith.constant 3 : i32
      %dma_start3A_88 = arith.constant 384 : i32
      %dma_start3A_89 = arith.constant 0 : i32
      %dma_start3A_90 = tpu.memref_slice %arg11[%dma_start3A_88, %dma_start3A_89] : memref<512x16xf32, #tpu.memory_space<vmem>> -> memref<128x16xf32, #tpu.memory_space<vmem>>
      %dma_start3A_91 = arith.constant 0 : i32
      %dma_start3A_92 = tpu.memref_slice %arg8[%dma_start3A_87, %dma_start3A_91] : memref<4x128xi32, #tpu.memory_space<vmem>> -> memref<1x128xi32, #tpu.memory_space<vmem>>
      %dma_start3A_93 = tpu.memref_squeeze %dma_start3A_92 : memref<1x128xi32, #tpu.memory_space<vmem>> -> memref<128xi32, #tpu.memory_space<vmem>>
      %dma_start3A_94 = arith.constant 0 : i32
      %dma_start3A_95 = arith.constant 0 : i32
      %dma_start3A_96 = tpu.memref_slice %arg5[%dma_start3A_94, %dma_start3A_95] : memref<100000x16xf32, #tpu.memory_space<hbm>> -> memref<100000x16xf32, #tpu.memory_space<hbm>>
      tpu.enqueue_indirect_dma source(%dma_start3A_96 : memref<100000x16xf32, #tpu.memory_space<hbm>>) target(%dma_start3A_90 : memref<128x16xf32, #tpu.memory_space<vmem>>) offsets(%dma_start3A_93 : memref<128xi32, #tpu.memory_space<vmem>>) semaphore(%arg12 : memref<!tpu.dma_semaphore, #tpu.memory_space<semaphore_mem>>)
      %dma_wait3A_97 = arith.constant 0 : i32
      %dma_wait3A_98 = arith.constant 0 : i32
      %dma_wait3A_99 = arith.constant 0 : i32
      %dma_wait3A_100 = tpu.memref_slice %arg11[%dma_wait3A_98, %dma_wait3A_99] : memref<512x16xf32, #tpu.memory_space<vmem>> -> memref<128x16xf32, #tpu.memory_space<vmem>>
      %dma_wait3A_101 = arith.constant 0 : i32
      %dma_wait3A_102 = tpu.memref_slice %arg8[%dma_wait3A_97, %dma_wait3A_101] : memref<4x128xi32, #tpu.memory_space<vmem>> -> memref<1x128xi32, #tpu.memory_space<vmem>>
      %dma_wait3A_103 = tpu.memref_squeeze %dma_wait3A_102 : memref<1x128xi32, #tpu.memory_space<vmem>> -> memref<128xi32, #tpu.memory_space<vmem>>
      %dma_wait3A_104 = arith.constant 0 : i32
      %dma_wait3A_105 = arith.constant 0 : i32
      %dma_wait3A_106 = tpu.memref_slice %arg5[%dma_wait3A_104, %dma_wait3A_105] : memref<100000x16xf32, #tpu.memory_space<hbm>> -> memref<100000x16xf32, #tpu.memory_space<hbm>>
      tpu.wait_indirect_dma semaphore(%arg12 : memref<!tpu.dma_semaphore, #tpu.memory_space<semaphore_mem>>) src(%dma_wait3A_106 : memref<100000x16xf32, #tpu.memory_space<hbm>>) dst(%dma_wait3A_100 : memref<128x16xf32, #tpu.memory_space<vmem>>)
      %dma_wait3A_107 = arith.constant 1 : i32
      %dma_wait3A_108 = arith.constant 128 : i32
      %dma_wait3A_109 = arith.constant 0 : i32
      %dma_wait3A_110 = tpu.memref_slice %arg11[%dma_wait3A_108, %dma_wait3A_109] : memref<512x16xf32, #tpu.memory_space<vmem>> -> memref<128x16xf32, #tpu.memory_space<vmem>>
      %dma_wait3A_111 = arith.constant 0 : i32
      %dma_wait3A_112 = tpu.memref_slice %arg8[%dma_wait3A_107, %dma_wait3A_111] : memref<4x128xi32, #tpu.memory_space<vmem>> -> memref<1x128xi32, #tpu.memory_space<vmem>>
      %dma_wait3A_113 = tpu.memref_squeeze %dma_wait3A_112 : memref<1x128xi32, #tpu.memory_space<vmem>> -> memref<128xi32, #tpu.memory_space<vmem>>
      %dma_wait3A_114 = arith.constant 0 : i32
      %dma_wait3A_115 = arith.constant 0 : i32
      %dma_wait3A_116 = tpu.memref_slice %arg5[%dma_wait3A_114, %dma_wait3A_115] : memref<100000x16xf32, #tpu.memory_space<hbm>> -> memref<100000x16xf32, #tpu.memory_space<hbm>>
      tpu.wait_indirect_dma semaphore(%arg12 : memref<!tpu.dma_semaphore, #tpu.memory_space<semaphore_mem>>) src(%dma_wait3A_116 : memref<100000x16xf32, #tpu.memory_space<hbm>>) dst(%dma_wait3A_110 : memref<128x16xf32, #tpu.memory_space<vmem>>)
      %dma_wait3A_117 = arith.constant 2 : i32
      %dma_wait3A_118 = arith.constant 256 : i32
      %dma_wait3A_119 = arith.constant 0 : i32
      %dma_wait3A_120 = tpu.memref_slice %arg11[%dma_wait3A_118, %dma_wait3A_119] : memref<512x16xf32, #tpu.memory_space<vmem>> -> memref<128x16xf32, #tpu.memory_space<vmem>>
      %dma_wait3A_121 = arith.constant 0 : i32
      %dma_wait3A_122 = tpu.memref_slice %arg8[%dma_wait3A_117, %dma_wait3A_121] : memref<4x128xi32, #tpu.memory_space<vmem>> -> memref<1x128xi32, #tpu.memory_space<vmem>>
      %dma_wait3A_123 = tpu.memref_squeeze %dma_wait3A_122 : memref<1x128xi32, #tpu.memory_space<vmem>> -> memref<128xi32, #tpu.memory_space<vmem>>
      %dma_wait3A_124 = arith.constant 0 : i32
      %dma_wait3A_125 = arith.constant 0 : i32
      %dma_wait3A_126 = tpu.memref_slice %arg5[%dma_wait3A_124, %dma_wait3A_125] : memref<100000x16xf32, #tpu.memory_space<hbm>> -> memref<100000x16xf32, #tpu.memory_space<hbm>>
      tpu.wait_indirect_dma semaphore(%arg12 : memref<!tpu.dma_semaphore, #tpu.memory_space<semaphore_mem>>) src(%dma_wait3A_126 : memref<100000x16xf32, #tpu.memory_space<hbm>>) dst(%dma_wait3A_120 : memref<128x16xf32, #tpu.memory_space<vmem>>)
      %dma_wait3A_127 = arith.constant 3 : i32
      %dma_wait3A_128 = arith.constant 384 : i32
      %dma_wait3A_129 = arith.constant 0 : i32
      %dma_wait3A_130 = tpu.memref_slice %arg11[%dma_wait3A_128, %dma_wait3A_129] : memref<512x16xf32, #tpu.memory_space<vmem>> -> memref<128x16xf32, #tpu.memory_space<vmem>>
      %dma_wait3A_131 = arith.constant 0 : i32
      %dma_wait3A_132 = tpu.memref_slice %arg8[%dma_wait3A_127, %dma_wait3A_131] : memref<4x128xi32, #tpu.memory_space<vmem>> -> memref<1x128xi32, #tpu.memory_space<vmem>>
      %dma_wait3A_133 = tpu.memref_squeeze %dma_wait3A_132 : memref<1x128xi32, #tpu.memory_space<vmem>> -> memref<128xi32, #tpu.memory_space<vmem>>
      %dma_wait3A_134 = arith.constant 0 : i32
      %dma_wait3A_135 = arith.constant 0 : i32
      %dma_wait3A_136 = tpu.memref_slice %arg5[%dma_wait3A_134, %dma_wait3A_135] : memref<100000x16xf32, #tpu.memory_space<hbm>> -> memref<100000x16xf32, #tpu.memory_space<hbm>>
      tpu.wait_indirect_dma semaphore(%arg12 : memref<!tpu.dma_semaphore, #tpu.memory_space<semaphore_mem>>) src(%dma_wait3A_136 : memref<100000x16xf32, #tpu.memory_space<hbm>>) dst(%dma_wait3A_130 : memref<128x16xf32, #tpu.memory_space<vmem>>)
      %parallel_loop3A = arith.constant 0 : i32
      %parallel_loop3A_137 = arith.constant 512 : i32
      %parallel_loop3A_138 = arith.constant 1 : i32
      scf.for %parallel_loop3A_219 = %parallel_loop3A to %parallel_loop3A_137 step %parallel_loop3A_138  : i32 {
        %parallel_loop3A_220 = arith.index_cast %parallel_loop3A_219 : i32 to index
        %parallel_loop3A_221 = tpu.vector_load %arg10[%parallel_loop3A_220] {strides = array<i32>} : memref<528xf32, #tpu.memory_space<vmem>>, vector<16xf32>,
        %parallel_loop3A_222 = arith.constant 0 : i32
        %parallel_loop3A_223 = vector.broadcast %parallel_loop3A_222 : i32 to vector<16xi32>
        %parallel_loop3A_224 = arith.cmpi slt, %broadcast_in_dim3A_7, %parallel_loop3A_223 : vector<16xi32>
        %parallel_loop3A_225 = arith.constant 16 : i32
        %parallel_loop3A_226 = vector.broadcast %parallel_loop3A_225 : i32 to vector<16xi32>
        %parallel_loop3A_227 = arith.addi %broadcast_in_dim3A_7, %parallel_loop3A_226 : vector<16xi32>
        %parallel_loop3A_228 = arith.select %parallel_loop3A_224, %parallel_loop3A_227, %broadcast_in_dim3A_7 : vector<16xi1>, vector<16xi32>
        %parallel_loop3A_229 = vector.shape_cast %parallel_loop3A_228 : vector<16xi32> to vector<16x1xi32>
        %parallel_loop3A_230 = vector.shape_cast %parallel_loop3A_229 : vector<16x1xi32> to vector<16xi32>
        %parallel_loop3A_231 = tpu.dynamic_gather %parallel_loop3A_221[%parallel_loop3A_230] in [0] : vector<16xf32>, vector<16xi32> -> vector<16xf32>
        %parallel_loop3A_232 = arith.index_cast %parallel_loop3A_219 : i32 to index
        %parallel_loop3A_233 = arith.constant 0 : index
        %parallel_loop3A_234 = tpu.vector_load %arg11[%parallel_loop3A_232, %parallel_loop3A_233] {strides = array<i32>} : memref<512x16xf32, #tpu.memory_space<vmem>>, vector<16xf32>,
        %parallel_loop3A_235 = arith.mulf %parallel_loop3A_234, %parallel_loop3A_231 : vector<16xf32>
        %parallel_loop3A_236 = arith.index_cast %parallel_loop3A_219 : i32 to index
        %parallel_loop3A_237 = arith.constant 0 : index
        %parallel_loop3A_238 = tpu.vector_load %arg11[%parallel_loop3A_236, %parallel_loop3A_237] {strides = array<i32>} : memref<512x16xf32, #tpu.memory_space<vmem>>, vector<16xf32>,
        tpu.vector_store %arg11[%parallel_loop3A_236, %parallel_loop3A_237], %parallel_loop3A_235 {strides = array<i32>} : memref<512x16xf32, #tpu.memory_space<vmem>>, vector<16xf32>,
      } {sc.loop_unroll_factor = 8 : i64, sc.parallel_access}
      %dma_start3A_139 = arith.constant 0 : i32
      %dma_start3A_140 = arith.constant 0 : i32
      %dma_start3A_141 = arith.constant 0 : i32
      %dma_start3A_142 = tpu.memref_slice %arg11[%dma_start3A_140, %dma_start3A_141] : memref<512x16xf32, #tpu.memory_space<vmem>> -> memref<128x16xf32, #tpu.memory_space<vmem>>
      %dma_start3A_143 = arith.constant 0 : i32
      %dma_start3A_144 = tpu.memref_slice %arg9[%dma_start3A_139, %dma_start3A_143] : memref<4x128xi32, #tpu.memory_space<vmem>> -> memref<1x128xi32, #tpu.memory_space<vmem>>
      %dma_start3A_145 = tpu.memref_squeeze %dma_start3A_144 : memref<1x128xi32, #tpu.memory_space<vmem>> -> memref<128xi32, #tpu.memory_space<vmem>>
      %dma_start3A_146 = arith.constant 0 : i32
      %dma_start3A_147 = arith.constant 0 : i32
      %dma_start3A_148 = tpu.memref_slice %arg13[%dma_start3A_146, %dma_start3A_147] : memref<50048x16xf32, #tpu.memory_space<vmem_shared>> -> memref<50048x16xf32, #tpu.memory_space<vmem_shared>>
      tpu.enqueue_indirect_dma source(%dma_start3A_142 : memref<128x16xf32, #tpu.memory_space<vmem>>) target(%dma_start3A_148 : memref<50048x16xf32, #tpu.memory_space<vmem_shared>>) offsets(%dma_start3A_145 : memref<128xi32, #tpu.memory_space<vmem>>) semaphore(%arg12 : memref<!tpu.dma_semaphore, #tpu.memory_space<semaphore_mem>>) {add = true}
      %dma_start3A_149 = arith.constant 1 : i32
      %dma_start3A_150 = arith.constant 128 : i32
      %dma_start3A_151 = arith.constant 0 : i32
      %dma_start3A_152 = tpu.memref_slice %arg11[%dma_start3A_150, %dma_start3A_151] : memref<512x16xf32, #tpu.memory_space<vmem>> -> memref<128x16xf32, #tpu.memory_space<vmem>>
      %dma_start3A_153 = arith.constant 0 : i32
      %dma_start3A_154 = tpu.memref_slice %arg9[%dma_start3A_149, %dma_start3A_153] : memref<4x128xi32, #tpu.memory_space<vmem>> -> memref<1x128xi32, #tpu.memory_space<vmem>>
      %dma_start3A_155 = tpu.memref_squeeze %dma_start3A_154 : memref<1x128xi32, #tpu.memory_space<vmem>> -> memref<128xi32, #tpu.memory_space<vmem>>
      %dma_start3A_156 = arith.constant 0 : i32
      %dma_start3A_157 = arith.constant 0 : i32
      %dma_start3A_158 = tpu.memref_slice %arg13[%dma_start3A_156, %dma_start3A_157] : memref<50048x16xf32, #tpu.memory_space<vmem_shared>> -> memref<50048x16xf32, #tpu.memory_space<vmem_shared>>
      tpu.enqueue_indirect_dma source(%dma_start3A_152 : memref<128x16xf32, #tpu.memory_space<vmem>>) target(%dma_start3A_158 : memref<50048x16xf32, #tpu.memory_space<vmem_shared>>) offsets(%dma_start3A_155 : memref<128xi32, #tpu.memory_space<vmem>>) semaphore(%arg12 : memref<!tpu.dma_semaphore, #tpu.memory_space<semaphore_mem>>) {add = true}
      %dma_start3A_159 = arith.constant 2 : i32
      %dma_start3A_160 = arith.constant 256 : i32
      %dma_start3A_161 = arith.constant 0 : i32
      %dma_start3A_162 = tpu.memref_slice %arg11[%dma_start3A_160, %dma_start3A_161] : memref<512x16xf32, #tpu.memory_space<vmem>> -> memref<128x16xf32, #tpu.memory_space<vmem>>
      %dma_start3A_163 = arith.constant 0 : i32
      %dma_start3A_164 = tpu.memref_slice %arg9[%dma_start3A_159, %dma_start3A_163] : memref<4x128xi32, #tpu.memory_space<vmem>> -> memref<1x128xi32, #tpu.memory_space<vmem>>
      %dma_start3A_165 = tpu.memref_squeeze %dma_start3A_164 : memref<1x128xi32, #tpu.memory_space<vmem>> -> memref<128xi32, #tpu.memory_space<vmem>>
      %dma_start3A_166 = arith.constant 0 : i32
      %dma_start3A_167 = arith.constant 0 : i32
      %dma_start3A_168 = tpu.memref_slice %arg13[%dma_start3A_166, %dma_start3A_167] : memref<50048x16xf32, #tpu.memory_space<vmem_shared>> -> memref<50048x16xf32, #tpu.memory_space<vmem_shared>>
      tpu.enqueue_indirect_dma source(%dma_start3A_162 : memref<128x16xf32, #tpu.memory_space<vmem>>) target(%dma_start3A_168 : memref<50048x16xf32, #tpu.memory_space<vmem_shared>>) offsets(%dma_start3A_165 : memref<128xi32, #tpu.memory_space<vmem>>) semaphore(%arg12 : memref<!tpu.dma_semaphore, #tpu.memory_space<semaphore_mem>>) {add = true}
      %dma_start3A_169 = arith.constant 3 : i32
      %dma_start3A_170 = arith.constant 384 : i32
      %dma_start3A_171 = arith.constant 0 : i32
      %dma_start3A_172 = tpu.memref_slice %arg11[%dma_start3A_170, %dma_start3A_171] : memref<512x16xf32, #tpu.memory_space<vmem>> -> memref<128x16xf32, #tpu.memory_space<vmem>>
      %dma_start3A_173 = arith.constant 0 : i32
      %dma_start3A_174 = tpu.memref_slice %arg9[%dma_start3A_169, %dma_start3A_173] : memref<4x128xi32, #tpu.memory_space<vmem>> -> memref<1x128xi32, #tpu.memory_space<vmem>>
      %dma_start3A_175 = tpu.memref_squeeze %dma_start3A_174 : memref<1x128xi32, #tpu.memory_space<vmem>> -> memref<128xi32, #tpu.memory_space<vmem>>
      %dma_start3A_176 = arith.constant 0 : i32
      %dma_start3A_177 = arith.constant 0 : i32
      %dma_start3A_178 = tpu.memref_slice %arg13[%dma_start3A_176, %dma_start3A_177] : memref<50048x16xf32, #tpu.memory_space<vmem_shared>> -> memref<50048x16xf32, #tpu.memory_space<vmem_shared>>
      tpu.enqueue_indirect_dma source(%dma_start3A_172 : memref<128x16xf32, #tpu.memory_space<vmem>>) target(%dma_start3A_178 : memref<50048x16xf32, #tpu.memory_space<vmem_shared>>) offsets(%dma_start3A_175 : memref<128xi32, #tpu.memory_space<vmem>>) semaphore(%arg12 : memref<!tpu.dma_semaphore, #tpu.memory_space<semaphore_mem>>) {add = true}
      %dma_wait3A_179 = arith.constant 0 : i32
      %dma_wait3A_180 = arith.constant 0 : i32
      %dma_wait3A_181 = arith.constant 0 : i32
      %dma_wait3A_182 = tpu.memref_slice %arg11[%dma_wait3A_180, %dma_wait3A_181] : memref<512x16xf32, #tpu.memory_space<vmem>> -> memref<128x16xf32, #tpu.memory_space<vmem>>
      %dma_wait3A_183 = arith.constant 0 : i32
      %dma_wait3A_184 = tpu.memref_slice %arg9[%dma_wait3A_179, %dma_wait3A_183] : memref<4x128xi32, #tpu.memory_space<vmem>> -> memref<1x128xi32, #tpu.memory_space<vmem>>
      %dma_wait3A_185 = tpu.memref_squeeze %dma_wait3A_184 : memref<1x128xi32, #tpu.memory_space<vmem>> -> memref<128xi32, #tpu.memory_space<vmem>>
      %dma_wait3A_186 = arith.constant 0 : i32
      %dma_wait3A_187 = arith.constant 0 : i32
      %dma_wait3A_188 = tpu.memref_slice %arg13[%dma_wait3A_186, %dma_wait3A_187] : memref<50048x16xf32, #tpu.memory_space<vmem_shared>> -> memref<50048x16xf32, #tpu.memory_space<vmem_shared>>
      tpu.wait_indirect_dma semaphore(%arg12 : memref<!tpu.dma_semaphore, #tpu.memory_space<semaphore_mem>>) src(%dma_wait3A_182 : memref<128x16xf32, #tpu.memory_space<vmem>>) dst(%dma_wait3A_188 : memref<50048x16xf32, #tpu.memory_space<vmem_shared>>)
      %dma_wait3A_189 = arith.constant 1 : i32
      %dma_wait3A_190 = arith.constant 128 : i32
      %dma_wait3A_191 = arith.constant 0 : i32
      %dma_wait3A_192 = tpu.memref_slice %arg11[%dma_wait3A_190, %dma_wait3A_191] : memref<512x16xf32, #tpu.memory_space<vmem>> -> memref<128x16xf32, #tpu.memory_space<vmem>>
      %dma_wait3A_193 = arith.constant 0 : i32
      %dma_wait3A_194 = tpu.memref_slice %arg9[%dma_wait3A_189, %dma_wait3A_193] : memref<4x128xi32, #tpu.memory_space<vmem>> -> memref<1x128xi32, #tpu.memory_space<vmem>>
      %dma_wait3A_195 = tpu.memref_squeeze %dma_wait3A_194 : memref<1x128xi32, #tpu.memory_space<vmem>> -> memref<128xi32, #tpu.memory_space<vmem>>
      %dma_wait3A_196 = arith.constant 0 : i32
      %dma_wait3A_197 = arith.constant 0 : i32
      %dma_wait3A_198 = tpu.memref_slice %arg13[%dma_wait3A_196, %dma_wait3A_197] : memref<50048x16xf32, #tpu.memory_space<vmem_shared>> -> memref<50048x16xf32, #tpu.memory_space<vmem_shared>>
      tpu.wait_indirect_dma semaphore(%arg12 : memref<!tpu.dma_semaphore, #tpu.memory_space<semaphore_mem>>) src(%dma_wait3A_192 : memref<128x16xf32, #tpu.memory_space<vmem>>) dst(%dma_wait3A_198 : memref<50048x16xf32, #tpu.memory_space<vmem_shared>>)
      %dma_wait3A_199 = arith.constant 2 : i32
      %dma_wait3A_200 = arith.constant 256 : i32
      %dma_wait3A_201 = arith.constant 0 : i32
      %dma_wait3A_202 = tpu.memref_slice %arg11[%dma_wait3A_200, %dma_wait3A_201] : memref<512x16xf32, #tpu.memory_space<vmem>> -> memref<128x16xf32, #tpu.memory_space<vmem>>
      %dma_wait3A_203 = arith.constant 0 : i32
      %dma_wait3A_204 = tpu.memref_slice %arg9[%dma_wait3A_199, %dma_wait3A_203] : memref<4x128xi32, #tpu.memory_space<vmem>> -> memref<1x128xi32, #tpu.memory_space<vmem>>
      %dma_wait3A_205 = tpu.memref_squeeze %dma_wait3A_204 : memref<1x128xi32, #tpu.memory_space<vmem>> -> memref<128xi32, #tpu.memory_space<vmem>>
      %dma_wait3A_206 = arith.constant 0 : i32
      %dma_wait3A_207 = arith.constant 0 : i32
      %dma_wait3A_208 = tpu.memref_slice %arg13[%dma_wait3A_206, %dma_wait3A_207] : memref<50048x16xf32, #tpu.memory_space<vmem_shared>> -> memref<50048x16xf32, #tpu.memory_space<vmem_shared>>
      tpu.wait_indirect_dma semaphore(%arg12 : memref<!tpu.dma_semaphore, #tpu.memory_space<semaphore_mem>>) src(%dma_wait3A_202 : memref<128x16xf32, #tpu.memory_space<vmem>>) dst(%dma_wait3A_208 : memref<50048x16xf32, #tpu.memory_space<vmem_shared>>)
      %dma_wait3A_209 = arith.constant 3 : i32
      %dma_wait3A_210 = arith.constant 384 : i32
      %dma_wait3A_211 = arith.constant 0 : i32
      %dma_wait3A_212 = tpu.memref_slice %arg11[%dma_wait3A_210, %dma_wait3A_211] : memref<512x16xf32, #tpu.memory_space<vmem>> -> memref<128x16xf32, #tpu.memory_space<vmem>>
      %dma_wait3A_213 = arith.constant 0 : i32
      %dma_wait3A_214 = tpu.memref_slice %arg9[%dma_wait3A_209, %dma_wait3A_213] : memref<4x128xi32, #tpu.memory_space<vmem>> -> memref<1x128xi32, #tpu.memory_space<vmem>>
      %dma_wait3A_215 = tpu.memref_squeeze %dma_wait3A_214 : memref<1x128xi32, #tpu.memory_space<vmem>> -> memref<128xi32, #tpu.memory_space<vmem>>
      %dma_wait3A_216 = arith.constant 0 : i32
      %dma_wait3A_217 = arith.constant 0 : i32
      %dma_wait3A_218 = tpu.memref_slice %arg13[%dma_wait3A_216, %dma_wait3A_217] : memref<50048x16xf32, #tpu.memory_space<vmem_shared>> -> memref<50048x16xf32, #tpu.memory_space<vmem_shared>>
      tpu.wait_indirect_dma semaphore(%arg12 : memref<!tpu.dma_semaphore, #tpu.memory_space<semaphore_mem>>) src(%dma_wait3A_212 : memref<128x16xf32, #tpu.memory_space<vmem>>) dst(%dma_wait3A_218 : memref<50048x16xf32, #tpu.memory_space<vmem_shared>>)
    }
    %scan3A_11 = arith.constant 100 : i32
    %barrier3A_12 = arith.constant 0 : index
    tpu.barrier barrier_id(%barrier3A_12)
    %mul3A_13 = arith.constant 3128 : i32
    %mul3A_14 = arith.muli %arg1, %mul3A_13 : i32
    %mul3A_15 = arith.constant 3128 : i32
    %mul3A_16 = arith.muli %arg1, %mul3A_15 : i32
    "tpu.region"() ({
      %run_scoped3A = tpu.sem_alloc : memref<!tpu.dma_semaphore, #tpu.memory_space<semaphore_mem>>
      %dma_start3A = arith.constant 0 : i32
      %dma_start3A_17 = tpu.memref_slice %arg7[%arg0, %mul3A_16, %dma_start3A] : memref<2x50048x16xf32, #tpu.memory_space<hbm>> -> memref<1x3128x16xf32, #tpu.memory_space<hbm>>
      %dma_start3A_18 = tpu.memref_squeeze %dma_start3A_17 : memref<1x3128x16xf32, #tpu.memory_space<hbm>> -> memref<3128x16xf32, #tpu.memory_space<hbm>>
      %dma_start3A_19 = arith.constant 0 : i32
      %dma_start3A_20 = tpu.memref_slice %arg13[%mul3A_14, %dma_start3A_19] : memref<50048x16xf32, #tpu.memory_space<vmem_shared>> -> memref<3128x16xf32, #tpu.memory_space<vmem_shared>>
      tpu.enqueue_dma source(%dma_start3A_20 : memref<3128x16xf32, #tpu.memory_space<vmem_shared>>) target(%dma_start3A_18 : memref<3128x16xf32, #tpu.memory_space<hbm>>) target_semaphore(%run_scoped3A : memref<!tpu.dma_semaphore, #tpu.memory_space<semaphore_mem>>)
      %dma_wait3A = arith.constant 0 : i32
      %dma_wait3A_21 = tpu.memref_slice %arg7[%arg0, %mul3A_16, %dma_wait3A] : memref<2x50048x16xf32, #tpu.memory_space<hbm>> -> memref<1x3128x16xf32, #tpu.memory_space<hbm>>
      %dma_wait3A_22 = tpu.memref_squeeze %dma_wait3A_21 : memref<1x3128x16xf32, #tpu.memory_space<hbm>> -> memref<3128x16xf32, #tpu.memory_space<hbm>>
      %dma_wait3A_23 = arith.constant 0 : i32
      %dma_wait3A_24 = tpu.memref_slice %arg13[%mul3A_14, %dma_wait3A_23] : memref<50048x16xf32, #tpu.memory_space<vmem_shared>> -> memref<3128x16xf32, #tpu.memory_space<vmem_shared>>
      tpu.wait_dma2 semaphore(%run_scoped3A : memref<!tpu.dma_semaphore, #tpu.memory_space<semaphore_mem>>) src(%dma_wait3A_24 : memref<3128x16xf32, #tpu.memory_space<vmem_shared>>) dst(%dma_wait3A_22 : memref<3128x16xf32, #tpu.memory_space<hbm>>)
      tpu.yield
    }) : () -> ()
    return
  }
}

#map = affine_map<(d0, d1) -> (0, 0)>
#map1 = affine_map<(d0, d1) -> (0)>
#map2 = affine_map<(d0, d1) -> (0, 0, 0)>
module attributes {stable_mosaic.version = 14 : i64} {
  func.func @_att_body(%arg0: i32, %arg1: i32, %arg2: memref<6400x128xi32, #tpu.memory_space<hbm>>, %arg3: memref<6400x128xi32, #tpu.memory_space<hbm>>, %arg4: memref<819200xi32, #tpu.memory_space<hbm>>, %arg5: memref<50000x64xf32, #tpu.memory_space<hbm>>, %arg6: memref<512xf32, #tpu.memory_space<hbm>>, %arg7: memref<512xf32, #tpu.memory_space<hbm>>, %arg8: memref<50048x16xf32, #tpu.memory_space<hbm>>, %arg9: memref<819200xf32, #tpu.memory_space<hbm>>, %arg10: memref<2x50048x16xf32, #tpu.memory_space<hbm>>, %arg11: memref<4x128xi32, #tpu.memory_space<vmem>>, %arg12: memref<4x128xi32, #tpu.memory_space<vmem>>, %arg13: memref<528xi32, #tpu.memory_space<vmem>>, %arg14: memref<512x64xf32, #tpu.memory_space<vmem>>, %arg15: memref<512x64xf32, #tpu.memory_space<vmem>>, %arg16: memref<512xf32, #tpu.memory_space<vmem>>, %arg17: memref<512xf32, #tpu.memory_space<vmem>>, %arg18: memref<528xf32, #tpu.memory_space<vmem>>, %arg19: memref<512x16xf32, #tpu.memory_space<vmem>>, %arg20: memref<!tpu.dma_semaphore, #tpu.memory_space<semaphore_mem>>, %arg21: memref<50048x16xf32, #tpu.memory_space<vmem_shared>>) attributes {dimension_semantics = [#tpu.dimension_semantics<core_parallel>, #tpu.dimension_semantics<subcore_parallel>], iteration_bounds = array<i64: 2, 16>, scalar_prefetch = 0 : i64, scratch_operands = 11 : i64, tpu.core_type = #tpu.core_type<sc_vector_subcore>, window_params = [{transform_indices = #map}, {transform_indices = #map}, {transform_indices = #map1}, {transform_indices = #map}, {transform_indices = #map1}, {transform_indices = #map1}, {transform_indices = #map}, {transform_indices = #map1}, {transform_indices = #map2}]} {
    %mul3A = arith.constant 16 : i32
    %mul3A_0 = arith.muli %arg0, %mul3A : i32
    %add3A = arith.addi %mul3A_0, %arg1 : i32
    "tpu.region"() ({
      %run_scoped3A = tpu.sem_alloc : memref<!tpu.dma_semaphore, #tpu.memory_space<semaphore_mem>>
      tpu.enqueue_dma source(%arg6 : memref<512xf32, #tpu.memory_space<hbm>>) target(%arg16 : memref<512xf32, #tpu.memory_space<vmem>>) target_semaphore(%run_scoped3A : memref<!tpu.dma_semaphore, #tpu.memory_space<semaphore_mem>>)
      tpu.wait_dma2 semaphore(%run_scoped3A : memref<!tpu.dma_semaphore, #tpu.memory_space<semaphore_mem>>) src(%arg6 : memref<512xf32, #tpu.memory_space<hbm>>) dst(%arg16 : memref<512xf32, #tpu.memory_space<vmem>>)
      tpu.yield
    }) : () -> ()
    "tpu.region"() ({
      %run_scoped3A = tpu.sem_alloc : memref<!tpu.dma_semaphore, #tpu.memory_space<semaphore_mem>>
      tpu.enqueue_dma source(%arg7 : memref<512xf32, #tpu.memory_space<hbm>>) target(%arg17 : memref<512xf32, #tpu.memory_space<vmem>>) target_semaphore(%run_scoped3A : memref<!tpu.dma_semaphore, #tpu.memory_space<semaphore_mem>>)
      tpu.wait_dma2 semaphore(%run_scoped3A : memref<!tpu.dma_semaphore, #tpu.memory_space<semaphore_mem>>) src(%arg7 : memref<512xf32, #tpu.memory_space<hbm>>) dst(%arg17 : memref<512xf32, #tpu.memory_space<vmem>>)
      tpu.yield
    }) : () -> ()
    %mul3A_1 = arith.constant 3128 : i32
    %mul3A_2 = arith.muli %arg1, %mul3A_1 : i32
    %mul3A_3 = arith.constant 3128 : i32
    %mul3A_4 = arith.muli %arg1, %mul3A_3 : i32
    "tpu.region"() ({
      %run_scoped3A = tpu.sem_alloc : memref<!tpu.dma_semaphore, #tpu.memory_space<semaphore_mem>>
      %dma_start3A = arith.constant 0 : i32
      %dma_start3A_41 = tpu.memref_slice %arg21[%mul3A_4, %dma_start3A] : memref<50048x16xf32, #tpu.memory_space<vmem_shared>> -> memref<3128x16xf32, #tpu.memory_space<vmem_shared>>
      %dma_start3A_42 = arith.constant 0 : i32
      %dma_start3A_43 = tpu.memref_slice %arg8[%mul3A_2, %dma_start3A_42] : memref<50048x16xf32, #tpu.memory_space<hbm>> -> memref<3128x16xf32, #tpu.memory_space<hbm>>
      tpu.enqueue_dma source(%dma_start3A_43 : memref<3128x16xf32, #tpu.memory_space<hbm>>) target(%dma_start3A_41 : memref<3128x16xf32, #tpu.memory_space<vmem_shared>>) target_semaphore(%run_scoped3A : memref<!tpu.dma_semaphore, #tpu.memory_space<semaphore_mem>>)
      %dma_wait3A = arith.constant 0 : i32
      %dma_wait3A_44 = tpu.memref_slice %arg21[%mul3A_4, %dma_wait3A] : memref<50048x16xf32, #tpu.memory_space<vmem_shared>> -> memref<3128x16xf32, #tpu.memory_space<vmem_shared>>
      %dma_wait3A_45 = arith.constant 0 : i32
      %dma_wait3A_46 = tpu.memref_slice %arg8[%mul3A_2, %dma_wait3A_45] : memref<50048x16xf32, #tpu.memory_space<hbm>> -> memref<3128x16xf32, #tpu.memory_space<hbm>>
      tpu.wait_dma2 semaphore(%run_scoped3A : memref<!tpu.dma_semaphore, #tpu.memory_space<semaphore_mem>>) src(%dma_wait3A_46 : memref<3128x16xf32, #tpu.memory_space<hbm>>) dst(%dma_wait3A_44 : memref<3128x16xf32, #tpu.memory_space<vmem_shared>>)
      tpu.yield
    }) : () -> ()
    %barrier3A = arith.constant 0 : index
    tpu.barrier barrier_id(%barrier3A)
    %mul3A_5 = arith.constant 200 : i32
    %mul3A_6 = arith.muli %add3A, %mul3A_5 : i32
    %mul3A_7 = arith.constant 25600 : i32
    %mul3A_8 = arith.muli %add3A, %mul3A_7 : i32
    %iota3A = tpu.iota {dimensions = array<i32: 0>} : vector<16xi32>
    %add3A_9 = arith.constant 1 : i32
    %add3A_10 = vector.broadcast %add3A_9 : i32 to vector<16xi32>
    %add3A_11 = arith.addi %iota3A, %add3A_10 : vector<16xi32>
    %and3A = arith.constant 15 : i32
    %and3A_12 = vector.broadcast %and3A : i32 to vector<16xi32>
    %and3A_13 = arith.andi %add3A_11, %and3A_12 : vector<16xi32>
    %add3A_14 = arith.constant 2 : i32
    %add3A_15 = vector.broadcast %add3A_14 : i32 to vector<16xi32>
    %add3A_16 = arith.addi %iota3A, %add3A_15 : vector<16xi32>
    %and3A_17 = arith.constant 15 : i32
    %and3A_18 = vector.broadcast %and3A_17 : i32 to vector<16xi32>
    %and3A_19 = arith.andi %add3A_16, %and3A_18 : vector<16xi32>
    %add3A_20 = arith.constant 4 : i32
    %add3A_21 = vector.broadcast %add3A_20 : i32 to vector<16xi32>
    %add3A_22 = arith.addi %iota3A, %add3A_21 : vector<16xi32>
    %and3A_23 = arith.constant 15 : i32
    %and3A_24 = vector.broadcast %and3A_23 : i32 to vector<16xi32>
    %and3A_25 = arith.andi %add3A_22, %and3A_24 : vector<16xi32>
    %add3A_26 = arith.constant 8 : i32
    %add3A_27 = vector.broadcast %add3A_26 : i32 to vector<16xi32>
    %add3A_28 = arith.addi %iota3A, %add3A_27 : vector<16xi32>
    %and3A_29 = arith.constant 15 : i32
    %and3A_30 = vector.broadcast %and3A_29 : i32 to vector<16xi32>
    %and3A_31 = arith.andi %add3A_28, %and3A_30 : vector<16xi32>
    %scan3A = arith.constant 0 : i32
    %scan3A_32 = arith.constant 50 : i32
    %scan3A_33 = arith.addi %scan3A, %scan3A_32 : i32
    %scan3A_34 = arith.constant 1 : i32
    scf.for %scan3A_41 = %scan3A to %scan3A_33 step %scan3A_34  : i32 {
      %mul3A_42 = arith.constant 1 : i32
      %mul3A_43 = arith.muli %scan3A_41, %mul3A_42 : i32
      %add3A_44 = arith.constant 0 : i32
      %add3A_45 = arith.addi %add3A_44, %mul3A_43 : i32
      %mul3A_46 = arith.constant 4 : i32
      %mul3A_47 = arith.muli %add3A_45, %mul3A_46 : i32
      %add3A_48 = arith.addi %mul3A_6, %mul3A_47 : i32
      %mul3A_49 = arith.constant 512 : i32
      %mul3A_50 = arith.muli %add3A_45, %mul3A_49 : i32
      %add3A_51 = arith.addi %mul3A_8, %mul3A_50 : i32
      %dma_start3A = arith.constant 0 : i32
      %dma_start3A_52 = tpu.memref_slice %arg2[%add3A_48, %dma_start3A] : memref<6400x128xi32, #tpu.memory_space<hbm>> -> memref<4x128xi32, #tpu.memory_space<hbm>>
      %dma_start3A_53 = arith.constant 0 : i32
      %dma_start3A_54 = tpu.memref_slice %arg2[%add3A_48, %dma_start3A_53] : memref<6400x128xi32, #tpu.memory_space<hbm>> -> memref<4x128xi32, #tpu.memory_space<hbm>>
      tpu.enqueue_dma source(%dma_start3A_54 : memref<4x128xi32, #tpu.memory_space<hbm>>) target(%arg11 : memref<4x128xi32, #tpu.memory_space<vmem>>) target_semaphore(%arg20 : memref<!tpu.dma_semaphore, #tpu.memory_space<semaphore_mem>>)
      %dma_start3A_55 = arith.constant 0 : i32
      %dma_start3A_56 = tpu.memref_slice %arg3[%add3A_48, %dma_start3A_55] : memref<6400x128xi32, #tpu.memory_space<hbm>> -> memref<4x128xi32, #tpu.memory_space<hbm>>
      %dma_start3A_57 = arith.constant 0 : i32
      %dma_start3A_58 = tpu.memref_slice %arg3[%add3A_48, %dma_start3A_57] : memref<6400x128xi32, #tpu.memory_space<hbm>> -> memref<4x128xi32, #tpu.memory_space<hbm>>
      tpu.enqueue_dma source(%dma_start3A_58 : memref<4x128xi32, #tpu.memory_space<hbm>>) target(%arg12 : memref<4x128xi32, #tpu.memory_space<vmem>>) target_semaphore(%arg20 : memref<!tpu.dma_semaphore, #tpu.memory_space<semaphore_mem>>)
      %dma_start3A_59 = arith.constant 0 : i32
      %dma_start3A_60 = tpu.memref_slice %arg13[%dma_start3A_59] : memref<528xi32, #tpu.memory_space<vmem>> -> memref<512xi32, #tpu.memory_space<vmem>>
      %dma_start3A_61 = tpu.memref_slice %arg4[%add3A_51] : memref<819200xi32, #tpu.memory_space<hbm>> -> memref<512xi32, #tpu.memory_space<hbm>>
      %dma_start3A_62 = arith.constant 0 : i32
      %dma_start3A_63 = tpu.memref_slice %arg13[%dma_start3A_62] : memref<528xi32, #tpu.memory_space<vmem>> -> memref<512xi32, #tpu.memory_space<vmem>>
      %dma_start3A_64 = tpu.memref_slice %arg4[%add3A_51] : memref<819200xi32, #tpu.memory_space<hbm>> -> memref<512xi32, #tpu.memory_space<hbm>>
      tpu.enqueue_dma source(%dma_start3A_64 : memref<512xi32, #tpu.memory_space<hbm>>) target(%dma_start3A_63 : memref<512xi32, #tpu.memory_space<vmem>>) target_semaphore(%arg20 : memref<!tpu.dma_semaphore, #tpu.memory_space<semaphore_mem>>)
      %dma_wait3A = arith.constant 0 : i32
      %dma_wait3A_65 = tpu.memref_slice %arg2[%add3A_48, %dma_wait3A] : memref<6400x128xi32, #tpu.memory_space<hbm>> -> memref<4x128xi32, #tpu.memory_space<hbm>>
      %dma_wait3A_66 = arith.constant 0 : i32
      %dma_wait3A_67 = tpu.memref_slice %arg2[%add3A_48, %dma_wait3A_66] : memref<6400x128xi32, #tpu.memory_space<hbm>> -> memref<4x128xi32, #tpu.memory_space<hbm>>
      tpu.wait_dma2 semaphore(%arg20 : memref<!tpu.dma_semaphore, #tpu.memory_space<semaphore_mem>>) src(%dma_wait3A_67 : memref<4x128xi32, #tpu.memory_space<hbm>>) dst(%arg11 : memref<4x128xi32, #tpu.memory_space<vmem>>)
      %dma_wait3A_68 = arith.constant 0 : i32
      %dma_wait3A_69 = tpu.memref_slice %arg3[%add3A_48, %dma_wait3A_68] : memref<6400x128xi32, #tpu.memory_space<hbm>> -> memref<4x128xi32, #tpu.memory_space<hbm>>
      %dma_wait3A_70 = arith.constant 0 : i32
      %dma_wait3A_71 = tpu.memref_slice %arg3[%add3A_48, %dma_wait3A_70] : memref<6400x128xi32, #tpu.memory_space<hbm>> -> memref<4x128xi32, #tpu.memory_space<hbm>>
      tpu.wait_dma2 semaphore(%arg20 : memref<!tpu.dma_semaphore, #tpu.memory_space<semaphore_mem>>) src(%dma_wait3A_71 : memref<4x128xi32, #tpu.memory_space<hbm>>) dst(%arg12 : memref<4x128xi32, #tpu.memory_space<vmem>>)
      %dma_wait3A_72 = arith.constant 0 : i32
      %dma_wait3A_73 = tpu.memref_slice %arg13[%dma_wait3A_72] : memref<528xi32, #tpu.memory_space<vmem>> -> memref<512xi32, #tpu.memory_space<vmem>>
      %dma_wait3A_74 = tpu.memref_slice %arg4[%add3A_51] : memref<819200xi32, #tpu.memory_space<hbm>> -> memref<512xi32, #tpu.memory_space<hbm>>
      %dma_wait3A_75 = arith.constant 0 : i32
      %dma_wait3A_76 = tpu.memref_slice %arg13[%dma_wait3A_75] : memref<528xi32, #tpu.memory_space<vmem>> -> memref<512xi32, #tpu.memory_space<vmem>>
      %dma_wait3A_77 = tpu.memref_slice %arg4[%add3A_51] : memref<819200xi32, #tpu.memory_space<hbm>> -> memref<512xi32, #tpu.memory_space<hbm>>
      tpu.wait_dma2 semaphore(%arg20 : memref<!tpu.dma_semaphore, #tpu.memory_space<semaphore_mem>>) src(%dma_wait3A_77 : memref<512xi32, #tpu.memory_space<hbm>>) dst(%dma_wait3A_76 : memref<512xi32, #tpu.memory_space<vmem>>)
      %dma_start3A_78 = arith.constant 0 : i32
      %dma_start3A_79 = arith.constant 0 : i32
      %dma_start3A_80 = arith.constant 0 : i32
      %dma_start3A_81 = tpu.memref_slice %arg14[%dma_start3A_79, %dma_start3A_80] : memref<512x64xf32, #tpu.memory_space<vmem>> -> memref<128x64xf32, #tpu.memory_space<vmem>>
      %dma_start3A_82 = arith.constant 0 : i32
      %dma_start3A_83 = tpu.memref_slice %arg11[%dma_start3A_78, %dma_start3A_82] : memref<4x128xi32, #tpu.memory_space<vmem>> -> memref<1x128xi32, #tpu.memory_space<vmem>>
      %dma_start3A_84 = tpu.memref_squeeze %dma_start3A_83 : memref<1x128xi32, #tpu.memory_space<vmem>> -> memref<128xi32, #tpu.memory_space<vmem>>
      %dma_start3A_85 = arith.constant 0 : i32
      %dma_start3A_86 = arith.constant 0 : i32
      %dma_start3A_87 = tpu.memref_slice %arg5[%dma_start3A_85, %dma_start3A_86] : memref<50000x64xf32, #tpu.memory_space<hbm>> -> memref<50000x64xf32, #tpu.memory_space<hbm>>
      tpu.enqueue_indirect_dma source(%dma_start3A_87 : memref<50000x64xf32, #tpu.memory_space<hbm>>) target(%dma_start3A_81 : memref<128x64xf32, #tpu.memory_space<vmem>>) offsets(%dma_start3A_84 : memref<128xi32, #tpu.memory_space<vmem>>) semaphore(%arg20 : memref<!tpu.dma_semaphore, #tpu.memory_space<semaphore_mem>>)
      %dma_start3A_88 = arith.constant 0 : i32
      %dma_start3A_89 = arith.constant 0 : i32
      %dma_start3A_90 = arith.constant 0 : i32
      %dma_start3A_91 = tpu.memref_slice %arg15[%dma_start3A_89, %dma_start3A_90] : memref<512x64xf32, #tpu.memory_space<vmem>> -> memref<128x64xf32, #tpu.memory_space<vmem>>
      %dma_start3A_92 = arith.constant 0 : i32
      %dma_start3A_93 = tpu.memref_slice %arg12[%dma_start3A_88, %dma_start3A_92] : memref<4x128xi32, #tpu.memory_space<vmem>> -> memref<1x128xi32, #tpu.memory_space<vmem>>
      %dma_start3A_94 = tpu.memref_squeeze %dma_start3A_93 : memref<1x128xi32, #tpu.memory_space<vmem>> -> memref<128xi32, #tpu.memory_space<vmem>>
      %dma_start3A_95 = arith.constant 0 : i32
      %dma_start3A_96 = arith.constant 0 : i32
      %dma_start3A_97 = tpu.memref_slice %arg5[%dma_start3A_95, %dma_start3A_96] : memref<50000x64xf32, #tpu.memory_space<hbm>> -> memref<50000x64xf32, #tpu.memory_space<hbm>>
      tpu.enqueue_indirect_dma source(%dma_start3A_97 : memref<50000x64xf32, #tpu.memory_space<hbm>>) target(%dma_start3A_91 : memref<128x64xf32, #tpu.memory_space<vmem>>) offsets(%dma_start3A_94 : memref<128xi32, #tpu.memory_space<vmem>>) semaphore(%arg20 : memref<!tpu.dma_semaphore, #tpu.memory_space<semaphore_mem>>)
      %dma_start3A_98 = arith.constant 1 : i32
      %dma_start3A_99 = arith.constant 128 : i32
      %dma_start3A_100 = arith.constant 0 : i32
      %dma_start3A_101 = tpu.memref_slice %arg14[%dma_start3A_99, %dma_start3A_100] : memref<512x64xf32, #tpu.memory_space<vmem>> -> memref<128x64xf32, #tpu.memory_space<vmem>>
      %dma_start3A_102 = arith.constant 0 : i32
      %dma_start3A_103 = tpu.memref_slice %arg11[%dma_start3A_98, %dma_start3A_102] : memref<4x128xi32, #tpu.memory_space<vmem>> -> memref<1x128xi32, #tpu.memory_space<vmem>>
      %dma_start3A_104 = tpu.memref_squeeze %dma_start3A_103 : memref<1x128xi32, #tpu.memory_space<vmem>> -> memref<128xi32, #tpu.memory_space<vmem>>
      %dma_start3A_105 = arith.constant 0 : i32
      %dma_start3A_106 = arith.constant 0 : i32
      %dma_start3A_107 = tpu.memref_slice %arg5[%dma_start3A_105, %dma_start3A_106] : memref<50000x64xf32, #tpu.memory_space<hbm>> -> memref<50000x64xf32, #tpu.memory_space<hbm>>
      tpu.enqueue_indirect_dma source(%dma_start3A_107 : memref<50000x64xf32, #tpu.memory_space<hbm>>) target(%dma_start3A_101 : memref<128x64xf32, #tpu.memory_space<vmem>>) offsets(%dma_start3A_104 : memref<128xi32, #tpu.memory_space<vmem>>) semaphore(%arg20 : memref<!tpu.dma_semaphore, #tpu.memory_space<semaphore_mem>>)
      %dma_start3A_108 = arith.constant 1 : i32
      %dma_start3A_109 = arith.constant 128 : i32
      %dma_start3A_110 = arith.constant 0 : i32
      %dma_start3A_111 = tpu.memref_slice %arg15[%dma_start3A_109, %dma_start3A_110] : memref<512x64xf32, #tpu.memory_space<vmem>> -> memref<128x64xf32, #tpu.memory_space<vmem>>
      %dma_start3A_112 = arith.constant 0 : i32
      %dma_start3A_113 = tpu.memref_slice %arg12[%dma_start3A_108, %dma_start3A_112] : memref<4x128xi32, #tpu.memory_space<vmem>> -> memref<1x128xi32, #tpu.memory_space<vmem>>
      %dma_start3A_114 = tpu.memref_squeeze %dma_start3A_113 : memref<1x128xi32, #tpu.memory_space<vmem>> -> memref<128xi32, #tpu.memory_space<vmem>>
      %dma_start3A_115 = arith.constant 0 : i32
      %dma_start3A_116 = arith.constant 0 : i32
      %dma_start3A_117 = tpu.memref_slice %arg5[%dma_start3A_115, %dma_start3A_116] : memref<50000x64xf32, #tpu.memory_space<hbm>> -> memref<50000x64xf32, #tpu.memory_space<hbm>>
      tpu.enqueue_indirect_dma source(%dma_start3A_117 : memref<50000x64xf32, #tpu.memory_space<hbm>>) target(%dma_start3A_111 : memref<128x64xf32, #tpu.memory_space<vmem>>) offsets(%dma_start3A_114 : memref<128xi32, #tpu.memory_space<vmem>>) semaphore(%arg20 : memref<!tpu.dma_semaphore, #tpu.memory_space<semaphore_mem>>)
      %dma_start3A_118 = arith.constant 2 : i32
      %dma_start3A_119 = arith.constant 256 : i32
      %dma_start3A_120 = arith.constant 0 : i32
      %dma_start3A_121 = tpu.memref_slice %arg14[%dma_start3A_119, %dma_start3A_120] : memref<512x64xf32, #tpu.memory_space<vmem>> -> memref<128x64xf32, #tpu.memory_space<vmem>>
      %dma_start3A_122 = arith.constant 0 : i32
      %dma_start3A_123 = tpu.memref_slice %arg11[%dma_start3A_118, %dma_start3A_122] : memref<4x128xi32, #tpu.memory_space<vmem>> -> memref<1x128xi32, #tpu.memory_space<vmem>>
      %dma_start3A_124 = tpu.memref_squeeze %dma_start3A_123 : memref<1x128xi32, #tpu.memory_space<vmem>> -> memref<128xi32, #tpu.memory_space<vmem>>
      %dma_start3A_125 = arith.constant 0 : i32
      %dma_start3A_126 = arith.constant 0 : i32
      %dma_start3A_127 = tpu.memref_slice %arg5[%dma_start3A_125, %dma_start3A_126] : memref<50000x64xf32, #tpu.memory_space<hbm>> -> memref<50000x64xf32, #tpu.memory_space<hbm>>
      tpu.enqueue_indirect_dma source(%dma_start3A_127 : memref<50000x64xf32, #tpu.memory_space<hbm>>) target(%dma_start3A_121 : memref<128x64xf32, #tpu.memory_space<vmem>>) offsets(%dma_start3A_124 : memref<128xi32, #tpu.memory_space<vmem>>) semaphore(%arg20 : memref<!tpu.dma_semaphore, #tpu.memory_space<semaphore_mem>>)
      %dma_start3A_128 = arith.constant 2 : i32
      %dma_start3A_129 = arith.constant 256 : i32
      %dma_start3A_130 = arith.constant 0 : i32
      %dma_start3A_131 = tpu.memref_slice %arg15[%dma_start3A_129, %dma_start3A_130] : memref<512x64xf32, #tpu.memory_space<vmem>> -> memref<128x64xf32, #tpu.memory_space<vmem>>
      %dma_start3A_132 = arith.constant 0 : i32
      %dma_start3A_133 = tpu.memref_slice %arg12[%dma_start3A_128, %dma_start3A_132] : memref<4x128xi32, #tpu.memory_space<vmem>> -> memref<1x128xi32, #tpu.memory_space<vmem>>
      %dma_start3A_134 = tpu.memref_squeeze %dma_start3A_133 : memref<1x128xi32, #tpu.memory_space<vmem>> -> memref<128xi32, #tpu.memory_space<vmem>>
      %dma_start3A_135 = arith.constant 0 : i32
      %dma_start3A_136 = arith.constant 0 : i32
      %dma_start3A_137 = tpu.memref_slice %arg5[%dma_start3A_135, %dma_start3A_136] : memref<50000x64xf32, #tpu.memory_space<hbm>> -> memref<50000x64xf32, #tpu.memory_space<hbm>>
      tpu.enqueue_indirect_dma source(%dma_start3A_137 : memref<50000x64xf32, #tpu.memory_space<hbm>>) target(%dma_start3A_131 : memref<128x64xf32, #tpu.memory_space<vmem>>) offsets(%dma_start3A_134 : memref<128xi32, #tpu.memory_space<vmem>>) semaphore(%arg20 : memref<!tpu.dma_semaphore, #tpu.memory_space<semaphore_mem>>)
      %dma_start3A_138 = arith.constant 3 : i32
      %dma_start3A_139 = arith.constant 384 : i32
      %dma_start3A_140 = arith.constant 0 : i32
      %dma_start3A_141 = tpu.memref_slice %arg14[%dma_start3A_139, %dma_start3A_140] : memref<512x64xf32, #tpu.memory_space<vmem>> -> memref<128x64xf32, #tpu.memory_space<vmem>>
      %dma_start3A_142 = arith.constant 0 : i32
      %dma_start3A_143 = tpu.memref_slice %arg11[%dma_start3A_138, %dma_start3A_142] : memref<4x128xi32, #tpu.memory_space<vmem>> -> memref<1x128xi32, #tpu.memory_space<vmem>>
      %dma_start3A_144 = tpu.memref_squeeze %dma_start3A_143 : memref<1x128xi32, #tpu.memory_space<vmem>> -> memref<128xi32, #tpu.memory_space<vmem>>
      %dma_start3A_145 = arith.constant 0 : i32
      %dma_start3A_146 = arith.constant 0 : i32
      %dma_start3A_147 = tpu.memref_slice %arg5[%dma_start3A_145, %dma_start3A_146] : memref<50000x64xf32, #tpu.memory_space<hbm>> -> memref<50000x64xf32, #tpu.memory_space<hbm>>
      tpu.enqueue_indirect_dma source(%dma_start3A_147 : memref<50000x64xf32, #tpu.memory_space<hbm>>) target(%dma_start3A_141 : memref<128x64xf32, #tpu.memory_space<vmem>>) offsets(%dma_start3A_144 : memref<128xi32, #tpu.memory_space<vmem>>) semaphore(%arg20 : memref<!tpu.dma_semaphore, #tpu.memory_space<semaphore_mem>>)
      %dma_start3A_148 = arith.constant 3 : i32
      %dma_start3A_149 = arith.constant 384 : i32
      %dma_start3A_150 = arith.constant 0 : i32
      %dma_start3A_151 = tpu.memref_slice %arg15[%dma_start3A_149, %dma_start3A_150] : memref<512x64xf32, #tpu.memory_space<vmem>> -> memref<128x64xf32, #tpu.memory_space<vmem>>
      %dma_start3A_152 = arith.constant 0 : i32
      %dma_start3A_153 = tpu.memref_slice %arg12[%dma_start3A_148, %dma_start3A_152] : memref<4x128xi32, #tpu.memory_space<vmem>> -> memref<1x128xi32, #tpu.memory_space<vmem>>
      %dma_start3A_154 = tpu.memref_squeeze %dma_start3A_153 : memref<1x128xi32, #tpu.memory_space<vmem>> -> memref<128xi32, #tpu.memory_space<vmem>>
      %dma_start3A_155 = arith.constant 0 : i32
      %dma_start3A_156 = arith.constant 0 : i32
      %dma_start3A_157 = tpu.memref_slice %arg5[%dma_start3A_155, %dma_start3A_156] : memref<50000x64xf32, #tpu.memory_space<hbm>> -> memref<50000x64xf32, #tpu.memory_space<hbm>>
      tpu.enqueue_indirect_dma source(%dma_start3A_157 : memref<50000x64xf32, #tpu.memory_space<hbm>>) target(%dma_start3A_151 : memref<128x64xf32, #tpu.memory_space<vmem>>) offsets(%dma_start3A_154 : memref<128xi32, #tpu.memory_space<vmem>>) semaphore(%arg20 : memref<!tpu.dma_semaphore, #tpu.memory_space<semaphore_mem>>)
      %dma_wait3A_158 = arith.constant 0 : i32
      %dma_wait3A_159 = arith.constant 0 : i32
      %dma_wait3A_160 = arith.constant 0 : i32
      %dma_wait3A_161 = tpu.memref_slice %arg14[%dma_wait3A_159, %dma_wait3A_160] : memref<512x64xf32, #tpu.memory_space<vmem>> -> memref<128x64xf32, #tpu.memory_space<vmem>>
      %dma_wait3A_162 = arith.constant 0 : i32
      %dma_wait3A_163 = tpu.memref_slice %arg11[%dma_wait3A_158, %dma_wait3A_162] : memref<4x128xi32, #tpu.memory_space<vmem>> -> memref<1x128xi32, #tpu.memory_space<vmem>>
      %dma_wait3A_164 = tpu.memref_squeeze %dma_wait3A_163 : memref<1x128xi32, #tpu.memory_space<vmem>> -> memref<128xi32, #tpu.memory_space<vmem>>
      %dma_wait3A_165 = arith.constant 0 : i32
      %dma_wait3A_166 = arith.constant 0 : i32
      %dma_wait3A_167 = tpu.memref_slice %arg5[%dma_wait3A_165, %dma_wait3A_166] : memref<50000x64xf32, #tpu.memory_space<hbm>> -> memref<50000x64xf32, #tpu.memory_space<hbm>>
      tpu.wait_indirect_dma semaphore(%arg20 : memref<!tpu.dma_semaphore, #tpu.memory_space<semaphore_mem>>) src(%dma_wait3A_167 : memref<50000x64xf32, #tpu.memory_space<hbm>>) dst(%dma_wait3A_161 : memref<128x64xf32, #tpu.memory_space<vmem>>)
      %dma_wait3A_168 = arith.constant 0 : i32
      %dma_wait3A_169 = arith.constant 0 : i32
      %dma_wait3A_170 = arith.constant 0 : i32
      %dma_wait3A_171 = tpu.memref_slice %arg15[%dma_wait3A_169, %dma_wait3A_170] : memref<512x64xf32, #tpu.memory_space<vmem>> -> memref<128x64xf32, #tpu.memory_space<vmem>>
      %dma_wait3A_172 = arith.constant 0 : i32
      %dma_wait3A_173 = tpu.memref_slice %arg12[%dma_wait3A_168, %dma_wait3A_172] : memref<4x128xi32, #tpu.memory_space<vmem>> -> memref<1x128xi32, #tpu.memory_space<vmem>>
      %dma_wait3A_174 = tpu.memref_squeeze %dma_wait3A_173 : memref<1x128xi32, #tpu.memory_space<vmem>> -> memref<128xi32, #tpu.memory_space<vmem>>
      %dma_wait3A_175 = arith.constant 0 : i32
      %dma_wait3A_176 = arith.constant 0 : i32
      %dma_wait3A_177 = tpu.memref_slice %arg5[%dma_wait3A_175, %dma_wait3A_176] : memref<50000x64xf32, #tpu.memory_space<hbm>> -> memref<50000x64xf32, #tpu.memory_space<hbm>>
      tpu.wait_indirect_dma semaphore(%arg20 : memref<!tpu.dma_semaphore, #tpu.memory_space<semaphore_mem>>) src(%dma_wait3A_177 : memref<50000x64xf32, #tpu.memory_space<hbm>>) dst(%dma_wait3A_171 : memref<128x64xf32, #tpu.memory_space<vmem>>)
      %dma_wait3A_178 = arith.constant 1 : i32
      %dma_wait3A_179 = arith.constant 128 : i32
      %dma_wait3A_180 = arith.constant 0 : i32
      %dma_wait3A_181 = tpu.memref_slice %arg14[%dma_wait3A_179, %dma_wait3A_180] : memref<512x64xf32, #tpu.memory_space<vmem>> -> memref<128x64xf32, #tpu.memory_space<vmem>>
      %dma_wait3A_182 = arith.constant 0 : i32
      %dma_wait3A_183 = tpu.memref_slice %arg11[%dma_wait3A_178, %dma_wait3A_182] : memref<4x128xi32, #tpu.memory_space<vmem>> -> memref<1x128xi32, #tpu.memory_space<vmem>>
      %dma_wait3A_184 = tpu.memref_squeeze %dma_wait3A_183 : memref<1x128xi32, #tpu.memory_space<vmem>> -> memref<128xi32, #tpu.memory_space<vmem>>
      %dma_wait3A_185 = arith.constant 0 : i32
      %dma_wait3A_186 = arith.constant 0 : i32
      %dma_wait3A_187 = tpu.memref_slice %arg5[%dma_wait3A_185, %dma_wait3A_186] : memref<50000x64xf32, #tpu.memory_space<hbm>> -> memref<50000x64xf32, #tpu.memory_space<hbm>>
      tpu.wait_indirect_dma semaphore(%arg20 : memref<!tpu.dma_semaphore, #tpu.memory_space<semaphore_mem>>) src(%dma_wait3A_187 : memref<50000x64xf32, #tpu.memory_space<hbm>>) dst(%dma_wait3A_181 : memref<128x64xf32, #tpu.memory_space<vmem>>)
      %dma_wait3A_188 = arith.constant 1 : i32
      %dma_wait3A_189 = arith.constant 128 : i32
      %dma_wait3A_190 = arith.constant 0 : i32
      %dma_wait3A_191 = tpu.memref_slice %arg15[%dma_wait3A_189, %dma_wait3A_190] : memref<512x64xf32, #tpu.memory_space<vmem>> -> memref<128x64xf32, #tpu.memory_space<vmem>>
      %dma_wait3A_192 = arith.constant 0 : i32
      %dma_wait3A_193 = tpu.memref_slice %arg12[%dma_wait3A_188, %dma_wait3A_192] : memref<4x128xi32, #tpu.memory_space<vmem>> -> memref<1x128xi32, #tpu.memory_space<vmem>>
      %dma_wait3A_194 = tpu.memref_squeeze %dma_wait3A_193 : memref<1x128xi32, #tpu.memory_space<vmem>> -> memref<128xi32, #tpu.memory_space<vmem>>
      %dma_wait3A_195 = arith.constant 0 : i32
      %dma_wait3A_196 = arith.constant 0 : i32
      %dma_wait3A_197 = tpu.memref_slice %arg5[%dma_wait3A_195, %dma_wait3A_196] : memref<50000x64xf32, #tpu.memory_space<hbm>> -> memref<50000x64xf32, #tpu.memory_space<hbm>>
      tpu.wait_indirect_dma semaphore(%arg20 : memref<!tpu.dma_semaphore, #tpu.memory_space<semaphore_mem>>) src(%dma_wait3A_197 : memref<50000x64xf32, #tpu.memory_space<hbm>>) dst(%dma_wait3A_191 : memref<128x64xf32, #tpu.memory_space<vmem>>)
      %dma_wait3A_198 = arith.constant 2 : i32
      %dma_wait3A_199 = arith.constant 256 : i32
      %dma_wait3A_200 = arith.constant 0 : i32
      %dma_wait3A_201 = tpu.memref_slice %arg14[%dma_wait3A_199, %dma_wait3A_200] : memref<512x64xf32, #tpu.memory_space<vmem>> -> memref<128x64xf32, #tpu.memory_space<vmem>>
      %dma_wait3A_202 = arith.constant 0 : i32
      %dma_wait3A_203 = tpu.memref_slice %arg11[%dma_wait3A_198, %dma_wait3A_202] : memref<4x128xi32, #tpu.memory_space<vmem>> -> memref<1x128xi32, #tpu.memory_space<vmem>>
      %dma_wait3A_204 = tpu.memref_squeeze %dma_wait3A_203 : memref<1x128xi32, #tpu.memory_space<vmem>> -> memref<128xi32, #tpu.memory_space<vmem>>
      %dma_wait3A_205 = arith.constant 0 : i32
      %dma_wait3A_206 = arith.constant 0 : i32
      %dma_wait3A_207 = tpu.memref_slice %arg5[%dma_wait3A_205, %dma_wait3A_206] : memref<50000x64xf32, #tpu.memory_space<hbm>> -> memref<50000x64xf32, #tpu.memory_space<hbm>>
      tpu.wait_indirect_dma semaphore(%arg20 : memref<!tpu.dma_semaphore, #tpu.memory_space<semaphore_mem>>) src(%dma_wait3A_207 : memref<50000x64xf32, #tpu.memory_space<hbm>>) dst(%dma_wait3A_201 : memref<128x64xf32, #tpu.memory_space<vmem>>)
      %dma_wait3A_208 = arith.constant 2 : i32
      %dma_wait3A_209 = arith.constant 256 : i32
      %dma_wait3A_210 = arith.constant 0 : i32
      %dma_wait3A_211 = tpu.memref_slice %arg15[%dma_wait3A_209, %dma_wait3A_210] : memref<512x64xf32, #tpu.memory_space<vmem>> -> memref<128x64xf32, #tpu.memory_space<vmem>>
      %dma_wait3A_212 = arith.constant 0 : i32
      %dma_wait3A_213 = tpu.memref_slice %arg12[%dma_wait3A_208, %dma_wait3A_212] : memref<4x128xi32, #tpu.memory_space<vmem>> -> memref<1x128xi32, #tpu.memory_space<vmem>>
      %dma_wait3A_214 = tpu.memref_squeeze %dma_wait3A_213 : memref<1x128xi32, #tpu.memory_space<vmem>> -> memref<128xi32, #tpu.memory_space<vmem>>
      %dma_wait3A_215 = arith.constant 0 : i32
      %dma_wait3A_216 = arith.constant 0 : i32
      %dma_wait3A_217 = tpu.memref_slice %arg5[%dma_wait3A_215, %dma_wait3A_216] : memref<50000x64xf32, #tpu.memory_space<hbm>> -> memref<50000x64xf32, #tpu.memory_space<hbm>>
      tpu.wait_indirect_dma semaphore(%arg20 : memref<!tpu.dma_semaphore, #tpu.memory_space<semaphore_mem>>) src(%dma_wait3A_217 : memref<50000x64xf32, #tpu.memory_space<hbm>>) dst(%dma_wait3A_211 : memref<128x64xf32, #tpu.memory_space<vmem>>)
      %dma_wait3A_218 = arith.constant 3 : i32
      %dma_wait3A_219 = arith.constant 384 : i32
      %dma_wait3A_220 = arith.constant 0 : i32
      %dma_wait3A_221 = tpu.memref_slice %arg14[%dma_wait3A_219, %dma_wait3A_220] : memref<512x64xf32, #tpu.memory_space<vmem>> -> memref<128x64xf32, #tpu.memory_space<vmem>>
      %dma_wait3A_222 = arith.constant 0 : i32
      %dma_wait3A_223 = tpu.memref_slice %arg11[%dma_wait3A_218, %dma_wait3A_222] : memref<4x128xi32, #tpu.memory_space<vmem>> -> memref<1x128xi32, #tpu.memory_space<vmem>>
      %dma_wait3A_224 = tpu.memref_squeeze %dma_wait3A_223 : memref<1x128xi32, #tpu.memory_space<vmem>> -> memref<128xi32, #tpu.memory_space<vmem>>
      %dma_wait3A_225 = arith.constant 0 : i32
      %dma_wait3A_226 = arith.constant 0 : i32
      %dma_wait3A_227 = tpu.memref_slice %arg5[%dma_wait3A_225, %dma_wait3A_226] : memref<50000x64xf32, #tpu.memory_space<hbm>> -> memref<50000x64xf32, #tpu.memory_space<hbm>>
      tpu.wait_indirect_dma semaphore(%arg20 : memref<!tpu.dma_semaphore, #tpu.memory_space<semaphore_mem>>) src(%dma_wait3A_227 : memref<50000x64xf32, #tpu.memory_space<hbm>>) dst(%dma_wait3A_221 : memref<128x64xf32, #tpu.memory_space<vmem>>)
      %dma_wait3A_228 = arith.constant 3 : i32
      %dma_wait3A_229 = arith.constant 384 : i32
      %dma_wait3A_230 = arith.constant 0 : i32
      %dma_wait3A_231 = tpu.memref_slice %arg15[%dma_wait3A_229, %dma_wait3A_230] : memref<512x64xf32, #tpu.memory_space<vmem>> -> memref<128x64xf32, #tpu.memory_space<vmem>>
      %dma_wait3A_232 = arith.constant 0 : i32
      %dma_wait3A_233 = tpu.memref_slice %arg12[%dma_wait3A_228, %dma_wait3A_232] : memref<4x128xi32, #tpu.memory_space<vmem>> -> memref<1x128xi32, #tpu.memory_space<vmem>>
      %dma_wait3A_234 = tpu.memref_squeeze %dma_wait3A_233 : memref<1x128xi32, #tpu.memory_space<vmem>> -> memref<128xi32, #tpu.memory_space<vmem>>
      %dma_wait3A_235 = arith.constant 0 : i32
      %dma_wait3A_236 = arith.constant 0 : i32
      %dma_wait3A_237 = tpu.memref_slice %arg5[%dma_wait3A_235, %dma_wait3A_236] : memref<50000x64xf32, #tpu.memory_space<hbm>> -> memref<50000x64xf32, #tpu.memory_space<hbm>>
      tpu.wait_indirect_dma semaphore(%arg20 : memref<!tpu.dma_semaphore, #tpu.memory_space<semaphore_mem>>) src(%dma_wait3A_237 : memref<50000x64xf32, #tpu.memory_space<hbm>>) dst(%dma_wait3A_231 : memref<128x64xf32, #tpu.memory_space<vmem>>)
      %broadcast_in_dim3A = arith.constant 0 : i32
      %broadcast_in_dim3A_238 = vector.broadcast %broadcast_in_dim3A : i32 to vector<16xi32>
      %parallel_loop3A = arith.constant 0 : i32
      %parallel_loop3A_239 = arith.constant 512 : i32
      %parallel_loop3A_240 = arith.constant 1 : i32
      scf.for %parallel_loop3A_331 = %parallel_loop3A to %parallel_loop3A_239 step %parallel_loop3A_240  : i32 {
        %parallel_loop3A_332 = arith.index_cast %parallel_loop3A_331 : i32 to index
        %parallel_loop3A_333 = tpu.vector_load %arg13[%parallel_loop3A_332] {strides = array<i32>} : memref<528xi32, #tpu.memory_space<vmem>>, vector<16xi32>,
        %parallel_loop3A_334 = arith.constant 0 : i32
        %parallel_loop3A_335 = vector.broadcast %parallel_loop3A_334 : i32 to vector<16xi32>
        %parallel_loop3A_336 = arith.cmpi slt, %broadcast_in_dim3A_238, %parallel_loop3A_335 : vector<16xi32>
        %parallel_loop3A_337 = arith.constant 16 : i32
        %parallel_loop3A_338 = vector.broadcast %parallel_loop3A_337 : i32 to vector<16xi32>
        %parallel_loop3A_339 = arith.addi %broadcast_in_dim3A_238, %parallel_loop3A_338 : vector<16xi32>
        %parallel_loop3A_340 = arith.select %parallel_loop3A_336, %parallel_loop3A_339, %broadcast_in_dim3A_238 : vector<16xi1>, vector<16xi32>
        %parallel_loop3A_341 = vector.shape_cast %parallel_loop3A_340 : vector<16xi32> to vector<16x1xi32>
        %parallel_loop3A_342 = vector.shape_cast %parallel_loop3A_341 : vector<16x1xi32> to vector<16xi32>
        %parallel_loop3A_343 = tpu.dynamic_gather %parallel_loop3A_333[%parallel_loop3A_342] in [0] : vector<16xi32>, vector<16xi32> -> vector<16xi32>
        %parallel_loop3A_344 = arith.constant 32 : i32
        %parallel_loop3A_345 = vector.broadcast %parallel_loop3A_344 : i32 to vector<16xi32>
        %parallel_loop3A_346 = arith.muli %parallel_loop3A_343, %parallel_loop3A_345 : vector<16xi32>
        %parallel_loop3A_347 = arith.addi %parallel_loop3A_346, %iota3A : vector<16xi32>
        %parallel_loop3A_348 = arith.index_cast %parallel_loop3A_331 : i32 to index
        %parallel_loop3A_349 = arith.constant 0 : index
        %parallel_loop3A_350 = tpu.vector_load %arg14[%parallel_loop3A_348, %parallel_loop3A_349] {strides = array<i32>} : memref<512x64xf32, #tpu.memory_space<vmem>>, vector<16xf32>,
        %parallel_loop3A_351 = arith.index_cast %parallel_loop3A_331 : i32 to index
        %parallel_loop3A_352 = arith.constant 16 : index
        %parallel_loop3A_353 = tpu.vector_load %arg14[%parallel_loop3A_351, %parallel_loop3A_352] {strides = array<i32>} : memref<512x64xf32, #tpu.memory_space<vmem>>, vector<16xf32>,
        %parallel_loop3A_354 = arith.index_cast %parallel_loop3A_331 : i32 to index
        %parallel_loop3A_355 = arith.constant 32 : index
        %parallel_loop3A_356 = tpu.vector_load %arg14[%parallel_loop3A_354, %parallel_loop3A_355] {strides = array<i32>} : memref<512x64xf32, #tpu.memory_space<vmem>>, vector<16xf32>,
        %parallel_loop3A_357 = arith.index_cast %parallel_loop3A_331 : i32 to index
        %parallel_loop3A_358 = arith.constant 48 : index
        %parallel_loop3A_359 = tpu.vector_load %arg14[%parallel_loop3A_357, %parallel_loop3A_358] {strides = array<i32>} : memref<512x64xf32, #tpu.memory_space<vmem>>, vector<16xf32>,
        %parallel_loop3A_360 = arith.index_cast %parallel_loop3A_331 : i32 to index
        %parallel_loop3A_361 = arith.constant 0 : index
        %parallel_loop3A_362 = tpu.vector_load %arg15[%parallel_loop3A_360, %parallel_loop3A_361] {strides = array<i32>} : memref<512x64xf32, #tpu.memory_space<vmem>>, vector<16xf32>,
        %parallel_loop3A_363 = arith.index_cast %parallel_loop3A_331 : i32 to index
        %parallel_loop3A_364 = arith.constant 16 : index
        %parallel_loop3A_365 = tpu.vector_load %arg15[%parallel_loop3A_363, %parallel_loop3A_364] {strides = array<i32>} : memref<512x64xf32, #tpu.memory_space<vmem>>, vector<16xf32>,
        %parallel_loop3A_366 = arith.index_cast %parallel_loop3A_331 : i32 to index
        %parallel_loop3A_367 = arith.constant 32 : index
        %parallel_loop3A_368 = tpu.vector_load %arg15[%parallel_loop3A_366, %parallel_loop3A_367] {strides = array<i32>} : memref<512x64xf32, #tpu.memory_space<vmem>>, vector<16xf32>,
        %parallel_loop3A_369 = arith.index_cast %parallel_loop3A_331 : i32 to index
        %parallel_loop3A_370 = arith.constant 48 : index
        %parallel_loop3A_371 = tpu.vector_load %arg15[%parallel_loop3A_369, %parallel_loop3A_370] {strides = array<i32>} : memref<512x64xf32, #tpu.memory_space<vmem>>, vector<16xf32>,
        %parallel_loop3A_372 = tpu.vector_load_idx %arg16[%parallel_loop3A_347] : memref<512xf32, #tpu.memory_space<vmem>>[vector<16xi32>], vector<16xf32>,
        %parallel_loop3A_373 = arith.constant 16 : i32
        %parallel_loop3A_374 = vector.broadcast %parallel_loop3A_373 : i32 to vector<16xi32>
        %parallel_loop3A_375 = arith.addi %parallel_loop3A_347, %parallel_loop3A_374 : vector<16xi32>
        %parallel_loop3A_376 = tpu.vector_load_idx %arg16[%parallel_loop3A_375] : memref<512xf32, #tpu.memory_space<vmem>>[vector<16xi32>], vector<16xf32>,
        %parallel_loop3A_377 = tpu.vector_load_idx %arg17[%parallel_loop3A_347] : memref<512xf32, #tpu.memory_space<vmem>>[vector<16xi32>], vector<16xf32>,
        %parallel_loop3A_378 = arith.constant 16 : i32
        %parallel_loop3A_379 = vector.broadcast %parallel_loop3A_378 : i32 to vector<16xi32>
        %parallel_loop3A_380 = arith.addi %parallel_loop3A_347, %parallel_loop3A_379 : vector<16xi32>
        %parallel_loop3A_381 = tpu.vector_load_idx %arg17[%parallel_loop3A_380] : memref<512xf32, #tpu.memory_space<vmem>>[vector<16xi32>], vector<16xf32>,
        %parallel_loop3A_382 = arith.mulf %parallel_loop3A_350, %parallel_loop3A_372 : vector<16xf32>
        %parallel_loop3A_383 = arith.mulf %parallel_loop3A_356, %parallel_loop3A_377 : vector<16xf32>
        %parallel_loop3A_384 = arith.subf %parallel_loop3A_382, %parallel_loop3A_383 : vector<16xf32>
        %parallel_loop3A_385 = arith.subf %parallel_loop3A_384, %parallel_loop3A_362 : vector<16xf32>
        %parallel_loop3A_386 = arith.mulf %parallel_loop3A_350, %parallel_loop3A_377 : vector<16xf32>
        %parallel_loop3A_387 = arith.mulf %parallel_loop3A_356, %parallel_loop3A_372 : vector<16xf32>
        %parallel_loop3A_388 = arith.addf %parallel_loop3A_386, %parallel_loop3A_387 : vector<16xf32>
        %parallel_loop3A_389 = arith.subf %parallel_loop3A_388, %parallel_loop3A_368 : vector<16xf32>
        %parallel_loop3A_390 = arith.mulf %parallel_loop3A_353, %parallel_loop3A_376 : vector<16xf32>
        %parallel_loop3A_391 = arith.mulf %parallel_loop3A_359, %parallel_loop3A_381 : vector<16xf32>
        %parallel_loop3A_392 = arith.subf %parallel_loop3A_390, %parallel_loop3A_391 : vector<16xf32>
        %parallel_loop3A_393 = arith.subf %parallel_loop3A_392, %parallel_loop3A_365 : vector<16xf32>
        %parallel_loop3A_394 = arith.mulf %parallel_loop3A_353, %parallel_loop3A_381 : vector<16xf32>
        %parallel_loop3A_395 = arith.mulf %parallel_loop3A_359, %parallel_loop3A_376 : vector<16xf32>
        %parallel_loop3A_396 = arith.addf %parallel_loop3A_394, %parallel_loop3A_395 : vector<16xf32>
        %parallel_loop3A_397 = arith.subf %parallel_loop3A_396, %parallel_loop3A_371 : vector<16xf32>
        %parallel_loop3A_398 = arith.mulf %parallel_loop3A_385, %parallel_loop3A_385 : vector<16xf32>
        %parallel_loop3A_399 = arith.mulf %parallel_loop3A_389, %parallel_loop3A_389 : vector<16xf32>
        %parallel_loop3A_400 = arith.addf %parallel_loop3A_398, %parallel_loop3A_399 : vector<16xf32>
        %parallel_loop3A_401 = arith.constant 9.99999996E-13 : f32
        %parallel_loop3A_402 = vector.broadcast %parallel_loop3A_401 : f32 to vector<16xf32>
        %parallel_loop3A_403 = arith.maximumf %parallel_loop3A_400, %parallel_loop3A_402 : vector<16xf32>
        %parallel_loop3A_404 = arith.mulf %parallel_loop3A_393, %parallel_loop3A_393 : vector<16xf32>
        %parallel_loop3A_405 = arith.mulf %parallel_loop3A_397, %parallel_loop3A_397 : vector<16xf32>
        %parallel_loop3A_406 = arith.addf %parallel_loop3A_404, %parallel_loop3A_405 : vector<16xf32>
        %parallel_loop3A_407 = arith.constant 9.99999996E-13 : f32
        %parallel_loop3A_408 = vector.broadcast %parallel_loop3A_407 : f32 to vector<16xf32>
        %parallel_loop3A_409 = arith.maximumf %parallel_loop3A_406, %parallel_loop3A_408 : vector<16xf32>
        %parallel_loop3A_410 = vector.bitcast %parallel_loop3A_403 : vector<16xf32> to vector<16xi32>
        %parallel_loop3A_411 = arith.constant 1 : i32
        %parallel_loop3A_412 = vector.broadcast %parallel_loop3A_411 : i32 to vector<16xi32>
        %parallel_loop3A_413 = arith.shrsi %parallel_loop3A_410, %parallel_loop3A_412 : vector<16xi32>
        %parallel_loop3A_414 = arith.constant 1597463007 : i32
        %parallel_loop3A_415 = vector.broadcast %parallel_loop3A_414 : i32 to vector<16xi32>
        %parallel_loop3A_416 = arith.subi %parallel_loop3A_415, %parallel_loop3A_413 : vector<16xi32>
        %parallel_loop3A_417 = vector.bitcast %parallel_loop3A_416 : vector<16xi32> to vector<16xf32>
        %parallel_loop3A_418 = arith.constant 5.000000e-01 : f32
        %parallel_loop3A_419 = vector.broadcast %parallel_loop3A_418 : f32 to vector<16xf32>
        %parallel_loop3A_420 = arith.mulf %parallel_loop3A_403, %parallel_loop3A_419 : vector<16xf32>
        %parallel_loop3A_421 = arith.mulf %parallel_loop3A_420, %parallel_loop3A_417 : vector<16xf32>
        %parallel_loop3A_422 = arith.mulf %parallel_loop3A_421, %parallel_loop3A_417 : vector<16xf32>
        %parallel_loop3A_423 = arith.constant 1.500000e+00 : f32
        %parallel_loop3A_424 = vector.broadcast %parallel_loop3A_423 : f32 to vector<16xf32>
        %parallel_loop3A_425 = arith.subf %parallel_loop3A_424, %parallel_loop3A_422 : vector<16xf32>
        %parallel_loop3A_426 = arith.mulf %parallel_loop3A_417, %parallel_loop3A_425 : vector<16xf32>
        %parallel_loop3A_427 = arith.mulf %parallel_loop3A_420, %parallel_loop3A_426 : vector<16xf32>
        %parallel_loop3A_428 = arith.mulf %parallel_loop3A_427, %parallel_loop3A_426 : vector<16xf32>
        %parallel_loop3A_429 = arith.constant 1.500000e+00 : f32
        %parallel_loop3A_430 = vector.broadcast %parallel_loop3A_429 : f32 to vector<16xf32>
        %parallel_loop3A_431 = arith.subf %parallel_loop3A_430, %parallel_loop3A_428 : vector<16xf32>
        %parallel_loop3A_432 = arith.mulf %parallel_loop3A_426, %parallel_loop3A_431 : vector<16xf32>
        %parallel_loop3A_433 = arith.mulf %parallel_loop3A_403, %parallel_loop3A_432 : vector<16xf32>
        %parallel_loop3A_434 = vector.bitcast %parallel_loop3A_409 : vector<16xf32> to vector<16xi32>
        %parallel_loop3A_435 = arith.constant 1 : i32
        %parallel_loop3A_436 = vector.broadcast %parallel_loop3A_435 : i32 to vector<16xi32>
        %parallel_loop3A_437 = arith.shrsi %parallel_loop3A_434, %parallel_loop3A_436 : vector<16xi32>
        %parallel_loop3A_438 = arith.constant 1597463007 : i32
        %parallel_loop3A_439 = vector.broadcast %parallel_loop3A_438 : i32 to vector<16xi32>
        %parallel_loop3A_440 = arith.subi %parallel_loop3A_439, %parallel_loop3A_437 : vector<16xi32>
        %parallel_loop3A_441 = vector.bitcast %parallel_loop3A_440 : vector<16xi32> to vector<16xf32>
        %parallel_loop3A_442 = arith.constant 5.000000e-01 : f32
        %parallel_loop3A_443 = vector.broadcast %parallel_loop3A_442 : f32 to vector<16xf32>
        %parallel_loop3A_444 = arith.mulf %parallel_loop3A_409, %parallel_loop3A_443 : vector<16xf32>
        %parallel_loop3A_445 = arith.mulf %parallel_loop3A_444, %parallel_loop3A_441 : vector<16xf32>
        %parallel_loop3A_446 = arith.mulf %parallel_loop3A_445, %parallel_loop3A_441 : vector<16xf32>
        %parallel_loop3A_447 = arith.constant 1.500000e+00 : f32
        %parallel_loop3A_448 = vector.broadcast %parallel_loop3A_447 : f32 to vector<16xf32>
        %parallel_loop3A_449 = arith.subf %parallel_loop3A_448, %parallel_loop3A_446 : vector<16xf32>
        %parallel_loop3A_450 = arith.mulf %parallel_loop3A_441, %parallel_loop3A_449 : vector<16xf32>
        %parallel_loop3A_451 = arith.mulf %parallel_loop3A_444, %parallel_loop3A_450 : vector<16xf32>
        %parallel_loop3A_452 = arith.mulf %parallel_loop3A_451, %parallel_loop3A_450 : vector<16xf32>
        %parallel_loop3A_453 = arith.constant 1.500000e+00 : f32
        %parallel_loop3A_454 = vector.broadcast %parallel_loop3A_453 : f32 to vector<16xf32>
        %parallel_loop3A_455 = arith.subf %parallel_loop3A_454, %parallel_loop3A_452 : vector<16xf32>
        %parallel_loop3A_456 = arith.mulf %parallel_loop3A_450, %parallel_loop3A_455 : vector<16xf32>
        %parallel_loop3A_457 = arith.mulf %parallel_loop3A_409, %parallel_loop3A_456 : vector<16xf32>
        %parallel_loop3A_458 = arith.addf %parallel_loop3A_433, %parallel_loop3A_457 : vector<16xf32>
        %parallel_loop3A_459 = arith.constant 0 : i32
        %parallel_loop3A_460 = vector.broadcast %parallel_loop3A_459 : i32 to vector<16xi32>
        %parallel_loop3A_461 = arith.cmpi slt, %and3A_13, %parallel_loop3A_460 : vector<16xi32>
        %parallel_loop3A_462 = arith.constant 16 : i32
        %parallel_loop3A_463 = vector.broadcast %parallel_loop3A_462 : i32 to vector<16xi32>
        %parallel_loop3A_464 = arith.addi %and3A_13, %parallel_loop3A_463 : vector<16xi32>
        %parallel_loop3A_465 = arith.select %parallel_loop3A_461, %parallel_loop3A_464, %and3A_13 : vector<16xi1>, vector<16xi32>
        %parallel_loop3A_466 = vector.shape_cast %parallel_loop3A_465 : vector<16xi32> to vector<16x1xi32>
        %parallel_loop3A_467 = vector.shape_cast %parallel_loop3A_466 : vector<16x1xi32> to vector<16xi32>
        %parallel_loop3A_468 = tpu.dynamic_gather %parallel_loop3A_458[%parallel_loop3A_467] in [0] : vector<16xf32>, vector<16xi32> -> vector<16xf32>
        %parallel_loop3A_469 = arith.addf %parallel_loop3A_458, %parallel_loop3A_468 : vector<16xf32>
        %parallel_loop3A_470 = arith.constant 0 : i32
        %parallel_loop3A_471 = vector.broadcast %parallel_loop3A_470 : i32 to vector<16xi32>
        %parallel_loop3A_472 = arith.cmpi slt, %and3A_19, %parallel_loop3A_471 : vector<16xi32>
        %parallel_loop3A_473 = arith.constant 16 : i32
        %parallel_loop3A_474 = vector.broadcast %parallel_loop3A_473 : i32 to vector<16xi32>
        %parallel_loop3A_475 = arith.addi %and3A_19, %parallel_loop3A_474 : vector<16xi32>
        %parallel_loop3A_476 = arith.select %parallel_loop3A_472, %parallel_loop3A_475, %and3A_19 : vector<16xi1>, vector<16xi32>
        %parallel_loop3A_477 = vector.shape_cast %parallel_loop3A_476 : vector<16xi32> to vector<16x1xi32>
        %parallel_loop3A_478 = vector.shape_cast %parallel_loop3A_477 : vector<16x1xi32> to vector<16xi32>
        %parallel_loop3A_479 = tpu.dynamic_gather %parallel_loop3A_469[%parallel_loop3A_478] in [0] : vector<16xf32>, vector<16xi32> -> vector<16xf32>
        %parallel_loop3A_480 = arith.addf %parallel_loop3A_469, %parallel_loop3A_479 : vector<16xf32>
        %parallel_loop3A_481 = arith.constant 0 : i32
        %parallel_loop3A_482 = vector.broadcast %parallel_loop3A_481 : i32 to vector<16xi32>
        %parallel_loop3A_483 = arith.cmpi slt, %and3A_25, %parallel_loop3A_482 : vector<16xi32>
        %parallel_loop3A_484 = arith.constant 16 : i32
        %parallel_loop3A_485 = vector.broadcast %parallel_loop3A_484 : i32 to vector<16xi32>
        %parallel_loop3A_486 = arith.addi %and3A_25, %parallel_loop3A_485 : vector<16xi32>
        %parallel_loop3A_487 = arith.select %parallel_loop3A_483, %parallel_loop3A_486, %and3A_25 : vector<16xi1>, vector<16xi32>
        %parallel_loop3A_488 = vector.shape_cast %parallel_loop3A_487 : vector<16xi32> to vector<16x1xi32>
        %parallel_loop3A_489 = vector.shape_cast %parallel_loop3A_488 : vector<16x1xi32> to vector<16xi32>
        %parallel_loop3A_490 = tpu.dynamic_gather %parallel_loop3A_480[%parallel_loop3A_489] in [0] : vector<16xf32>, vector<16xi32> -> vector<16xf32>
        %parallel_loop3A_491 = arith.addf %parallel_loop3A_480, %parallel_loop3A_490 : vector<16xf32>
        %parallel_loop3A_492 = arith.constant 0 : i32
        %parallel_loop3A_493 = vector.broadcast %parallel_loop3A_492 : i32 to vector<16xi32>
        %parallel_loop3A_494 = arith.cmpi slt, %and3A_31, %parallel_loop3A_493 : vector<16xi32>
        %parallel_loop3A_495 = arith.constant 16 : i32
        %parallel_loop3A_496 = vector.broadcast %parallel_loop3A_495 : i32 to vector<16xi32>
        %parallel_loop3A_497 = arith.addi %and3A_31, %parallel_loop3A_496 : vector<16xi32>
        %parallel_loop3A_498 = arith.select %parallel_loop3A_494, %parallel_loop3A_497, %and3A_31 : vector<16xi1>, vector<16xi32>
        %parallel_loop3A_499 = vector.shape_cast %parallel_loop3A_498 : vector<16xi32> to vector<16x1xi32>
        %parallel_loop3A_500 = vector.shape_cast %parallel_loop3A_499 : vector<16x1xi32> to vector<16xi32>
        %parallel_loop3A_501 = tpu.dynamic_gather %parallel_loop3A_491[%parallel_loop3A_500] in [0] : vector<16xf32>, vector<16xi32> -> vector<16xf32>
        %parallel_loop3A_502 = arith.addf %parallel_loop3A_491, %parallel_loop3A_501 : vector<16xf32>
        %parallel_loop3A_503 = arith.index_cast %parallel_loop3A_331 : i32 to index
        %parallel_loop3A_504 = arith.constant 0 : index
        %parallel_loop3A_505 = tpu.vector_load %arg19[%parallel_loop3A_503, %parallel_loop3A_504] {strides = array<i32>} : memref<512x16xf32, #tpu.memory_space<vmem>>, vector<16xf32>,
        tpu.vector_store %arg19[%parallel_loop3A_503, %parallel_loop3A_504], %parallel_loop3A_502 {strides = array<i32>} : memref<512x16xf32, #tpu.memory_space<vmem>>, vector<16xf32>,
      } {sc.loop_unroll_factor = 8 : i64, sc.parallel_access}
      %scan3A_241 = arith.constant 0 : i32
      %scan3A_242 = arith.constant 32 : i32
      %scan3A_243 = arith.addi %scan3A_241, %scan3A_242 : i32
      %scan3A_244 = arith.constant 1 : i32
      scf.for %scan3A_331 = %scan3A_241 to %scan3A_243 step %scan3A_244  : i32 {
        %mul3A_332 = arith.constant 1 : i32
        %mul3A_333 = arith.muli %scan3A_331, %mul3A_332 : i32
        %add3A_334 = arith.constant 0 : i32
        %add3A_335 = arith.addi %add3A_334, %mul3A_333 : i32
        %iota3A_336 = tpu.iota {dimensions = array<i32: 0>} : vector<16xi32>
        %mul3A_337 = arith.constant 16 : i32
        %mul3A_338 = arith.muli %add3A_335, %mul3A_337 : i32
        %add3A_339 = vector.broadcast %mul3A_338 : i32 to vector<16xi32>
        %add3A_340 = arith.addi %iota3A_336, %add3A_339 : vector<16xi32>
        %broadcast_in_dim3A_341 = arith.constant 0 : i32
        %broadcast_in_dim3A_342 = vector.broadcast %broadcast_in_dim3A_341 : i32 to vector<16xi32>
        %gather3A = tpu.vector_load_idx %arg19[%add3A_340, %broadcast_in_dim3A_342] : memref<512x16xf32, #tpu.memory_space<vmem>>[vector<16xi32>, vector<16xi32>], vector<16xf32>,
        %sub3A = arith.constant 6.000000e+01 : f32
        %sub3A_343 = vector.broadcast %sub3A : f32 to vector<16xf32>
        %sub3A_344 = arith.subf %gather3A, %sub3A_343 : vector<16xf32>
        %exp3A = math.exp %sub3A_344 : vector<16xf32>
        %add3A_345 = vector.broadcast %add3A_51 : i32 to vector<16xi32>
        %add3A_346 = arith.addi %add3A_345, %add3A_340 : vector<16xi32>
        %lt3A = arith.constant 800000 : i32
        %lt3A_347 = vector.broadcast %lt3A : i32 to vector<16xi32>
        %lt3A_348 = arith.cmpi slt, %add3A_346, %lt3A_347 : vector<16xi32>
        %jit3A = arith.constant 0.000000e+00 : f32
        %broadcast_in_dim3A_349 = vector.broadcast %jit3A : f32 to vector<16xf32>
        %select_n3A = arith.select %lt3A_348, %exp3A, %broadcast_in_dim3A_349 : vector<16xi1>, vector<16xf32>
        %mul3A_350 = arith.constant 16 : i32
        %mul3A_351 = arith.muli %add3A_335, %mul3A_350 : i32
        %swap3A = arith.index_cast %mul3A_351 : i32 to index
        %swap3A_352 = tpu.vector_load %arg18[%swap3A] {strides = array<i32>} : memref<528xf32, #tpu.memory_space<vmem>>, vector<16xf32>,
        tpu.vector_store %arg18[%swap3A], %select_n3A {strides = array<i32>} : memref<528xf32, #tpu.memory_space<vmem>>, vector<16xf32>,
      }
      %scan3A_245 = arith.constant 32 : i32
      %broadcast_in_dim3A_246 = arith.constant 0 : i32
      %broadcast_in_dim3A_247 = vector.broadcast %broadcast_in_dim3A_246 : i32 to vector<16xi32>
      %parallel_loop3A_248 = arith.constant 0 : i32
      %parallel_loop3A_249 = arith.constant 512 : i32
      %parallel_loop3A_250 = arith.constant 1 : i32
      scf.for %parallel_loop3A_331 = %parallel_loop3A_248 to %parallel_loop3A_249 step %parallel_loop3A_250  : i32 {
        %parallel_loop3A_332 = arith.index_cast %parallel_loop3A_331 : i32 to index
        %parallel_loop3A_333 = tpu.vector_load %arg18[%parallel_loop3A_332] {strides = array<i32>} : memref<528xf32, #tpu.memory_space<vmem>>, vector<16xf32>,
        %parallel_loop3A_334 = arith.constant 0 : i32
        %parallel_loop3A_335 = vector.broadcast %parallel_loop3A_334 : i32 to vector<16xi32>
        %parallel_loop3A_336 = arith.cmpi slt, %broadcast_in_dim3A_247, %parallel_loop3A_335 : vector<16xi32>
        %parallel_loop3A_337 = arith.constant 16 : i32
        %parallel_loop3A_338 = vector.broadcast %parallel_loop3A_337 : i32 to vector<16xi32>
        %parallel_loop3A_339 = arith.addi %broadcast_in_dim3A_247, %parallel_loop3A_338 : vector<16xi32>
        %parallel_loop3A_340 = arith.select %parallel_loop3A_336, %parallel_loop3A_339, %broadcast_in_dim3A_247 : vector<16xi1>, vector<16xi32>
        %parallel_loop3A_341 = vector.shape_cast %parallel_loop3A_340 : vector<16xi32> to vector<16x1xi32>
        %parallel_loop3A_342 = vector.shape_cast %parallel_loop3A_341 : vector<16x1xi32> to vector<16xi32>
        %parallel_loop3A_343 = tpu.dynamic_gather %parallel_loop3A_333[%parallel_loop3A_342] in [0] : vector<16xf32>, vector<16xi32> -> vector<16xf32>
        %parallel_loop3A_344 = arith.index_cast %parallel_loop3A_331 : i32 to index
        %parallel_loop3A_345 = arith.constant 0 : index
        %parallel_loop3A_346 = tpu.vector_load %arg19[%parallel_loop3A_344, %parallel_loop3A_345] {strides = array<i32>} : memref<512x16xf32, #tpu.memory_space<vmem>>, vector<16xf32>,
        tpu.vector_store %arg19[%parallel_loop3A_344, %parallel_loop3A_345], %parallel_loop3A_343 {strides = array<i32>} : memref<512x16xf32, #tpu.memory_space<vmem>>, vector<16xf32>,
      } {sc.loop_unroll_factor = 8 : i64, sc.parallel_access}
      "tpu.region"() ({
        %run_scoped3A = tpu.sem_alloc : memref<!tpu.dma_semaphore, #tpu.memory_space<semaphore_mem>>
        %dma_start3A_331 = arith.constant 0 : i32
        %dma_start3A_332 = tpu.memref_slice %arg18[%dma_start3A_331] : memref<528xf32, #tpu.memory_space<vmem>> -> memref<512xf32, #tpu.memory_space<vmem>>
        %dma_start3A_333 = tpu.memref_slice %arg9[%add3A_51] : memref<819200xf32, #tpu.memory_space<hbm>> -> memref<512xf32, #tpu.memory_space<hbm>>
        %dma_start3A_334 = tpu.memref_slice %arg9[%add3A_51] : memref<819200xf32, #tpu.memory_space<hbm>> -> memref<512xf32, #tpu.memory_space<hbm>>
        %dma_start3A_335 = arith.constant 0 : i32
        %dma_start3A_336 = tpu.memref_slice %arg18[%dma_start3A_335] : memref<528xf32, #tpu.memory_space<vmem>> -> memref<512xf32, #tpu.memory_space<vmem>>
        tpu.enqueue_dma source(%dma_start3A_336 : memref<512xf32, #tpu.memory_space<vmem>>) target(%dma_start3A_334 : memref<512xf32, #tpu.memory_space<hbm>>) target_semaphore(%run_scoped3A : memref<!tpu.dma_semaphore, #tpu.memory_space<semaphore_mem>>)
        %dma_wait3A_337 = arith.constant 0 : i32
        %dma_wait3A_338 = tpu.memref_slice %arg18[%dma_wait3A_337] : memref<528xf32, #tpu.memory_space<vmem>> -> memref<512xf32, #tpu.memory_space<vmem>>
        %dma_wait3A_339 = tpu.memref_slice %arg9[%add3A_51] : memref<819200xf32, #tpu.memory_space<hbm>> -> memref<512xf32, #tpu.memory_space<hbm>>
        %dma_wait3A_340 = tpu.memref_slice %arg9[%add3A_51] : memref<819200xf32, #tpu.memory_space<hbm>> -> memref<512xf32, #tpu.memory_space<hbm>>
        %dma_wait3A_341 = arith.constant 0 : i32
        %dma_wait3A_342 = tpu.memref_slice %arg18[%dma_wait3A_341] : memref<528xf32, #tpu.memory_space<vmem>> -> memref<512xf32, #tpu.memory_space<vmem>>
        tpu.wait_dma2 semaphore(%run_scoped3A : memref<!tpu.dma_semaphore, #tpu.memory_space<semaphore_mem>>) src(%dma_wait3A_342 : memref<512xf32, #tpu.memory_space<vmem>>) dst(%dma_wait3A_340 : memref<512xf32, #tpu.memory_space<hbm>>)
        tpu.yield
      }) : () -> ()
      %dma_start3A_251 = arith.constant 0 : i32
      %dma_start3A_252 = arith.constant 0 : i32
      %dma_start3A_253 = arith.constant 0 : i32
      %dma_start3A_254 = tpu.memref_slice %arg19[%dma_start3A_252, %dma_start3A_253] : memref<512x16xf32, #tpu.memory_space<vmem>> -> memref<128x16xf32, #tpu.memory_space<vmem>>
      %dma_start3A_255 = arith.constant 0 : i32
      %dma_start3A_256 = tpu.memref_slice %arg12[%dma_start3A_251, %dma_start3A_255] : memref<4x128xi32, #tpu.memory_space<vmem>> -> memref<1x128xi32, #tpu.memory_space<vmem>>
      %dma_start3A_257 = tpu.memref_squeeze %dma_start3A_256 : memref<1x128xi32, #tpu.memory_space<vmem>> -> memref<128xi32, #tpu.memory_space<vmem>>
      %dma_start3A_258 = arith.constant 0 : i32
      %dma_start3A_259 = arith.constant 0 : i32
      %dma_start3A_260 = tpu.memref_slice %arg21[%dma_start3A_258, %dma_start3A_259] : memref<50048x16xf32, #tpu.memory_space<vmem_shared>> -> memref<50048x16xf32, #tpu.memory_space<vmem_shared>>
      tpu.enqueue_indirect_dma source(%dma_start3A_254 : memref<128x16xf32, #tpu.memory_space<vmem>>) target(%dma_start3A_260 : memref<50048x16xf32, #tpu.memory_space<vmem_shared>>) offsets(%dma_start3A_257 : memref<128xi32, #tpu.memory_space<vmem>>) semaphore(%arg20 : memref<!tpu.dma_semaphore, #tpu.memory_space<semaphore_mem>>) {add = true}
      %dma_start3A_261 = arith.constant 1 : i32
      %dma_start3A_262 = arith.constant 128 : i32
      %dma_start3A_263 = arith.constant 0 : i32
      %dma_start3A_264 = tpu.memref_slice %arg19[%dma_start3A_262, %dma_start3A_263] : memref<512x16xf32, #tpu.memory_space<vmem>> -> memref<128x16xf32, #tpu.memory_space<vmem>>
      %dma_start3A_265 = arith.constant 0 : i32
      %dma_start3A_266 = tpu.memref_slice %arg12[%dma_start3A_261, %dma_start3A_265] : memref<4x128xi32, #tpu.memory_space<vmem>> -> memref<1x128xi32, #tpu.memory_space<vmem>>
      %dma_start3A_267 = tpu.memref_squeeze %dma_start3A_266 : memref<1x128xi32, #tpu.memory_space<vmem>> -> memref<128xi32, #tpu.memory_space<vmem>>
      %dma_start3A_268 = arith.constant 0 : i32
      %dma_start3A_269 = arith.constant 0 : i32
      %dma_start3A_270 = tpu.memref_slice %arg21[%dma_start3A_268, %dma_start3A_269] : memref<50048x16xf32, #tpu.memory_space<vmem_shared>> -> memref<50048x16xf32, #tpu.memory_space<vmem_shared>>
      tpu.enqueue_indirect_dma source(%dma_start3A_264 : memref<128x16xf32, #tpu.memory_space<vmem>>) target(%dma_start3A_270 : memref<50048x16xf32, #tpu.memory_space<vmem_shared>>) offsets(%dma_start3A_267 : memref<128xi32, #tpu.memory_space<vmem>>) semaphore(%arg20 : memref<!tpu.dma_semaphore, #tpu.memory_space<semaphore_mem>>) {add = true}
      %dma_start3A_271 = arith.constant 2 : i32
      %dma_start3A_272 = arith.constant 256 : i32
      %dma_start3A_273 = arith.constant 0 : i32
      %dma_start3A_274 = tpu.memref_slice %arg19[%dma_start3A_272, %dma_start3A_273] : memref<512x16xf32, #tpu.memory_space<vmem>> -> memref<128x16xf32, #tpu.memory_space<vmem>>
      %dma_start3A_275 = arith.constant 0 : i32
      %dma_start3A_276 = tpu.memref_slice %arg12[%dma_start3A_271, %dma_start3A_275] : memref<4x128xi32, #tpu.memory_space<vmem>> -> memref<1x128xi32, #tpu.memory_space<vmem>>
      %dma_start3A_277 = tpu.memref_squeeze %dma_start3A_276 : memref<1x128xi32, #tpu.memory_space<vmem>> -> memref<128xi32, #tpu.memory_space<vmem>>
      %dma_start3A_278 = arith.constant 0 : i32
      %dma_start3A_279 = arith.constant 0 : i32
      %dma_start3A_280 = tpu.memref_slice %arg21[%dma_start3A_278, %dma_start3A_279] : memref<50048x16xf32, #tpu.memory_space<vmem_shared>> -> memref<50048x16xf32, #tpu.memory_space<vmem_shared>>
      tpu.enqueue_indirect_dma source(%dma_start3A_274 : memref<128x16xf32, #tpu.memory_space<vmem>>) target(%dma_start3A_280 : memref<50048x16xf32, #tpu.memory_space<vmem_shared>>) offsets(%dma_start3A_277 : memref<128xi32, #tpu.memory_space<vmem>>) semaphore(%arg20 : memref<!tpu.dma_semaphore, #tpu.memory_space<semaphore_mem>>) {add = true}
      %dma_start3A_281 = arith.constant 3 : i32
      %dma_start3A_282 = arith.constant 384 : i32
      %dma_start3A_283 = arith.constant 0 : i32
      %dma_start3A_284 = tpu.memref_slice %arg19[%dma_start3A_282, %dma_start3A_283] : memref<512x16xf32, #tpu.memory_space<vmem>> -> memref<128x16xf32, #tpu.memory_space<vmem>>
      %dma_start3A_285 = arith.constant 0 : i32
      %dma_start3A_286 = tpu.memref_slice %arg12[%dma_start3A_281, %dma_start3A_285] : memref<4x128xi32, #tpu.memory_space<vmem>> -> memref<1x128xi32, #tpu.memory_space<vmem>>
      %dma_start3A_287 = tpu.memref_squeeze %dma_start3A_286 : memref<1x128xi32, #tpu.memory_space<vmem>> -> memref<128xi32, #tpu.memory_space<vmem>>
      %dma_start3A_288 = arith.constant 0 : i32
      %dma_start3A_289 = arith.constant 0 : i32
      %dma_start3A_290 = tpu.memref_slice %arg21[%dma_start3A_288, %dma_start3A_289] : memref<50048x16xf32, #tpu.memory_space<vmem_shared>> -> memref<50048x16xf32, #tpu.memory_space<vmem_shared>>
      tpu.enqueue_indirect_dma source(%dma_start3A_284 : memref<128x16xf32, #tpu.memory_space<vmem>>) target(%dma_start3A_290 : memref<50048x16xf32, #tpu.memory_space<vmem_shared>>) offsets(%dma_start3A_287 : memref<128xi32, #tpu.memory_space<vmem>>) semaphore(%arg20 : memref<!tpu.dma_semaphore, #tpu.memory_space<semaphore_mem>>) {add = true}
      %dma_wait3A_291 = arith.constant 0 : i32
      %dma_wait3A_292 = arith.constant 0 : i32
      %dma_wait3A_293 = arith.constant 0 : i32
      %dma_wait3A_294 = tpu.memref_slice %arg19[%dma_wait3A_292, %dma_wait3A_293] : memref<512x16xf32, #tpu.memory_space<vmem>> -> memref<128x16xf32, #tpu.memory_space<vmem>>
      %dma_wait3A_295 = arith.constant 0 : i32
      %dma_wait3A_296 = tpu.memref_slice %arg12[%dma_wait3A_291, %dma_wait3A_295] : memref<4x128xi32, #tpu.memory_space<vmem>> -> memref<1x128xi32, #tpu.memory_space<vmem>>
      %dma_wait3A_297 = tpu.memref_squeeze %dma_wait3A_296 : memref<1x128xi32, #tpu.memory_space<vmem>> -> memref<128xi32, #tpu.memory_space<vmem>>
      %dma_wait3A_298 = arith.constant 0 : i32
      %dma_wait3A_299 = arith.constant 0 : i32
      %dma_wait3A_300 = tpu.memref_slice %arg21[%dma_wait3A_298, %dma_wait3A_299] : memref<50048x16xf32, #tpu.memory_space<vmem_shared>> -> memref<50048x16xf32, #tpu.memory_space<vmem_shared>>
      tpu.wait_indirect_dma semaphore(%arg20 : memref<!tpu.dma_semaphore, #tpu.memory_space<semaphore_mem>>) src(%dma_wait3A_294 : memref<128x16xf32, #tpu.memory_space<vmem>>) dst(%dma_wait3A_300 : memref<50048x16xf32, #tpu.memory_space<vmem_shared>>)
      %dma_wait3A_301 = arith.constant 1 : i32
      %dma_wait3A_302 = arith.constant 128 : i32
      %dma_wait3A_303 = arith.constant 0 : i32
      %dma_wait3A_304 = tpu.memref_slice %arg19[%dma_wait3A_302, %dma_wait3A_303] : memref<512x16xf32, #tpu.memory_space<vmem>> -> memref<128x16xf32, #tpu.memory_space<vmem>>
      %dma_wait3A_305 = arith.constant 0 : i32
      %dma_wait3A_306 = tpu.memref_slice %arg12[%dma_wait3A_301, %dma_wait3A_305] : memref<4x128xi32, #tpu.memory_space<vmem>> -> memref<1x128xi32, #tpu.memory_space<vmem>>
      %dma_wait3A_307 = tpu.memref_squeeze %dma_wait3A_306 : memref<1x128xi32, #tpu.memory_space<vmem>> -> memref<128xi32, #tpu.memory_space<vmem>>
      %dma_wait3A_308 = arith.constant 0 : i32
      %dma_wait3A_309 = arith.constant 0 : i32
      %dma_wait3A_310 = tpu.memref_slice %arg21[%dma_wait3A_308, %dma_wait3A_309] : memref<50048x16xf32, #tpu.memory_space<vmem_shared>> -> memref<50048x16xf32, #tpu.memory_space<vmem_shared>>
      tpu.wait_indirect_dma semaphore(%arg20 : memref<!tpu.dma_semaphore, #tpu.memory_space<semaphore_mem>>) src(%dma_wait3A_304 : memref<128x16xf32, #tpu.memory_space<vmem>>) dst(%dma_wait3A_310 : memref<50048x16xf32, #tpu.memory_space<vmem_shared>>)
      %dma_wait3A_311 = arith.constant 2 : i32
      %dma_wait3A_312 = arith.constant 256 : i32
      %dma_wait3A_313 = arith.constant 0 : i32
      %dma_wait3A_314 = tpu.memref_slice %arg19[%dma_wait3A_312, %dma_wait3A_313] : memref<512x16xf32, #tpu.memory_space<vmem>> -> memref<128x16xf32, #tpu.memory_space<vmem>>
      %dma_wait3A_315 = arith.constant 0 : i32
      %dma_wait3A_316 = tpu.memref_slice %arg12[%dma_wait3A_311, %dma_wait3A_315] : memref<4x128xi32, #tpu.memory_space<vmem>> -> memref<1x128xi32, #tpu.memory_space<vmem>>
      %dma_wait3A_317 = tpu.memref_squeeze %dma_wait3A_316 : memref<1x128xi32, #tpu.memory_space<vmem>> -> memref<128xi32, #tpu.memory_space<vmem>>
      %dma_wait3A_318 = arith.constant 0 : i32
      %dma_wait3A_319 = arith.constant 0 : i32
      %dma_wait3A_320 = tpu.memref_slice %arg21[%dma_wait3A_318, %dma_wait3A_319] : memref<50048x16xf32, #tpu.memory_space<vmem_shared>> -> memref<50048x16xf32, #tpu.memory_space<vmem_shared>>
      tpu.wait_indirect_dma semaphore(%arg20 : memref<!tpu.dma_semaphore, #tpu.memory_space<semaphore_mem>>) src(%dma_wait3A_314 : memref<128x16xf32, #tpu.memory_space<vmem>>) dst(%dma_wait3A_320 : memref<50048x16xf32, #tpu.memory_space<vmem_shared>>)
      %dma_wait3A_321 = arith.constant 3 : i32
      %dma_wait3A_322 = arith.constant 384 : i32
      %dma_wait3A_323 = arith.constant 0 : i32
      %dma_wait3A_324 = tpu.memref_slice %arg19[%dma_wait3A_322, %dma_wait3A_323] : memref<512x16xf32, #tpu.memory_space<vmem>> -> memref<128x16xf32, #tpu.memory_space<vmem>>
      %dma_wait3A_325 = arith.constant 0 : i32
      %dma_wait3A_326 = tpu.memref_slice %arg12[%dma_wait3A_321, %dma_wait3A_325] : memref<4x128xi32, #tpu.memory_space<vmem>> -> memref<1x128xi32, #tpu.memory_space<vmem>>
      %dma_wait3A_327 = tpu.memref_squeeze %dma_wait3A_326 : memref<1x128xi32, #tpu.memory_space<vmem>> -> memref<128xi32, #tpu.memory_space<vmem>>
      %dma_wait3A_328 = arith.constant 0 : i32
      %dma_wait3A_329 = arith.constant 0 : i32
      %dma_wait3A_330 = tpu.memref_slice %arg21[%dma_wait3A_328, %dma_wait3A_329] : memref<50048x16xf32, #tpu.memory_space<vmem_shared>> -> memref<50048x16xf32, #tpu.memory_space<vmem_shared>>
      tpu.wait_indirect_dma semaphore(%arg20 : memref<!tpu.dma_semaphore, #tpu.memory_space<semaphore_mem>>) src(%dma_wait3A_324 : memref<128x16xf32, #tpu.memory_space<vmem>>) dst(%dma_wait3A_330 : memref<50048x16xf32, #tpu.memory_space<vmem_shared>>)
    }
    %scan3A_35 = arith.constant 50 : i32
    %barrier3A_36 = arith.constant 0 : index
    tpu.barrier barrier_id(%barrier3A_36)
    %mul3A_37 = arith.constant 3128 : i32
    %mul3A_38 = arith.muli %arg1, %mul3A_37 : i32
    %mul3A_39 = arith.constant 3128 : i32
    %mul3A_40 = arith.muli %arg1, %mul3A_39 : i32
    "tpu.region"() ({
      %run_scoped3A = tpu.sem_alloc : memref<!tpu.dma_semaphore, #tpu.memory_space<semaphore_mem>>
      %dma_start3A = arith.constant 0 : i32
      %dma_start3A_41 = tpu.memref_slice %arg10[%arg0, %mul3A_40, %dma_start3A] : memref<2x50048x16xf32, #tpu.memory_space<hbm>> -> memref<1x3128x16xf32, #tpu.memory_space<hbm>>
      %dma_start3A_42 = tpu.memref_squeeze %dma_start3A_41 : memref<1x3128x16xf32, #tpu.memory_space<hbm>> -> memref<3128x16xf32, #tpu.memory_space<hbm>>
      %dma_start3A_43 = arith.constant 0 : i32
      %dma_start3A_44 = tpu.memref_slice %arg21[%mul3A_38, %dma_start3A_43] : memref<50048x16xf32, #tpu.memory_space<vmem_shared>> -> memref<3128x16xf32, #tpu.memory_space<vmem_shared>>
      tpu.enqueue_dma source(%dma_start3A_44 : memref<3128x16xf32, #tpu.memory_space<vmem_shared>>) target(%dma_start3A_42 : memref<3128x16xf32, #tpu.memory_space<hbm>>) target_semaphore(%run_scoped3A : memref<!tpu.dma_semaphore, #tpu.memory_space<semaphore_mem>>)
      %dma_wait3A = arith.constant 0 : i32
      %dma_wait3A_45 = tpu.memref_slice %arg10[%arg0, %mul3A_40, %dma_wait3A] : memref<2x50048x16xf32, #tpu.memory_space<hbm>> -> memref<1x3128x16xf32, #tpu.memory_space<hbm>>
      %dma_wait3A_46 = tpu.memref_squeeze %dma_wait3A_45 : memref<1x3128x16xf32, #tpu.memory_space<hbm>> -> memref<3128x16xf32, #tpu.memory_space<hbm>>
      %dma_wait3A_47 = arith.constant 0 : i32
      %dma_wait3A_48 = tpu.memref_slice %arg21[%mul3A_38, %dma_wait3A_47] : memref<50048x16xf32, #tpu.memory_space<vmem_shared>> -> memref<3128x16xf32, #tpu.memory_space<vmem_shared>>
      tpu.wait_dma2 semaphore(%run_scoped3A : memref<!tpu.dma_semaphore, #tpu.memory_space<semaphore_mem>>) src(%dma_wait3A_48 : memref<3128x16xf32, #tpu.memory_space<vmem_shared>>) dst(%dma_wait3A_46 : memref<3128x16xf32, #tpu.memory_space<hbm>>)
      tpu.yield
    }) : () -> ()
    return
  }
}

#map = affine_map<(d0, d1) -> (0, 0, 0)>
#map1 = affine_map<(d0, d1) -> (0, 0)>
#map2 = affine_map<(d0, d1) -> (0)>
module attributes {stable_mosaic.version = 14 : i64} {
  func.func @_agg_body(%arg0: i32, %arg1: i32, %arg2: memref<2x6400x128xi32, #tpu.memory_space<hbm>>, %arg3: memref<6400x128xi32, #tpu.memory_space<hbm>>, %arg4: memref<819200xf32, #tpu.memory_space<hbm>>, %arg5: memref<100000x32xf32, #tpu.memory_space<hbm>>, %arg6: memref<50048x32xf32, #tpu.memory_space<hbm>>, %arg7: memref<2x50048x32xf32, #tpu.memory_space<hbm>>, %arg8: memref<4x128xi32, #tpu.memory_space<vmem>>, %arg9: memref<4x128xi32, #tpu.memory_space<vmem>>, %arg10: memref<528xf32, #tpu.memory_space<vmem>>, %arg11: memref<512x32xf32, #tpu.memory_space<vmem>>, %arg12: memref<!tpu.dma_semaphore, #tpu.memory_space<semaphore_mem>>, %arg13: memref<50048x32xf32, #tpu.memory_space<vmem_shared>>) attributes {dimension_semantics = [#tpu.dimension_semantics<core_parallel>, #tpu.dimension_semantics<subcore_parallel>], iteration_bounds = array<i64: 2, 16>, scalar_prefetch = 0 : i64, scratch_operands = 6 : i64, tpu.core_type = #tpu.core_type<sc_vector_subcore>, window_params = [{transform_indices = #map}, {transform_indices = #map1}, {transform_indices = #map2}, {transform_indices = #map1}, {transform_indices = #map1}, {transform_indices = #map}]} {
    %mul3A = arith.constant 3128 : i32
    %mul3A_0 = arith.muli %arg1, %mul3A : i32
    %mul3A_1 = arith.constant 3128 : i32
    %mul3A_2 = arith.muli %arg1, %mul3A_1 : i32
    "tpu.region"() ({
      %run_scoped3A = tpu.sem_alloc : memref<!tpu.dma_semaphore, #tpu.memory_space<semaphore_mem>>
      %dma_start3A = arith.constant 0 : i32
      %dma_start3A_17 = tpu.memref_slice %arg13[%mul3A_2, %dma_start3A] : memref<50048x32xf32, #tpu.memory_space<vmem_shared>> -> memref<3128x32xf32, #tpu.memory_space<vmem_shared>>
      %dma_start3A_18 = arith.constant 0 : i32
      %dma_start3A_19 = tpu.memref_slice %arg6[%mul3A_0, %dma_start3A_18] : memref<50048x32xf32, #tpu.memory_space<hbm>> -> memref<3128x32xf32, #tpu.memory_space<hbm>>
      tpu.enqueue_dma source(%dma_start3A_19 : memref<3128x32xf32, #tpu.memory_space<hbm>>) target(%dma_start3A_17 : memref<3128x32xf32, #tpu.memory_space<vmem_shared>>) target_semaphore(%run_scoped3A : memref<!tpu.dma_semaphore, #tpu.memory_space<semaphore_mem>>)
      %dma_wait3A = arith.constant 0 : i32
      %dma_wait3A_20 = tpu.memref_slice %arg13[%mul3A_2, %dma_wait3A] : memref<50048x32xf32, #tpu.memory_space<vmem_shared>> -> memref<3128x32xf32, #tpu.memory_space<vmem_shared>>
      %dma_wait3A_21 = arith.constant 0 : i32
      %dma_wait3A_22 = tpu.memref_slice %arg6[%mul3A_0, %dma_wait3A_21] : memref<50048x32xf32, #tpu.memory_space<hbm>> -> memref<3128x32xf32, #tpu.memory_space<hbm>>
      tpu.wait_dma2 semaphore(%run_scoped3A : memref<!tpu.dma_semaphore, #tpu.memory_space<semaphore_mem>>) src(%dma_wait3A_22 : memref<3128x32xf32, #tpu.memory_space<hbm>>) dst(%dma_wait3A_20 : memref<3128x32xf32, #tpu.memory_space<vmem_shared>>)
      tpu.yield
    }) : () -> ()
    %barrier3A = arith.constant 0 : index
    tpu.barrier barrier_id(%barrier3A)
    %mul3A_3 = arith.constant 400 : i32
    %mul3A_4 = arith.muli %arg1, %mul3A_3 : i32
    %mul3A_5 = arith.constant 51200 : i32
    %mul3A_6 = arith.muli %arg1, %mul3A_5 : i32
    %broadcast_in_dim3A = arith.constant 0 : i32
    %broadcast_in_dim3A_7 = vector.broadcast %broadcast_in_dim3A : i32 to vector<16xi32>
    %scan3A = arith.constant 0 : i32
    %scan3A_8 = arith.constant 100 : i32
    %scan3A_9 = arith.addi %scan3A, %scan3A_8 : i32
    %scan3A_10 = arith.constant 1 : i32
    scf.for %scan3A_17 = %scan3A to %scan3A_9 step %scan3A_10  : i32 {
      %mul3A_18 = arith.constant 1 : i32
      %mul3A_19 = arith.muli %scan3A_17, %mul3A_18 : i32
      %add3A = arith.constant 0 : i32
      %add3A_20 = arith.addi %add3A, %mul3A_19 : i32
      %mul3A_21 = arith.constant 4 : i32
      %mul3A_22 = arith.muli %add3A_20, %mul3A_21 : i32
      %add3A_23 = arith.addi %mul3A_4, %mul3A_22 : i32
      %mul3A_24 = arith.constant 512 : i32
      %mul3A_25 = arith.muli %add3A_20, %mul3A_24 : i32
      %add3A_26 = arith.addi %mul3A_6, %mul3A_25 : i32
      %dma_start3A = arith.constant 0 : i32
      %dma_start3A_27 = tpu.memref_slice %arg2[%arg0, %add3A_23, %dma_start3A] : memref<2x6400x128xi32, #tpu.memory_space<hbm>> -> memref<1x4x128xi32, #tpu.memory_space<hbm>>
      %dma_start3A_28 = tpu.memref_squeeze %dma_start3A_27 : memref<1x4x128xi32, #tpu.memory_space<hbm>> -> memref<4x128xi32, #tpu.memory_space<hbm>>
      %dma_start3A_29 = arith.constant 0 : i32
      %dma_start3A_30 = tpu.memref_slice %arg2[%arg0, %add3A_23, %dma_start3A_29] : memref<2x6400x128xi32, #tpu.memory_space<hbm>> -> memref<1x4x128xi32, #tpu.memory_space<hbm>>
      %dma_start3A_31 = tpu.memref_squeeze %dma_start3A_30 : memref<1x4x128xi32, #tpu.memory_space<hbm>> -> memref<4x128xi32, #tpu.memory_space<hbm>>
      tpu.enqueue_dma source(%dma_start3A_31 : memref<4x128xi32, #tpu.memory_space<hbm>>) target(%arg8 : memref<4x128xi32, #tpu.memory_space<vmem>>) target_semaphore(%arg12 : memref<!tpu.dma_semaphore, #tpu.memory_space<semaphore_mem>>)
      %dma_start3A_32 = arith.constant 0 : i32
      %dma_start3A_33 = tpu.memref_slice %arg3[%add3A_23, %dma_start3A_32] : memref<6400x128xi32, #tpu.memory_space<hbm>> -> memref<4x128xi32, #tpu.memory_space<hbm>>
      %dma_start3A_34 = arith.constant 0 : i32
      %dma_start3A_35 = tpu.memref_slice %arg3[%add3A_23, %dma_start3A_34] : memref<6400x128xi32, #tpu.memory_space<hbm>> -> memref<4x128xi32, #tpu.memory_space<hbm>>
      tpu.enqueue_dma source(%dma_start3A_35 : memref<4x128xi32, #tpu.memory_space<hbm>>) target(%arg9 : memref<4x128xi32, #tpu.memory_space<vmem>>) target_semaphore(%arg12 : memref<!tpu.dma_semaphore, #tpu.memory_space<semaphore_mem>>)
      %dma_start3A_36 = arith.constant 0 : i32
      %dma_start3A_37 = tpu.memref_slice %arg10[%dma_start3A_36] : memref<528xf32, #tpu.memory_space<vmem>> -> memref<512xf32, #tpu.memory_space<vmem>>
      %dma_start3A_38 = tpu.memref_slice %arg4[%add3A_26] : memref<819200xf32, #tpu.memory_space<hbm>> -> memref<512xf32, #tpu.memory_space<hbm>>
      %dma_start3A_39 = arith.constant 0 : i32
      %dma_start3A_40 = tpu.memref_slice %arg10[%dma_start3A_39] : memref<528xf32, #tpu.memory_space<vmem>> -> memref<512xf32, #tpu.memory_space<vmem>>
      %dma_start3A_41 = tpu.memref_slice %arg4[%add3A_26] : memref<819200xf32, #tpu.memory_space<hbm>> -> memref<512xf32, #tpu.memory_space<hbm>>
      tpu.enqueue_dma source(%dma_start3A_41 : memref<512xf32, #tpu.memory_space<hbm>>) target(%dma_start3A_40 : memref<512xf32, #tpu.memory_space<vmem>>) target_semaphore(%arg12 : memref<!tpu.dma_semaphore, #tpu.memory_space<semaphore_mem>>)
      %dma_wait3A = arith.constant 0 : i32
      %dma_wait3A_42 = tpu.memref_slice %arg2[%arg0, %add3A_23, %dma_wait3A] : memref<2x6400x128xi32, #tpu.memory_space<hbm>> -> memref<1x4x128xi32, #tpu.memory_space<hbm>>
      %dma_wait3A_43 = tpu.memref_squeeze %dma_wait3A_42 : memref<1x4x128xi32, #tpu.memory_space<hbm>> -> memref<4x128xi32, #tpu.memory_space<hbm>>
      %dma_wait3A_44 = arith.constant 0 : i32
      %dma_wait3A_45 = tpu.memref_slice %arg2[%arg0, %add3A_23, %dma_wait3A_44] : memref<2x6400x128xi32, #tpu.memory_space<hbm>> -> memref<1x4x128xi32, #tpu.memory_space<hbm>>
      %dma_wait3A_46 = tpu.memref_squeeze %dma_wait3A_45 : memref<1x4x128xi32, #tpu.memory_space<hbm>> -> memref<4x128xi32, #tpu.memory_space<hbm>>
      tpu.wait_dma2 semaphore(%arg12 : memref<!tpu.dma_semaphore, #tpu.memory_space<semaphore_mem>>) src(%dma_wait3A_46 : memref<4x128xi32, #tpu.memory_space<hbm>>) dst(%arg8 : memref<4x128xi32, #tpu.memory_space<vmem>>)
      %dma_wait3A_47 = arith.constant 0 : i32
      %dma_wait3A_48 = tpu.memref_slice %arg3[%add3A_23, %dma_wait3A_47] : memref<6400x128xi32, #tpu.memory_space<hbm>> -> memref<4x128xi32, #tpu.memory_space<hbm>>
      %dma_wait3A_49 = arith.constant 0 : i32
      %dma_wait3A_50 = tpu.memref_slice %arg3[%add3A_23, %dma_wait3A_49] : memref<6400x128xi32, #tpu.memory_space<hbm>> -> memref<4x128xi32, #tpu.memory_space<hbm>>
      tpu.wait_dma2 semaphore(%arg12 : memref<!tpu.dma_semaphore, #tpu.memory_space<semaphore_mem>>) src(%dma_wait3A_50 : memref<4x128xi32, #tpu.memory_space<hbm>>) dst(%arg9 : memref<4x128xi32, #tpu.memory_space<vmem>>)
      %dma_wait3A_51 = arith.constant 0 : i32
      %dma_wait3A_52 = tpu.memref_slice %arg10[%dma_wait3A_51] : memref<528xf32, #tpu.memory_space<vmem>> -> memref<512xf32, #tpu.memory_space<vmem>>
      %dma_wait3A_53 = tpu.memref_slice %arg4[%add3A_26] : memref<819200xf32, #tpu.memory_space<hbm>> -> memref<512xf32, #tpu.memory_space<hbm>>
      %dma_wait3A_54 = arith.constant 0 : i32
      %dma_wait3A_55 = tpu.memref_slice %arg10[%dma_wait3A_54] : memref<528xf32, #tpu.memory_space<vmem>> -> memref<512xf32, #tpu.memory_space<vmem>>
      %dma_wait3A_56 = tpu.memref_slice %arg4[%add3A_26] : memref<819200xf32, #tpu.memory_space<hbm>> -> memref<512xf32, #tpu.memory_space<hbm>>
      tpu.wait_dma2 semaphore(%arg12 : memref<!tpu.dma_semaphore, #tpu.memory_space<semaphore_mem>>) src(%dma_wait3A_56 : memref<512xf32, #tpu.memory_space<hbm>>) dst(%dma_wait3A_55 : memref<512xf32, #tpu.memory_space<vmem>>)
      %dma_start3A_57 = arith.constant 0 : i32
      %dma_start3A_58 = arith.constant 0 : i32
      %dma_start3A_59 = arith.constant 0 : i32
      %dma_start3A_60 = tpu.memref_slice %arg11[%dma_start3A_58, %dma_start3A_59] : memref<512x32xf32, #tpu.memory_space<vmem>> -> memref<128x32xf32, #tpu.memory_space<vmem>>
      %dma_start3A_61 = arith.constant 0 : i32
      %dma_start3A_62 = tpu.memref_slice %arg8[%dma_start3A_57, %dma_start3A_61] : memref<4x128xi32, #tpu.memory_space<vmem>> -> memref<1x128xi32, #tpu.memory_space<vmem>>
      %dma_start3A_63 = tpu.memref_squeeze %dma_start3A_62 : memref<1x128xi32, #tpu.memory_space<vmem>> -> memref<128xi32, #tpu.memory_space<vmem>>
      %dma_start3A_64 = arith.constant 0 : i32
      %dma_start3A_65 = arith.constant 0 : i32
      %dma_start3A_66 = tpu.memref_slice %arg5[%dma_start3A_64, %dma_start3A_65] : memref<100000x32xf32, #tpu.memory_space<hbm>> -> memref<100000x32xf32, #tpu.memory_space<hbm>>
      tpu.enqueue_indirect_dma source(%dma_start3A_66 : memref<100000x32xf32, #tpu.memory_space<hbm>>) target(%dma_start3A_60 : memref<128x32xf32, #tpu.memory_space<vmem>>) offsets(%dma_start3A_63 : memref<128xi32, #tpu.memory_space<vmem>>) semaphore(%arg12 : memref<!tpu.dma_semaphore, #tpu.memory_space<semaphore_mem>>)
      %dma_start3A_67 = arith.constant 1 : i32
      %dma_start3A_68 = arith.constant 128 : i32
      %dma_start3A_69 = arith.constant 0 : i32
      %dma_start3A_70 = tpu.memref_slice %arg11[%dma_start3A_68, %dma_start3A_69] : memref<512x32xf32, #tpu.memory_space<vmem>> -> memref<128x32xf32, #tpu.memory_space<vmem>>
      %dma_start3A_71 = arith.constant 0 : i32
      %dma_start3A_72 = tpu.memref_slice %arg8[%dma_start3A_67, %dma_start3A_71] : memref<4x128xi32, #tpu.memory_space<vmem>> -> memref<1x128xi32, #tpu.memory_space<vmem>>
      %dma_start3A_73 = tpu.memref_squeeze %dma_start3A_72 : memref<1x128xi32, #tpu.memory_space<vmem>> -> memref<128xi32, #tpu.memory_space<vmem>>
      %dma_start3A_74 = arith.constant 0 : i32
      %dma_start3A_75 = arith.constant 0 : i32
      %dma_start3A_76 = tpu.memref_slice %arg5[%dma_start3A_74, %dma_start3A_75] : memref<100000x32xf32, #tpu.memory_space<hbm>> -> memref<100000x32xf32, #tpu.memory_space<hbm>>
      tpu.enqueue_indirect_dma source(%dma_start3A_76 : memref<100000x32xf32, #tpu.memory_space<hbm>>) target(%dma_start3A_70 : memref<128x32xf32, #tpu.memory_space<vmem>>) offsets(%dma_start3A_73 : memref<128xi32, #tpu.memory_space<vmem>>) semaphore(%arg12 : memref<!tpu.dma_semaphore, #tpu.memory_space<semaphore_mem>>)
      %dma_start3A_77 = arith.constant 2 : i32
      %dma_start3A_78 = arith.constant 256 : i32
      %dma_start3A_79 = arith.constant 0 : i32
      %dma_start3A_80 = tpu.memref_slice %arg11[%dma_start3A_78, %dma_start3A_79] : memref<512x32xf32, #tpu.memory_space<vmem>> -> memref<128x32xf32, #tpu.memory_space<vmem>>
      %dma_start3A_81 = arith.constant 0 : i32
      %dma_start3A_82 = tpu.memref_slice %arg8[%dma_start3A_77, %dma_start3A_81] : memref<4x128xi32, #tpu.memory_space<vmem>> -> memref<1x128xi32, #tpu.memory_space<vmem>>
      %dma_start3A_83 = tpu.memref_squeeze %dma_start3A_82 : memref<1x128xi32, #tpu.memory_space<vmem>> -> memref<128xi32, #tpu.memory_space<vmem>>
      %dma_start3A_84 = arith.constant 0 : i32
      %dma_start3A_85 = arith.constant 0 : i32
      %dma_start3A_86 = tpu.memref_slice %arg5[%dma_start3A_84, %dma_start3A_85] : memref<100000x32xf32, #tpu.memory_space<hbm>> -> memref<100000x32xf32, #tpu.memory_space<hbm>>
      tpu.enqueue_indirect_dma source(%dma_start3A_86 : memref<100000x32xf32, #tpu.memory_space<hbm>>) target(%dma_start3A_80 : memref<128x32xf32, #tpu.memory_space<vmem>>) offsets(%dma_start3A_83 : memref<128xi32, #tpu.memory_space<vmem>>) semaphore(%arg12 : memref<!tpu.dma_semaphore, #tpu.memory_space<semaphore_mem>>)
      %dma_start3A_87 = arith.constant 3 : i32
      %dma_start3A_88 = arith.constant 384 : i32
      %dma_start3A_89 = arith.constant 0 : i32
      %dma_start3A_90 = tpu.memref_slice %arg11[%dma_start3A_88, %dma_start3A_89] : memref<512x32xf32, #tpu.memory_space<vmem>> -> memref<128x32xf32, #tpu.memory_space<vmem>>
      %dma_start3A_91 = arith.constant 0 : i32
      %dma_start3A_92 = tpu.memref_slice %arg8[%dma_start3A_87, %dma_start3A_91] : memref<4x128xi32, #tpu.memory_space<vmem>> -> memref<1x128xi32, #tpu.memory_space<vmem>>
      %dma_start3A_93 = tpu.memref_squeeze %dma_start3A_92 : memref<1x128xi32, #tpu.memory_space<vmem>> -> memref<128xi32, #tpu.memory_space<vmem>>
      %dma_start3A_94 = arith.constant 0 : i32
      %dma_start3A_95 = arith.constant 0 : i32
      %dma_start3A_96 = tpu.memref_slice %arg5[%dma_start3A_94, %dma_start3A_95] : memref<100000x32xf32, #tpu.memory_space<hbm>> -> memref<100000x32xf32, #tpu.memory_space<hbm>>
      tpu.enqueue_indirect_dma source(%dma_start3A_96 : memref<100000x32xf32, #tpu.memory_space<hbm>>) target(%dma_start3A_90 : memref<128x32xf32, #tpu.memory_space<vmem>>) offsets(%dma_start3A_93 : memref<128xi32, #tpu.memory_space<vmem>>) semaphore(%arg12 : memref<!tpu.dma_semaphore, #tpu.memory_space<semaphore_mem>>)
      %dma_wait3A_97 = arith.constant 0 : i32
      %dma_wait3A_98 = arith.constant 0 : i32
      %dma_wait3A_99 = arith.constant 0 : i32
      %dma_wait3A_100 = tpu.memref_slice %arg11[%dma_wait3A_98, %dma_wait3A_99] : memref<512x32xf32, #tpu.memory_space<vmem>> -> memref<128x32xf32, #tpu.memory_space<vmem>>
      %dma_wait3A_101 = arith.constant 0 : i32
      %dma_wait3A_102 = tpu.memref_slice %arg8[%dma_wait3A_97, %dma_wait3A_101] : memref<4x128xi32, #tpu.memory_space<vmem>> -> memref<1x128xi32, #tpu.memory_space<vmem>>
      %dma_wait3A_103 = tpu.memref_squeeze %dma_wait3A_102 : memref<1x128xi32, #tpu.memory_space<vmem>> -> memref<128xi32, #tpu.memory_space<vmem>>
      %dma_wait3A_104 = arith.constant 0 : i32
      %dma_wait3A_105 = arith.constant 0 : i32
      %dma_wait3A_106 = tpu.memref_slice %arg5[%dma_wait3A_104, %dma_wait3A_105] : memref<100000x32xf32, #tpu.memory_space<hbm>> -> memref<100000x32xf32, #tpu.memory_space<hbm>>
      tpu.wait_indirect_dma semaphore(%arg12 : memref<!tpu.dma_semaphore, #tpu.memory_space<semaphore_mem>>) src(%dma_wait3A_106 : memref<100000x32xf32, #tpu.memory_space<hbm>>) dst(%dma_wait3A_100 : memref<128x32xf32, #tpu.memory_space<vmem>>)
      %dma_wait3A_107 = arith.constant 1 : i32
      %dma_wait3A_108 = arith.constant 128 : i32
      %dma_wait3A_109 = arith.constant 0 : i32
      %dma_wait3A_110 = tpu.memref_slice %arg11[%dma_wait3A_108, %dma_wait3A_109] : memref<512x32xf32, #tpu.memory_space<vmem>> -> memref<128x32xf32, #tpu.memory_space<vmem>>
      %dma_wait3A_111 = arith.constant 0 : i32
      %dma_wait3A_112 = tpu.memref_slice %arg8[%dma_wait3A_107, %dma_wait3A_111] : memref<4x128xi32, #tpu.memory_space<vmem>> -> memref<1x128xi32, #tpu.memory_space<vmem>>
      %dma_wait3A_113 = tpu.memref_squeeze %dma_wait3A_112 : memref<1x128xi32, #tpu.memory_space<vmem>> -> memref<128xi32, #tpu.memory_space<vmem>>
      %dma_wait3A_114 = arith.constant 0 : i32
      %dma_wait3A_115 = arith.constant 0 : i32
      %dma_wait3A_116 = tpu.memref_slice %arg5[%dma_wait3A_114, %dma_wait3A_115] : memref<100000x32xf32, #tpu.memory_space<hbm>> -> memref<100000x32xf32, #tpu.memory_space<hbm>>
      tpu.wait_indirect_dma semaphore(%arg12 : memref<!tpu.dma_semaphore, #tpu.memory_space<semaphore_mem>>) src(%dma_wait3A_116 : memref<100000x32xf32, #tpu.memory_space<hbm>>) dst(%dma_wait3A_110 : memref<128x32xf32, #tpu.memory_space<vmem>>)
      %dma_wait3A_117 = arith.constant 2 : i32
      %dma_wait3A_118 = arith.constant 256 : i32
      %dma_wait3A_119 = arith.constant 0 : i32
      %dma_wait3A_120 = tpu.memref_slice %arg11[%dma_wait3A_118, %dma_wait3A_119] : memref<512x32xf32, #tpu.memory_space<vmem>> -> memref<128x32xf32, #tpu.memory_space<vmem>>
      %dma_wait3A_121 = arith.constant 0 : i32
      %dma_wait3A_122 = tpu.memref_slice %arg8[%dma_wait3A_117, %dma_wait3A_121] : memref<4x128xi32, #tpu.memory_space<vmem>> -> memref<1x128xi32, #tpu.memory_space<vmem>>
      %dma_wait3A_123 = tpu.memref_squeeze %dma_wait3A_122 : memref<1x128xi32, #tpu.memory_space<vmem>> -> memref<128xi32, #tpu.memory_space<vmem>>
      %dma_wait3A_124 = arith.constant 0 : i32
      %dma_wait3A_125 = arith.constant 0 : i32
      %dma_wait3A_126 = tpu.memref_slice %arg5[%dma_wait3A_124, %dma_wait3A_125] : memref<100000x32xf32, #tpu.memory_space<hbm>> -> memref<100000x32xf32, #tpu.memory_space<hbm>>
      tpu.wait_indirect_dma semaphore(%arg12 : memref<!tpu.dma_semaphore, #tpu.memory_space<semaphore_mem>>) src(%dma_wait3A_126 : memref<100000x32xf32, #tpu.memory_space<hbm>>) dst(%dma_wait3A_120 : memref<128x32xf32, #tpu.memory_space<vmem>>)
      %dma_wait3A_127 = arith.constant 3 : i32
      %dma_wait3A_128 = arith.constant 384 : i32
      %dma_wait3A_129 = arith.constant 0 : i32
      %dma_wait3A_130 = tpu.memref_slice %arg11[%dma_wait3A_128, %dma_wait3A_129] : memref<512x32xf32, #tpu.memory_space<vmem>> -> memref<128x32xf32, #tpu.memory_space<vmem>>
      %dma_wait3A_131 = arith.constant 0 : i32
      %dma_wait3A_132 = tpu.memref_slice %arg8[%dma_wait3A_127, %dma_wait3A_131] : memref<4x128xi32, #tpu.memory_space<vmem>> -> memref<1x128xi32, #tpu.memory_space<vmem>>
      %dma_wait3A_133 = tpu.memref_squeeze %dma_wait3A_132 : memref<1x128xi32, #tpu.memory_space<vmem>> -> memref<128xi32, #tpu.memory_space<vmem>>
      %dma_wait3A_134 = arith.constant 0 : i32
      %dma_wait3A_135 = arith.constant 0 : i32
      %dma_wait3A_136 = tpu.memref_slice %arg5[%dma_wait3A_134, %dma_wait3A_135] : memref<100000x32xf32, #tpu.memory_space<hbm>> -> memref<100000x32xf32, #tpu.memory_space<hbm>>
      tpu.wait_indirect_dma semaphore(%arg12 : memref<!tpu.dma_semaphore, #tpu.memory_space<semaphore_mem>>) src(%dma_wait3A_136 : memref<100000x32xf32, #tpu.memory_space<hbm>>) dst(%dma_wait3A_130 : memref<128x32xf32, #tpu.memory_space<vmem>>)
      %parallel_loop3A = arith.constant 0 : i32
      %parallel_loop3A_137 = arith.constant 512 : i32
      %parallel_loop3A_138 = arith.constant 1 : i32
      scf.for %parallel_loop3A_219 = %parallel_loop3A to %parallel_loop3A_137 step %parallel_loop3A_138  : i32 {
        %parallel_loop3A_220 = arith.index_cast %parallel_loop3A_219 : i32 to index
        %parallel_loop3A_221 = tpu.vector_load %arg10[%parallel_loop3A_220] {strides = array<i32>} : memref<528xf32, #tpu.memory_space<vmem>>, vector<16xf32>,
        %parallel_loop3A_222 = arith.constant 0 : i32
        %parallel_loop3A_223 = vector.broadcast %parallel_loop3A_222 : i32 to vector<16xi32>
        %parallel_loop3A_224 = arith.cmpi slt, %broadcast_in_dim3A_7, %parallel_loop3A_223 : vector<16xi32>
        %parallel_loop3A_225 = arith.constant 16 : i32
        %parallel_loop3A_226 = vector.broadcast %parallel_loop3A_225 : i32 to vector<16xi32>
        %parallel_loop3A_227 = arith.addi %broadcast_in_dim3A_7, %parallel_loop3A_226 : vector<16xi32>
        %parallel_loop3A_228 = arith.select %parallel_loop3A_224, %parallel_loop3A_227, %broadcast_in_dim3A_7 : vector<16xi1>, vector<16xi32>
        %parallel_loop3A_229 = vector.shape_cast %parallel_loop3A_228 : vector<16xi32> to vector<16x1xi32>
        %parallel_loop3A_230 = vector.shape_cast %parallel_loop3A_229 : vector<16x1xi32> to vector<16xi32>
        %parallel_loop3A_231 = tpu.dynamic_gather %parallel_loop3A_221[%parallel_loop3A_230] in [0] : vector<16xf32>, vector<16xi32> -> vector<16xf32>
        %parallel_loop3A_232 = arith.index_cast %parallel_loop3A_219 : i32 to index
        %parallel_loop3A_233 = arith.constant 0 : index
        %parallel_loop3A_234 = tpu.vector_load %arg11[%parallel_loop3A_232, %parallel_loop3A_233] {strides = array<i32>} : memref<512x32xf32, #tpu.memory_space<vmem>>, vector<16xf32>,
        %parallel_loop3A_235 = arith.mulf %parallel_loop3A_234, %parallel_loop3A_231 : vector<16xf32>
        %parallel_loop3A_236 = arith.index_cast %parallel_loop3A_219 : i32 to index
        %parallel_loop3A_237 = arith.constant 0 : index
        %parallel_loop3A_238 = tpu.vector_load %arg11[%parallel_loop3A_236, %parallel_loop3A_237] {strides = array<i32>} : memref<512x32xf32, #tpu.memory_space<vmem>>, vector<16xf32>,
        tpu.vector_store %arg11[%parallel_loop3A_236, %parallel_loop3A_237], %parallel_loop3A_235 {strides = array<i32>} : memref<512x32xf32, #tpu.memory_space<vmem>>, vector<16xf32>,
        %parallel_loop3A_239 = arith.index_cast %parallel_loop3A_219 : i32 to index
        %parallel_loop3A_240 = arith.constant 16 : index
        %parallel_loop3A_241 = tpu.vector_load %arg11[%parallel_loop3A_239, %parallel_loop3A_240] {strides = array<i32>} : memref<512x32xf32, #tpu.memory_space<vmem>>, vector<16xf32>,
        %parallel_loop3A_242 = arith.mulf %parallel_loop3A_241, %parallel_loop3A_231 : vector<16xf32>
        %parallel_loop3A_243 = arith.index_cast %parallel_loop3A_219 : i32 to index
        %parallel_loop3A_244 = arith.constant 16 : index
        %parallel_loop3A_245 = tpu.vector_load %arg11[%parallel_loop3A_243, %parallel_loop3A_244] {strides = array<i32>} : memref<512x32xf32, #tpu.memory_space<vmem>>, vector<16xf32>,
        tpu.vector_store %arg11[%parallel_loop3A_243, %parallel_loop3A_244], %parallel_loop3A_242 {strides = array<i32>} : memref<512x32xf32, #tpu.memory_space<vmem>>, vector<16xf32>,
      } {sc.loop_unroll_factor = 8 : i64, sc.parallel_access}
      %dma_start3A_139 = arith.constant 0 : i32
      %dma_start3A_140 = arith.constant 0 : i32
      %dma_start3A_141 = arith.constant 0 : i32
      %dma_start3A_142 = tpu.memref_slice %arg11[%dma_start3A_140, %dma_start3A_141] : memref<512x32xf32, #tpu.memory_space<vmem>> -> memref<128x32xf32, #tpu.memory_space<vmem>>
      %dma_start3A_143 = arith.constant 0 : i32
      %dma_start3A_144 = tpu.memref_slice %arg9[%dma_start3A_139, %dma_start3A_143] : memref<4x128xi32, #tpu.memory_space<vmem>> -> memref<1x128xi32, #tpu.memory_space<vmem>>
      %dma_start3A_145 = tpu.memref_squeeze %dma_start3A_144 : memref<1x128xi32, #tpu.memory_space<vmem>> -> memref<128xi32, #tpu.memory_space<vmem>>
      %dma_start3A_146 = arith.constant 0 : i32
      %dma_start3A_147 = arith.constant 0 : i32
      %dma_start3A_148 = tpu.memref_slice %arg13[%dma_start3A_146, %dma_start3A_147] : memref<50048x32xf32, #tpu.memory_space<vmem_shared>> -> memref<50048x32xf32, #tpu.memory_space<vmem_shared>>
      tpu.enqueue_indirect_dma source(%dma_start3A_142 : memref<128x32xf32, #tpu.memory_space<vmem>>) target(%dma_start3A_148 : memref<50048x32xf32, #tpu.memory_space<vmem_shared>>) offsets(%dma_start3A_145 : memref<128xi32, #tpu.memory_space<vmem>>) semaphore(%arg12 : memref<!tpu.dma_semaphore, #tpu.memory_space<semaphore_mem>>) {add = true}
      %dma_start3A_149 = arith.constant 1 : i32
      %dma_start3A_150 = arith.constant 128 : i32
      %dma_start3A_151 = arith.constant 0 : i32
      %dma_start3A_152 = tpu.memref_slice %arg11[%dma_start3A_150, %dma_start3A_151] : memref<512x32xf32, #tpu.memory_space<vmem>> -> memref<128x32xf32, #tpu.memory_space<vmem>>
      %dma_start3A_153 = arith.constant 0 : i32
      %dma_start3A_154 = tpu.memref_slice %arg9[%dma_start3A_149, %dma_start3A_153] : memref<4x128xi32, #tpu.memory_space<vmem>> -> memref<1x128xi32, #tpu.memory_space<vmem>>
      %dma_start3A_155 = tpu.memref_squeeze %dma_start3A_154 : memref<1x128xi32, #tpu.memory_space<vmem>> -> memref<128xi32, #tpu.memory_space<vmem>>
      %dma_start3A_156 = arith.constant 0 : i32
      %dma_start3A_157 = arith.constant 0 : i32
      %dma_start3A_158 = tpu.memref_slice %arg13[%dma_start3A_156, %dma_start3A_157] : memref<50048x32xf32, #tpu.memory_space<vmem_shared>> -> memref<50048x32xf32, #tpu.memory_space<vmem_shared>>
      tpu.enqueue_indirect_dma source(%dma_start3A_152 : memref<128x32xf32, #tpu.memory_space<vmem>>) target(%dma_start3A_158 : memref<50048x32xf32, #tpu.memory_space<vmem_shared>>) offsets(%dma_start3A_155 : memref<128xi32, #tpu.memory_space<vmem>>) semaphore(%arg12 : memref<!tpu.dma_semaphore, #tpu.memory_space<semaphore_mem>>) {add = true}
      %dma_start3A_159 = arith.constant 2 : i32
      %dma_start3A_160 = arith.constant 256 : i32
      %dma_start3A_161 = arith.constant 0 : i32
      %dma_start3A_162 = tpu.memref_slice %arg11[%dma_start3A_160, %dma_start3A_161] : memref<512x32xf32, #tpu.memory_space<vmem>> -> memref<128x32xf32, #tpu.memory_space<vmem>>
      %dma_start3A_163 = arith.constant 0 : i32
      %dma_start3A_164 = tpu.memref_slice %arg9[%dma_start3A_159, %dma_start3A_163] : memref<4x128xi32, #tpu.memory_space<vmem>> -> memref<1x128xi32, #tpu.memory_space<vmem>>
      %dma_start3A_165 = tpu.memref_squeeze %dma_start3A_164 : memref<1x128xi32, #tpu.memory_space<vmem>> -> memref<128xi32, #tpu.memory_space<vmem>>
      %dma_start3A_166 = arith.constant 0 : i32
      %dma_start3A_167 = arith.constant 0 : i32
      %dma_start3A_168 = tpu.memref_slice %arg13[%dma_start3A_166, %dma_start3A_167] : memref<50048x32xf32, #tpu.memory_space<vmem_shared>> -> memref<50048x32xf32, #tpu.memory_space<vmem_shared>>
      tpu.enqueue_indirect_dma source(%dma_start3A_162 : memref<128x32xf32, #tpu.memory_space<vmem>>) target(%dma_start3A_168 : memref<50048x32xf32, #tpu.memory_space<vmem_shared>>) offsets(%dma_start3A_165 : memref<128xi32, #tpu.memory_space<vmem>>) semaphore(%arg12 : memref<!tpu.dma_semaphore, #tpu.memory_space<semaphore_mem>>) {add = true}
      %dma_start3A_169 = arith.constant 3 : i32
      %dma_start3A_170 = arith.constant 384 : i32
      %dma_start3A_171 = arith.constant 0 : i32
      %dma_start3A_172 = tpu.memref_slice %arg11[%dma_start3A_170, %dma_start3A_171] : memref<512x32xf32, #tpu.memory_space<vmem>> -> memref<128x32xf32, #tpu.memory_space<vmem>>
      %dma_start3A_173 = arith.constant 0 : i32
      %dma_start3A_174 = tpu.memref_slice %arg9[%dma_start3A_169, %dma_start3A_173] : memref<4x128xi32, #tpu.memory_space<vmem>> -> memref<1x128xi32, #tpu.memory_space<vmem>>
      %dma_start3A_175 = tpu.memref_squeeze %dma_start3A_174 : memref<1x128xi32, #tpu.memory_space<vmem>> -> memref<128xi32, #tpu.memory_space<vmem>>
      %dma_start3A_176 = arith.constant 0 : i32
      %dma_start3A_177 = arith.constant 0 : i32
      %dma_start3A_178 = tpu.memref_slice %arg13[%dma_start3A_176, %dma_start3A_177] : memref<50048x32xf32, #tpu.memory_space<vmem_shared>> -> memref<50048x32xf32, #tpu.memory_space<vmem_shared>>
      tpu.enqueue_indirect_dma source(%dma_start3A_172 : memref<128x32xf32, #tpu.memory_space<vmem>>) target(%dma_start3A_178 : memref<50048x32xf32, #tpu.memory_space<vmem_shared>>) offsets(%dma_start3A_175 : memref<128xi32, #tpu.memory_space<vmem>>) semaphore(%arg12 : memref<!tpu.dma_semaphore, #tpu.memory_space<semaphore_mem>>) {add = true}
      %dma_wait3A_179 = arith.constant 0 : i32
      %dma_wait3A_180 = arith.constant 0 : i32
      %dma_wait3A_181 = arith.constant 0 : i32
      %dma_wait3A_182 = tpu.memref_slice %arg11[%dma_wait3A_180, %dma_wait3A_181] : memref<512x32xf32, #tpu.memory_space<vmem>> -> memref<128x32xf32, #tpu.memory_space<vmem>>
      %dma_wait3A_183 = arith.constant 0 : i32
      %dma_wait3A_184 = tpu.memref_slice %arg9[%dma_wait3A_179, %dma_wait3A_183] : memref<4x128xi32, #tpu.memory_space<vmem>> -> memref<1x128xi32, #tpu.memory_space<vmem>>
      %dma_wait3A_185 = tpu.memref_squeeze %dma_wait3A_184 : memref<1x128xi32, #tpu.memory_space<vmem>> -> memref<128xi32, #tpu.memory_space<vmem>>
      %dma_wait3A_186 = arith.constant 0 : i32
      %dma_wait3A_187 = arith.constant 0 : i32
      %dma_wait3A_188 = tpu.memref_slice %arg13[%dma_wait3A_186, %dma_wait3A_187] : memref<50048x32xf32, #tpu.memory_space<vmem_shared>> -> memref<50048x32xf32, #tpu.memory_space<vmem_shared>>
      tpu.wait_indirect_dma semaphore(%arg12 : memref<!tpu.dma_semaphore, #tpu.memory_space<semaphore_mem>>) src(%dma_wait3A_182 : memref<128x32xf32, #tpu.memory_space<vmem>>) dst(%dma_wait3A_188 : memref<50048x32xf32, #tpu.memory_space<vmem_shared>>)
      %dma_wait3A_189 = arith.constant 1 : i32
      %dma_wait3A_190 = arith.constant 128 : i32
      %dma_wait3A_191 = arith.constant 0 : i32
      %dma_wait3A_192 = tpu.memref_slice %arg11[%dma_wait3A_190, %dma_wait3A_191] : memref<512x32xf32, #tpu.memory_space<vmem>> -> memref<128x32xf32, #tpu.memory_space<vmem>>
      %dma_wait3A_193 = arith.constant 0 : i32
      %dma_wait3A_194 = tpu.memref_slice %arg9[%dma_wait3A_189, %dma_wait3A_193] : memref<4x128xi32, #tpu.memory_space<vmem>> -> memref<1x128xi32, #tpu.memory_space<vmem>>
      %dma_wait3A_195 = tpu.memref_squeeze %dma_wait3A_194 : memref<1x128xi32, #tpu.memory_space<vmem>> -> memref<128xi32, #tpu.memory_space<vmem>>
      %dma_wait3A_196 = arith.constant 0 : i32
      %dma_wait3A_197 = arith.constant 0 : i32
      %dma_wait3A_198 = tpu.memref_slice %arg13[%dma_wait3A_196, %dma_wait3A_197] : memref<50048x32xf32, #tpu.memory_space<vmem_shared>> -> memref<50048x32xf32, #tpu.memory_space<vmem_shared>>
      tpu.wait_indirect_dma semaphore(%arg12 : memref<!tpu.dma_semaphore, #tpu.memory_space<semaphore_mem>>) src(%dma_wait3A_192 : memref<128x32xf32, #tpu.memory_space<vmem>>) dst(%dma_wait3A_198 : memref<50048x32xf32, #tpu.memory_space<vmem_shared>>)
      %dma_wait3A_199 = arith.constant 2 : i32
      %dma_wait3A_200 = arith.constant 256 : i32
      %dma_wait3A_201 = arith.constant 0 : i32
      %dma_wait3A_202 = tpu.memref_slice %arg11[%dma_wait3A_200, %dma_wait3A_201] : memref<512x32xf32, #tpu.memory_space<vmem>> -> memref<128x32xf32, #tpu.memory_space<vmem>>
      %dma_wait3A_203 = arith.constant 0 : i32
      %dma_wait3A_204 = tpu.memref_slice %arg9[%dma_wait3A_199, %dma_wait3A_203] : memref<4x128xi32, #tpu.memory_space<vmem>> -> memref<1x128xi32, #tpu.memory_space<vmem>>
      %dma_wait3A_205 = tpu.memref_squeeze %dma_wait3A_204 : memref<1x128xi32, #tpu.memory_space<vmem>> -> memref<128xi32, #tpu.memory_space<vmem>>
      %dma_wait3A_206 = arith.constant 0 : i32
      %dma_wait3A_207 = arith.constant 0 : i32
      %dma_wait3A_208 = tpu.memref_slice %arg13[%dma_wait3A_206, %dma_wait3A_207] : memref<50048x32xf32, #tpu.memory_space<vmem_shared>> -> memref<50048x32xf32, #tpu.memory_space<vmem_shared>>
      tpu.wait_indirect_dma semaphore(%arg12 : memref<!tpu.dma_semaphore, #tpu.memory_space<semaphore_mem>>) src(%dma_wait3A_202 : memref<128x32xf32, #tpu.memory_space<vmem>>) dst(%dma_wait3A_208 : memref<50048x32xf32, #tpu.memory_space<vmem_shared>>)
      %dma_wait3A_209 = arith.constant 3 : i32
      %dma_wait3A_210 = arith.constant 384 : i32
      %dma_wait3A_211 = arith.constant 0 : i32
      %dma_wait3A_212 = tpu.memref_slice %arg11[%dma_wait3A_210, %dma_wait3A_211] : memref<512x32xf32, #tpu.memory_space<vmem>> -> memref<128x32xf32, #tpu.memory_space<vmem>>
      %dma_wait3A_213 = arith.constant 0 : i32
      %dma_wait3A_214 = tpu.memref_slice %arg9[%dma_wait3A_209, %dma_wait3A_213] : memref<4x128xi32, #tpu.memory_space<vmem>> -> memref<1x128xi32, #tpu.memory_space<vmem>>
      %dma_wait3A_215 = tpu.memref_squeeze %dma_wait3A_214 : memref<1x128xi32, #tpu.memory_space<vmem>> -> memref<128xi32, #tpu.memory_space<vmem>>
      %dma_wait3A_216 = arith.constant 0 : i32
      %dma_wait3A_217 = arith.constant 0 : i32
      %dma_wait3A_218 = tpu.memref_slice %arg13[%dma_wait3A_216, %dma_wait3A_217] : memref<50048x32xf32, #tpu.memory_space<vmem_shared>> -> memref<50048x32xf32, #tpu.memory_space<vmem_shared>>
      tpu.wait_indirect_dma semaphore(%arg12 : memref<!tpu.dma_semaphore, #tpu.memory_space<semaphore_mem>>) src(%dma_wait3A_212 : memref<128x32xf32, #tpu.memory_space<vmem>>) dst(%dma_wait3A_218 : memref<50048x32xf32, #tpu.memory_space<vmem_shared>>)
    }
    %scan3A_11 = arith.constant 100 : i32
    %barrier3A_12 = arith.constant 0 : index
    tpu.barrier barrier_id(%barrier3A_12)
    %mul3A_13 = arith.constant 3128 : i32
    %mul3A_14 = arith.muli %arg1, %mul3A_13 : i32
    %mul3A_15 = arith.constant 3128 : i32
    %mul3A_16 = arith.muli %arg1, %mul3A_15 : i32
    "tpu.region"() ({
      %run_scoped3A = tpu.sem_alloc : memref<!tpu.dma_semaphore, #tpu.memory_space<semaphore_mem>>
      %dma_start3A = arith.constant 0 : i32
      %dma_start3A_17 = tpu.memref_slice %arg7[%arg0, %mul3A_16, %dma_start3A] : memref<2x50048x32xf32, #tpu.memory_space<hbm>> -> memref<1x3128x32xf32, #tpu.memory_space<hbm>>
      %dma_start3A_18 = tpu.memref_squeeze %dma_start3A_17 : memref<1x3128x32xf32, #tpu.memory_space<hbm>> -> memref<3128x32xf32, #tpu.memory_space<hbm>>
      %dma_start3A_19 = arith.constant 0 : i32
      %dma_start3A_20 = tpu.memref_slice %arg13[%mul3A_14, %dma_start3A_19] : memref<50048x32xf32, #tpu.memory_space<vmem_shared>> -> memref<3128x32xf32, #tpu.memory_space<vmem_shared>>
      tpu.enqueue_dma source(%dma_start3A_20 : memref<3128x32xf32, #tpu.memory_space<vmem_shared>>) target(%dma_start3A_18 : memref<3128x32xf32, #tpu.memory_space<hbm>>) target_semaphore(%run_scoped3A : memref<!tpu.dma_semaphore, #tpu.memory_space<semaphore_mem>>)
      %dma_wait3A = arith.constant 0 : i32
      %dma_wait3A_21 = tpu.memref_slice %arg7[%arg0, %mul3A_16, %dma_wait3A] : memref<2x50048x32xf32, #tpu.memory_space<hbm>> -> memref<1x3128x32xf32, #tpu.memory_space<hbm>>
      %dma_wait3A_22 = tpu.memref_squeeze %dma_wait3A_21 : memref<1x3128x32xf32, #tpu.memory_space<hbm>> -> memref<3128x32xf32, #tpu.memory_space<hbm>>
      %dma_wait3A_23 = arith.constant 0 : i32
      %dma_wait3A_24 = tpu.memref_slice %arg13[%mul3A_14, %dma_wait3A_23] : memref<50048x32xf32, #tpu.memory_space<vmem_shared>> -> memref<3128x32xf32, #tpu.memory_space<vmem_shared>>
      tpu.wait_dma2 semaphore(%run_scoped3A : memref<!tpu.dma_semaphore, #tpu.memory_space<semaphore_mem>>) src(%dma_wait3A_24 : memref<3128x32xf32, #tpu.memory_space<vmem_shared>>) dst(%dma_wait3A_22 : memref<3128x32xf32, #tpu.memory_space<hbm>>)
      tpu.yield
    }) : () -> ()
    return
  }
}

module attributes {stable_mosaic.version = 14 : i64} {
  func.func @_relprep_body(%arg0: memref<16x32xf32, #tpu.memory_space<vmem>>, %arg1: memref<16x32xf32, #tpu.memory_space<vmem>>, %arg2: memref<16x32xf32, #tpu.memory_space<vmem>>) attributes {dimension_semantics = [], scalar_prefetch = 0 : i64, scratch_operands = 0 : i64, tpu.core_type = #tpu.core_type<tc>} {
    %get3A = arith.constant 0 : index
    %get3A_0 = arith.constant 0 : index
    %get3A_1 = vector.load %arg0[%get3A, %get3A_0] : memref<16x32xf32, #tpu.memory_space<vmem>>, vector<16x32xf32>
    %mul3A = arith.constant 7.18078327 : f32
    %mul3A_2 = vector.broadcast %mul3A : f32 to vector<16x32xf32>
    %mul3A_3 = arith.mulf %get3A_1, %mul3A_2 : vector<16x32xf32>
    %cos3A = math.cos %mul3A_3 : vector<16x32xf32>
    %swap3A = arith.constant 0 : index
    %swap3A_4 = arith.constant 0 : index
    %swap3A_5 = vector.load %arg1[%swap3A, %swap3A_4] : memref<16x32xf32, #tpu.memory_space<vmem>>, vector<16x32xf32>
    tpu.vector_store %arg1[%swap3A, %swap3A_4], %cos3A {strides = array<i32>} : memref<16x32xf32, #tpu.memory_space<vmem>>, vector<16x32xf32>,
    %sin3A = math.sin %mul3A_3 : vector<16x32xf32>
    %swap3A_6 = arith.constant 0 : index
    %swap3A_7 = arith.constant 0 : index
    %swap3A_8 = vector.load %arg2[%swap3A_6, %swap3A_7] : memref<16x32xf32, #tpu.memory_space<vmem>>, vector<16x32xf32>
    tpu.vector_store %arg2[%swap3A_6, %swap3A_7], %sin3A {strides = array<i32>} : memref<16x32xf32, #tpu.memory_space<vmem>>, vector<16x32xf32>,
    return
  }
}

module attributes {stable_mosaic.version = 14 : i64} {
  func.func @_dense_body(%arg0: i32, %arg1: memref<2000x64xf32, #tpu.memory_space<vmem>>, %arg2: memref<2000x32xf32, #tpu.memory_space<vmem>>, %arg3: memref<2000x32xf32, #tpu.memory_space<vmem>>, %arg4: memref<2000x1xf32, #tpu.memory_space<vmem>>, %arg5: memref<64x32xf32, #tpu.memory_space<vmem>>, %arg6: memref<1x32xf32, #tpu.memory_space<vmem>>, %arg7: memref<64x32xf32, #tpu.memory_space<vmem>>, %arg8: memref<1x32xf32, #tpu.memory_space<vmem>>, %arg9: memref<2000x32xf32, #tpu.memory_space<vmem>>, %arg10: memref<2000x32xf32, #tpu.memory_space<vmem>>) attributes {dimension_semantics = [#tpu.dimension_semantics<arbitrary>], iteration_bounds = array<i64: 25>, scalar_prefetch = 0 : i64, scratch_operands = 0 : i64, tpu.core_type = #tpu.core_type<tc>, window_params = [{transform_indices = @transform_0, window_bounds = array<i64: 2000, 64>}, {transform_indices = @transform_1, window_bounds = array<i64: 2000, 32>}, {transform_indices = @transform_2, window_bounds = array<i64: 2000, 32>}, {transform_indices = @transform_3, window_bounds = array<i64: 2000, 1>}, {pipeline_mode = #tpu.pipeline_mode<synchronous>, transform_indices = @transform_4, window_bounds = array<i64: 64, 32>}, {pipeline_mode = #tpu.pipeline_mode<synchronous>, transform_indices = @transform_5, window_bounds = array<i64: 1, 32>}, {pipeline_mode = #tpu.pipeline_mode<synchronous>, transform_indices = @transform_6, window_bounds = array<i64: 64, 32>}, {pipeline_mode = #tpu.pipeline_mode<synchronous>, transform_indices = @transform_7, window_bounds = array<i64: 1, 32>}, {transform_indices = @transform_8, window_bounds = array<i64: 2000, 32>}, {transform_indices = @transform_9, window_bounds = array<i64: 2000, 32>}]} {
    %get3A = arith.constant 0 : index
    %get3A_0 = arith.constant 0 : index
    %get3A_1 = vector.load %arg2[%get3A, %get3A_0] : memref<2000x32xf32, #tpu.memory_space<vmem>>, vector<2000x32xf32>
    %get3A_2 = arith.constant 0 : index
    %get3A_3 = arith.constant 0 : index
    %get3A_4 = vector.load %arg3[%get3A_2, %get3A_3] : memref<2000x32xf32, #tpu.memory_space<vmem>>, vector<2000x32xf32>
    %concatenate3A = tpu.concatenate %get3A_1, %get3A_4 in 1 : vector<2000x32xf32>, vector<2000x32xf32> -> vector<2000x64xf32>
    %get3A_5 = arith.constant 0 : index
    %get3A_6 = arith.constant 0 : index
    %get3A_7 = vector.load %arg4[%get3A_5, %get3A_6] : memref<2000x1xf32, #tpu.memory_space<vmem>>, vector<2000x1xf32>
    %max3A = arith.constant 1.000000e-30 : f32
    %max3A_8 = vector.broadcast %max3A : f32 to vector<2000x1xf32>
    %max3A_9 = arith.maximumf %get3A_7, %max3A_8 : vector<2000x1xf32>
    %div3A = vector.broadcast %max3A_9 : vector<2000x1xf32> to vector<2000x64xf32>
    %div3A_10 = arith.divf %concatenate3A, %div3A : vector<2000x64xf32>
    %get3A_11 = arith.constant 0 : index
    %get3A_12 = arith.constant 0 : index
    %get3A_13 = vector.load %arg1[%get3A_11, %get3A_12] : memref<2000x64xf32, #tpu.memory_space<vmem>>, vector<2000x64xf32>
    %add3A = arith.addf %get3A_13, %div3A_10 : vector<2000x64xf32>
    %get3A_14 = arith.constant 0 : index
    %get3A_15 = arith.constant 0 : index
    %get3A_16 = vector.load %arg5[%get3A_14, %get3A_15] : memref<64x32xf32, #tpu.memory_space<vmem>>, vector<64x32xf32>
    %dot_general3A = arith.constant dense<0.000000e+00> : vector<2000x32xf32>
    %dot_general3A_17 = tpu.matmul %add3A, %get3A_16, %dot_general3A {dimension_numbers = #tpu.dot_dimension_numbers<[1], [0], [0], [1], [0, 0, 1, 1], [], []>, transpose_lhs_hint = false} : vector<2000x64xf32>, vector<64x32xf32>, vector<2000x32xf32> -> vector<2000x32xf32>
    %get3A_18 = arith.constant 0 : index
    %get3A_19 = arith.constant 0 : index
    %get3A_20 = vector.load %arg6[%get3A_18, %get3A_19] : memref<1x32xf32, #tpu.memory_space<vmem>>, vector<1x32xf32>
    %add3A_21 = vector.broadcast %get3A_20 : vector<1x32xf32> to vector<2000x32xf32>
    %add3A_22 = arith.addf %dot_general3A_17, %add3A_21 : vector<2000x32xf32>
    %mul3A = arith.mulf %get3A_13, %div3A_10 : vector<2000x64xf32>
    %get3A_23 = arith.constant 0 : index
    %get3A_24 = arith.constant 0 : index
    %get3A_25 = vector.load %arg7[%get3A_23, %get3A_24] : memref<64x32xf32, #tpu.memory_space<vmem>>, vector<64x32xf32>
    %dot_general3A_26 = arith.constant dense<0.000000e+00> : vector<2000x32xf32>
    %dot_general3A_27 = tpu.matmul %mul3A, %get3A_25, %dot_general3A_26 {dimension_numbers = #tpu.dot_dimension_numbers<[1], [0], [0], [1], [0, 0, 1, 1], [], []>, transpose_lhs_hint = false} : vector<2000x64xf32>, vector<64x32xf32>, vector<2000x32xf32> -> vector<2000x32xf32>
    %get3A_28 = arith.constant 0 : index
    %get3A_29 = arith.constant 0 : index
    %get3A_30 = vector.load %arg8[%get3A_28, %get3A_29] : memref<1x32xf32, #tpu.memory_space<vmem>>, vector<1x32xf32>
    %add3A_31 = vector.broadcast %get3A_30 : vector<1x32xf32> to vector<2000x32xf32>
    %add3A_32 = arith.addf %dot_general3A_27, %add3A_31 : vector<2000x32xf32>
    %ge3A = arith.constant 0.000000e+00 : f32
    %ge3A_33 = vector.broadcast %ge3A : f32 to vector<2000x32xf32>
    %ge3A_34 = arith.cmpf oge, %add3A_22, %ge3A_33 : vector<2000x32xf32>
    %mul3A_35 = arith.constant 0.00999999977 : f32
    %mul3A_36 = vector.broadcast %mul3A_35 : f32 to vector<2000x32xf32>
    %mul3A_37 = arith.mulf %mul3A_36, %add3A_22 : vector<2000x32xf32>
    %select_n3A = arith.select %ge3A_34, %add3A_22, %mul3A_37 : vector<2000x32xi1>, vector<2000x32xf32>
    %ge3A_38 = arith.constant 0.000000e+00 : f32
    %ge3A_39 = vector.broadcast %ge3A_38 : f32 to vector<2000x32xf32>
    %ge3A_40 = arith.cmpf oge, %add3A_32, %ge3A_39 : vector<2000x32xf32>
    %mul3A_41 = arith.constant 0.00999999977 : f32
    %mul3A_42 = vector.broadcast %mul3A_41 : f32 to vector<2000x32xf32>
    %mul3A_43 = arith.mulf %mul3A_42, %add3A_32 : vector<2000x32xf32>
    %select_n3A_44 = arith.select %ge3A_40, %add3A_32, %mul3A_43 : vector<2000x32xi1>, vector<2000x32xf32>
    %add3A_45 = arith.addf %select_n3A, %select_n3A_44 : vector<2000x32xf32>
    %swap3A = arith.constant 0 : index
    %swap3A_46 = arith.constant 0 : index
    %swap3A_47 = vector.load %arg9[%swap3A, %swap3A_46] : memref<2000x32xf32, #tpu.memory_space<vmem>>, vector<2000x32xf32>
    tpu.vector_store %arg9[%swap3A, %swap3A_46], %add3A_45 {strides = array<i32>} : memref<2000x32xf32, #tpu.memory_space<vmem>>, vector<2000x32xf32>,
    %mul3A_48 = arith.mulf %add3A_45, %add3A_45 : vector<2000x32xf32>
    %reduce_sum3A = arith.constant dense<0.000000e+00> : vector<2000xf32>
    %reduce_sum3A_49 = vector.multi_reduction <add>, %mul3A_48, %reduce_sum3A [1] : vector<2000x32xf32> to vector<2000xf32>
    %broadcast_in_dim3A = vector.shape_cast %reduce_sum3A_49 : vector<2000xf32> to vector<2000x1xf32>
    %sqrt3A = math.sqrt %broadcast_in_dim3A : vector<2000x1xf32>
    %max3A_50 = arith.constant 9.99999996E-13 : f32
    %max3A_51 = vector.broadcast %max3A_50 : f32 to vector<2000x1xf32>
    %max3A_52 = arith.maximumf %sqrt3A, %max3A_51 : vector<2000x1xf32>
    %div3A_53 = vector.broadcast %max3A_52 : vector<2000x1xf32> to vector<2000x32xf32>
    %div3A_54 = arith.divf %add3A_45, %div3A_53 : vector<2000x32xf32>
    %swap3A_55 = arith.constant 0 : index
    %swap3A_56 = arith.constant 0 : index
    %swap3A_57 = vector.load %arg10[%swap3A_55, %swap3A_56] : memref<2000x32xf32, #tpu.memory_space<vmem>>, vector<2000x32xf32>
    tpu.vector_store %arg10[%swap3A_55, %swap3A_56], %div3A_54 {strides = array<i32>} : memref<2000x32xf32, #tpu.memory_space<vmem>>, vector<2000x32xf32>,
    return
  }
  func.func @transform_0(%arg0: i32) -> (i32, i32) {
    %c0_i32 = arith.constant 0 : i32
    %c0_i32_0 = arith.constant 0 : i32
    return %arg0, %c0_i32 : i32, i32
  }
  func.func @transform_1(%arg0: i32) -> (i32, i32) {
    %c0_i32 = arith.constant 0 : i32
    %c0_i32_0 = arith.constant 0 : i32
    return %arg0, %c0_i32 : i32, i32
  }
  func.func @transform_2(%arg0: i32) -> (i32, i32) {
    %c0_i32 = arith.constant 0 : i32
    %c0_i32_0 = arith.constant 0 : i32
    return %arg0, %c0_i32 : i32, i32
  }
  func.func @transform_3(%arg0: i32) -> (i32, i32) {
    %c0_i32 = arith.constant 0 : i32
    %c0_i32_0 = arith.constant 0 : i32
    return %arg0, %c0_i32 : i32, i32
  }
  func.func @transform_4(%arg0: i32) -> (i32, i32) {
    %c0_i32 = arith.constant 0 : i32
    %c0_i32_0 = arith.constant 0 : i32
    %c0_i32_1 = arith.constant 0 : i32
    return %c0_i32, %c0_i32_0 : i32, i32
  }
  func.func @transform_5(%arg0: i32) -> (i32, i32) {
    %c0_i32 = arith.constant 0 : i32
    %c0_i32_0 = arith.constant 0 : i32
    %c0_i32_1 = arith.constant 0 : i32
    return %c0_i32, %c0_i32_0 : i32, i32
  }
  func.func @transform_6(%arg0: i32) -> (i32, i32) {
    %c0_i32 = arith.constant 0 : i32
    %c0_i32_0 = arith.constant 0 : i32
    %c0_i32_1 = arith.constant 0 : i32
    return %c0_i32, %c0_i32_0 : i32, i32
  }
  func.func @transform_7(%arg0: i32) -> (i32, i32) {
    %c0_i32 = arith.constant 0 : i32
    %c0_i32_0 = arith.constant 0 : i32
    %c0_i32_1 = arith.constant 0 : i32
    return %c0_i32, %c0_i32_0 : i32, i32
  }
  func.func @transform_8(%arg0: i32) -> (i32, i32) {
    %c0_i32 = arith.constant 0 : i32
    %c0_i32_0 = arith.constant 0 : i32
    return %arg0, %c0_i32 : i32, i32
  }
  func.func @transform_9(%arg0: i32) -> (i32, i32) {
    %c0_i32 = arith.constant 0 : i32
    %c0_i32_0 = arith.constant 0 : i32
    return %arg0, %c0_i32 : i32, i32
  }
}

module attributes {stable_mosaic.version = 14 : i64} {
  func.func @_dense_body(%arg0: i32, %arg1: memref<2000x32xf32, #tpu.memory_space<vmem>>, %arg2: memref<2000x16xf32, #tpu.memory_space<vmem>>, %arg3: memref<2000x16xf32, #tpu.memory_space<vmem>>, %arg4: memref<2000x1xf32, #tpu.memory_space<vmem>>, %arg5: memref<32x16xf32, #tpu.memory_space<vmem>>, %arg6: memref<1x16xf32, #tpu.memory_space<vmem>>, %arg7: memref<32x16xf32, #tpu.memory_space<vmem>>, %arg8: memref<1x16xf32, #tpu.memory_space<vmem>>, %arg9: memref<2000x16xf32, #tpu.memory_space<vmem>>, %arg10: memref<2000x16xf32, #tpu.memory_space<vmem>>) attributes {dimension_semantics = [#tpu.dimension_semantics<arbitrary>], iteration_bounds = array<i64: 25>, scalar_prefetch = 0 : i64, scratch_operands = 0 : i64, tpu.core_type = #tpu.core_type<tc>, window_params = [{transform_indices = @transform_0, window_bounds = array<i64: 2000, 32>}, {transform_indices = @transform_1, window_bounds = array<i64: 2000, 16>}, {transform_indices = @transform_2, window_bounds = array<i64: 2000, 16>}, {transform_indices = @transform_3, window_bounds = array<i64: 2000, 1>}, {pipeline_mode = #tpu.pipeline_mode<synchronous>, transform_indices = @transform_4, window_bounds = array<i64: 32, 16>}, {pipeline_mode = #tpu.pipeline_mode<synchronous>, transform_indices = @transform_5, window_bounds = array<i64: 1, 16>}, {pipeline_mode = #tpu.pipeline_mode<synchronous>, transform_indices = @transform_6, window_bounds = array<i64: 32, 16>}, {pipeline_mode = #tpu.pipeline_mode<synchronous>, transform_indices = @transform_7, window_bounds = array<i64: 1, 16>}, {transform_indices = @transform_8, window_bounds = array<i64: 2000, 16>}, {transform_indices = @transform_9, window_bounds = array<i64: 2000, 16>}]} {
    %get3A = arith.constant 0 : index
    %get3A_0 = arith.constant 0 : index
    %get3A_1 = vector.load %arg2[%get3A, %get3A_0] : memref<2000x16xf32, #tpu.memory_space<vmem>>, vector<2000x16xf32>
    %get3A_2 = arith.constant 0 : index
    %get3A_3 = arith.constant 0 : index
    %get3A_4 = vector.load %arg3[%get3A_2, %get3A_3] : memref<2000x16xf32, #tpu.memory_space<vmem>>, vector<2000x16xf32>
    %concatenate3A = tpu.concatenate %get3A_1, %get3A_4 in 1 : vector<2000x16xf32>, vector<2000x16xf32> -> vector<2000x32xf32>
    %get3A_5 = arith.constant 0 : index
    %get3A_6 = arith.constant 0 : index
    %get3A_7 = vector.load %arg4[%get3A_5, %get3A_6] : memref<2000x1xf32, #tpu.memory_space<vmem>>, vector<2000x1xf32>
    %max3A = arith.constant 1.000000e-30 : f32
    %max3A_8 = vector.broadcast %max3A : f32 to vector<2000x1xf32>
    %max3A_9 = arith.maximumf %get3A_7, %max3A_8 : vector<2000x1xf32>
    %div3A = vector.broadcast %max3A_9 : vector<2000x1xf32> to vector<2000x32xf32>
    %div3A_10 = arith.divf %concatenate3A, %div3A : vector<2000x32xf32>
    %get3A_11 = arith.constant 0 : index
    %get3A_12 = arith.constant 0 : index
    %get3A_13 = vector.load %arg1[%get3A_11, %get3A_12] : memref<2000x32xf32, #tpu.memory_space<vmem>>, vector<2000x32xf32>
    %add3A = arith.addf %get3A_13, %div3A_10 : vector<2000x32xf32>
    %get3A_14 = arith.constant 0 : index
    %get3A_15 = arith.constant 0 : index
    %get3A_16 = vector.load %arg5[%get3A_14, %get3A_15] : memref<32x16xf32, #tpu.memory_space<vmem>>, vector<32x16xf32>
    %dot_general3A = arith.constant dense<0.000000e+00> : vector<2000x16xf32>
    %dot_general3A_17 = tpu.matmul %add3A, %get3A_16, %dot_general3A {dimension_numbers = #tpu.dot_dimension_numbers<[1], [0], [0], [1], [0, 0, 1, 1], [], []>, transpose_lhs_hint = false} : vector<2000x32xf32>, vector<32x16xf32>, vector<2000x16xf32> -> vector<2000x16xf32>
    %get3A_18 = arith.constant 0 : index
    %get3A_19 = arith.constant 0 : index
    %get3A_20 = vector.load %arg6[%get3A_18, %get3A_19] : memref<1x16xf32, #tpu.memory_space<vmem>>, vector<1x16xf32>
    %add3A_21 = vector.broadcast %get3A_20 : vector<1x16xf32> to vector<2000x16xf32>
    %add3A_22 = arith.addf %dot_general3A_17, %add3A_21 : vector<2000x16xf32>
    %mul3A = arith.mulf %get3A_13, %div3A_10 : vector<2000x32xf32>
    %get3A_23 = arith.constant 0 : index
    %get3A_24 = arith.constant 0 : index
    %get3A_25 = vector.load %arg7[%get3A_23, %get3A_24] : memref<32x16xf32, #tpu.memory_space<vmem>>, vector<32x16xf32>
    %dot_general3A_26 = arith.constant dense<0.000000e+00> : vector<2000x16xf32>
    %dot_general3A_27 = tpu.matmul %mul3A, %get3A_25, %dot_general3A_26 {dimension_numbers = #tpu.dot_dimension_numbers<[1], [0], [0], [1], [0, 0, 1, 1], [], []>, transpose_lhs_hint = false} : vector<2000x32xf32>, vector<32x16xf32>, vector<2000x16xf32> -> vector<2000x16xf32>
    %get3A_28 = arith.constant 0 : index
    %get3A_29 = arith.constant 0 : index
    %get3A_30 = vector.load %arg8[%get3A_28, %get3A_29] : memref<1x16xf32, #tpu.memory_space<vmem>>, vector<1x16xf32>
    %add3A_31 = vector.broadcast %get3A_30 : vector<1x16xf32> to vector<2000x16xf32>
    %add3A_32 = arith.addf %dot_general3A_27, %add3A_31 : vector<2000x16xf32>
    %ge3A = arith.constant 0.000000e+00 : f32
    %ge3A_33 = vector.broadcast %ge3A : f32 to vector<2000x16xf32>
    %ge3A_34 = arith.cmpf oge, %add3A_22, %ge3A_33 : vector<2000x16xf32>
    %mul3A_35 = arith.constant 0.00999999977 : f32
    %mul3A_36 = vector.broadcast %mul3A_35 : f32 to vector<2000x16xf32>
    %mul3A_37 = arith.mulf %mul3A_36, %add3A_22 : vector<2000x16xf32>
    %select_n3A = arith.select %ge3A_34, %add3A_22, %mul3A_37 : vector<2000x16xi1>, vector<2000x16xf32>
    %ge3A_38 = arith.constant 0.000000e+00 : f32
    %ge3A_39 = vector.broadcast %ge3A_38 : f32 to vector<2000x16xf32>
    %ge3A_40 = arith.cmpf oge, %add3A_32, %ge3A_39 : vector<2000x16xf32>
    %mul3A_41 = arith.constant 0.00999999977 : f32
    %mul3A_42 = vector.broadcast %mul3A_41 : f32 to vector<2000x16xf32>
    %mul3A_43 = arith.mulf %mul3A_42, %add3A_32 : vector<2000x16xf32>
    %select_n3A_44 = arith.select %ge3A_40, %add3A_32, %mul3A_43 : vector<2000x16xi1>, vector<2000x16xf32>
    %add3A_45 = arith.addf %select_n3A, %select_n3A_44 : vector<2000x16xf32>
    %swap3A = arith.constant 0 : index
    %swap3A_46 = arith.constant 0 : index
    %swap3A_47 = vector.load %arg9[%swap3A, %swap3A_46] : memref<2000x16xf32, #tpu.memory_space<vmem>>, vector<2000x16xf32>
    tpu.vector_store %arg9[%swap3A, %swap3A_46], %add3A_45 {strides = array<i32>} : memref<2000x16xf32, #tpu.memory_space<vmem>>, vector<2000x16xf32>,
    %mul3A_48 = arith.mulf %add3A_45, %add3A_45 : vector<2000x16xf32>
    %reduce_sum3A = arith.constant dense<0.000000e+00> : vector<2000xf32>
    %reduce_sum3A_49 = vector.multi_reduction <add>, %mul3A_48, %reduce_sum3A [1] : vector<2000x16xf32> to vector<2000xf32>
    %broadcast_in_dim3A = vector.shape_cast %reduce_sum3A_49 : vector<2000xf32> to vector<2000x1xf32>
    %sqrt3A = math.sqrt %broadcast_in_dim3A : vector<2000x1xf32>
    %max3A_50 = arith.constant 9.99999996E-13 : f32
    %max3A_51 = vector.broadcast %max3A_50 : f32 to vector<2000x1xf32>
    %max3A_52 = arith.maximumf %sqrt3A, %max3A_51 : vector<2000x1xf32>
    %div3A_53 = vector.broadcast %max3A_52 : vector<2000x1xf32> to vector<2000x16xf32>
    %div3A_54 = arith.divf %add3A_45, %div3A_53 : vector<2000x16xf32>
    %swap3A_55 = arith.constant 0 : index
    %swap3A_56 = arith.constant 0 : index
    %swap3A_57 = vector.load %arg10[%swap3A_55, %swap3A_56] : memref<2000x16xf32, #tpu.memory_space<vmem>>, vector<2000x16xf32>
    tpu.vector_store %arg10[%swap3A_55, %swap3A_56], %div3A_54 {strides = array<i32>} : memref<2000x16xf32, #tpu.memory_space<vmem>>, vector<2000x16xf32>,
    return
  }
  func.func @transform_0(%arg0: i32) -> (i32, i32) {
    %c0_i32 = arith.constant 0 : i32
    %c0_i32_0 = arith.constant 0 : i32
    return %arg0, %c0_i32 : i32, i32
  }
  func.func @transform_1(%arg0: i32) -> (i32, i32) {
    %c0_i32 = arith.constant 0 : i32
    %c0_i32_0 = arith.constant 0 : i32
    return %arg0, %c0_i32 : i32, i32
  }
  func.func @transform_2(%arg0: i32) -> (i32, i32) {
    %c0_i32 = arith.constant 0 : i32
    %c0_i32_0 = arith.constant 0 : i32
    return %arg0, %c0_i32 : i32, i32
  }
  func.func @transform_3(%arg0: i32) -> (i32, i32) {
    %c0_i32 = arith.constant 0 : i32
    %c0_i32_0 = arith.constant 0 : i32
    return %arg0, %c0_i32 : i32, i32
  }
  func.func @transform_4(%arg0: i32) -> (i32, i32) {
    %c0_i32 = arith.constant 0 : i32
    %c0_i32_0 = arith.constant 0 : i32
    %c0_i32_1 = arith.constant 0 : i32
    return %c0_i32, %c0_i32_0 : i32, i32
  }
  func.func @transform_5(%arg0: i32) -> (i32, i32) {
    %c0_i32 = arith.constant 0 : i32
    %c0_i32_0 = arith.constant 0 : i32
    %c0_i32_1 = arith.constant 0 : i32
    return %c0_i32, %c0_i32_0 : i32, i32
  }
  func.func @transform_6(%arg0: i32) -> (i32, i32) {
    %c0_i32 = arith.constant 0 : i32
    %c0_i32_0 = arith.constant 0 : i32
    %c0_i32_1 = arith.constant 0 : i32
    return %c0_i32, %c0_i32_0 : i32, i32
  }
  func.func @transform_7(%arg0: i32) -> (i32, i32) {
    %c0_i32 = arith.constant 0 : i32
    %c0_i32_0 = arith.constant 0 : i32
    %c0_i32_1 = arith.constant 0 : i32
    return %c0_i32, %c0_i32_0 : i32, i32
  }
  func.func @transform_8(%arg0: i32) -> (i32, i32) {
    %c0_i32 = arith.constant 0 : i32
    %c0_i32_0 = arith.constant 0 : i32
    return %arg0, %c0_i32 : i32, i32
  }
  func.func @transform_9(%arg0: i32) -> (i32, i32) {
    %c0_i32 = arith.constant 0 : i32
    %c0_i32_0 = arith.constant 0 : i32
    return %arg0, %c0_i32 : i32, i32
  }
}

</mosaic_0001>

<sc_bundles>
// kernel: kernel.11.cloned.1.call-start
scs
__scs_entry_jumppad:
0x0: {  	(pc) =	sbr.rel $0x88, $3  }
0x1: {  	(tag) =	ssettag $0x0;
	lr =	simm.s32 $0x1  }
0x2: {  	[smem:$0x3F95] =	sst lr;
	_ =	strace $0xD0000000  }
0x3: {  	_ = 	snop  }
0x4: {  	_ = 	snop  }
0x5: {  	_ = 	snop  }
0x6: {  	_ = 	snop  }
0x7: {  	_ = 	snop  }
__scs_overlays_trampoline_lowered:
0x8: {  	[smem:$0x3FA4] =	sst s0  }
0x9: {  	[smem:$0x3FA5] =	sst s1  }
0xa: {  	[smem:$0x3FA6] =	sst s2  }
0xb: {  	[smem:$0x3FA7] =	sst s3  }
0xc: {  	[smem:$0x3FA8] =	sst s4  }
0xd: {  	[smem:$0x3FA9] =	sst s5  }
0xe: {  	[smem:$0x3FAA] =	sst s6  }
0xf: {  	[smem:$0x3FAB] =	sst s7  }
0x10: {  	[smem:$0x3FAC] =	sst s8  }
0x11: {  	[smem:$0x3FAD] =	sst s9;
	s0 =	simm.s32 @!p0 $0x0  }
0x12: {  	s1 =	sld [smem:$0x3F93];
	s0 =	simm.s32 @p0 $0x1  }
0x13: {  	[smem:$0x3FAE] =	sst s0;
	s0 =	simm.s32 @!p1 $0x0  }
0x14: {  	s2 =	sld [smem:$0x3F92];
	s0 =	simm.s32 @p1 $0x1  }
0x15: {  	[smem:$0x3FAF] =	sst s0;
	s0 =	simm.s32 @!p2 $0x0  }
0x16: {  	s3 =	sld [smem:$0x3FDB];
	s0 =	simm.s32 @p2 $0x1  }
0x17: {  	s4 =	simm.s32 $0x1BF5;
	[smem:$0x3FB1] =	sst s0  }
0x18: {  	s0 =	sld [smem:$0x3F94];
	_ =	swait.ge [sflag:s4], $0x0  }
0x19: {  	s7 =	sld [smem:$0x3F95]  }
0x1a: {  	s8 =	sadd.s32 $0xFFFFE003, lr  }
0x1b: {  	s9 =	sadd.s32 $0xFFFFFEF7, lr;
	s5 =	simm.s32 $0xFFFFFFFF;
	p2 =	slt.u32 s8, $0xFFFFF086  }
0x1c: {  	p1 =	slt.u32 s9, $0xF7A;
	s5 =	simm.s32 @!p2 $0x0  }
0x1d: {  	s5 =	simm.s32 @p1 $0x1;
	p0 =	seq.s32 s7, s2  }
0x1e: {  	s7 =	smul.u32 @!p0 $0xF7A, s2;
	p2 =	seq.s32 @!p0 s5, $0x0  }
0x1f: {  	s9 =	smul.u32 $0xF7A, s1;
	s8 =	simm.s32 @!p0 $0x1BF5;
	p2 =	por !p2, p0  }
0x20: {  	[sflag:s8] =	ssyncset.s32 @!p0 $0xFFFFF086;
	s6 =	sadd.s32 @!p0 s3, s7;
	s7 =	simm.s32 @!p0 $0x108  }
0x21: {  	s3 =	sadd.s32 s3, s9;
	s6 =	sadd.s32 @!p0 $0x88, s6;
	s7 =	simm.s32 @p2 $0x1082  }
0x22: {  	[simem:s7], [sflag:s8] =	dma.local @!p0 [hbm:s6], $0xF7A  }
0x23: {  	s9 =	sor.u32 $0xD0000000, s2;
	s6 =	simm.s32 $0x108;
	_ =	swait.ge @!p0 [sflag:s8], $0x0  }
0x24: {  	s3 =	sadd.s32 $0x88, s3;
	s6 =	simm.s32 @!p1 $0x1082;
	[sflag:s4] =	ssyncset.s32 $0xFFFFF086  }
0x25: {  	[simem:s6], [sflag:s4] =	dma.local [hbm:s3], $0xF7A  }
0x26: {  	[smem:$0x3F95] =	sst s1;
	(tag) =	ssettag s2;
	_ =	strace s9  }
0x27: {  	s1 =	sld [smem:$0x3FA5]  }
0x28: {  	s2 =	sld [smem:$0x3FA6]  }
0x29: {  	s4 =	sld [smem:$0x3FA8]  }
0x2a: {  	p0 =	seq.s32 s5, $0x0;
	s5 =	sld [smem:$0x3FA9]  }
0x2b: {  	s6 =	sld [smem:$0x3FAA]  }
0x2c: {  	s7 =	sld [smem:$0x3FAB]  }
0x2d: {  	s3 =	simm.s32 $0x108;
	s8 =	sld [smem:$0x3FAC]  }
0x2e: {  	s3 =	simm.s32 @!p0 $0x1082;
	s9 =	sld [smem:$0x3FAD]  }
0x2f: {  	lr =	sadd.s32 s0, s3;
	s0 =	sld [smem:$0x3FA4]  }
0x30: {  	s3 =	sld [smem:$0x3FA7]  }
0x31: {  	[smem:$0x3FB0] =	sst s10  }
0x32: {  	s10 =	sld [smem:$0x3FAE];
	_ =	sdelay $0x3  }
0x33: {  	p0 =	seq.s32 s10, $0x1;
	s10 =	sld [smem:$0x3FB0];
	_ =	sdelay $0x3  }
0x34: {  	[smem:$0x3FB0] =	sst s10  }
0x35: {  	s10 =	sld [smem:$0x3FAF];
	_ =	sdelay $0x3  }
0x36: {  	p1 =	seq.s32 s10, $0x1;
	s10 =	sld [smem:$0x3FB0];
	_ =	sdelay $0x3  }
0x37: {  	[smem:$0x3FB0] =	sst s10  }
0x38: {  	s10 =	sld [smem:$0x3FB1]  }
0x39: {  	_ = 	snop;
	(pc) =	sbr.ind lr, $3  }
0x3a: {  	_ = 	snop  }
0x3b: {  	_ = 	snop  }
0x3c: {  	p2 =	seq.s32 s10, $0x1;
	s10 =	sld [smem:$0x3FB0]  }
0x3d: {  	_ =	shalt  }
0x3e: {  	_ =	shalt  }
0x3f: {  	_ =	shalt  }
0x40: {  	_ =	shalt  }
0x41: {  	_ =	shalt  }
0x42: {  	_ =	shalt  }
0x43: {  	_ =	shalt  }
0x44: {  	_ =	shalt  }
0x45: {  	_ =	shalt  }
0x46: {  	_ =	shalt  }
0x47: {  	_ =	shalt  }
0x48: {  	_ =	shalt  }
0x49: {  	_ =	shalt  }
0x4a: {  	_ =	shalt  }
0x4b: {  	_ =	shalt  }
0x4c: {  	_ =	shalt  }
0x4d: {  	_ =	shalt  }
0x4e: {  	_ =	shalt  }
0x4f: {  	_ =	shalt  }
0x50: {  	_ =	shalt  }
0x51: {  	_ =	shalt  }
0x52: {  	_ =	shalt  }
0x53: {  	_ =	shalt  }
0x54: {  	_ =	shalt  }
0x55: {  	_ =	shalt  }
0x56: {  	_ =	shalt  }
0x57: {  	_ =	shalt  }
0x58: {  	_ =	shalt  }
0x59: {  	_ =	shalt  }
0x5a: {  	_ =	shalt  }
0x5b: {  	_ =	shalt  }
0x5c: {  	_ =	shalt  }
0x5d: {  	_ =	shalt  }
0x5e: {  	_ =	shalt  }
0x5f: {  	_ =	shalt  }
0x60: {  	_ =	shalt  }
0x61: {  	_ =	shalt  }
0x62: {  	_ =	shalt  }
0x63: {  	_ =	shalt  }
0x64: {  	_ =	shalt  }
0x65: {  	_ =	shalt  }
0x66: {  	_ =	shalt  }
0x67: {  	_ =	shalt  }
0x68: {  	_ =	shalt  }
0x69: {  	_ =	shalt  }
0x6a: {  	_ =	shalt  }
0x6b: {  	_ =	shalt  }
0x6c: {  	_ =	shalt  }
0x6d: {  	_ =	shalt  }
0x6e: {  	_ =	shalt  }
0x6f: {  	_ =	shalt  }
0x70: {  	_ =	shalt  }
0x71: {  	_ =	shalt  }
0x72: {  	_ =	shalt  }
0x73: {  	_ =	shalt  }
0x74: {  	_ =	shalt  }
0x75: {  	_ =	shalt  }
0x76: {  	_ =	shalt  }
0x77: {  	_ =	shalt  }
0x78: {  	_ =	shalt  }
0x79: {  	_ =	shalt  }
0x7a: {  	_ =	shalt  }
0x7b: {  	_ =	shalt  }
0x7c: {  	_ =	shalt  }
0x7d: {  	_ =	shalt  }
0x7e: {  	_ =	shalt  }
0x7f: {  	_ =	shalt  }
0x80: {  	_ =	shalt  }
0x81: {  	_ =	shalt  }
0x82: {  	_ =	shalt  }
0x83: {  	_ =	shalt  }
0x84: {  	_ =	shalt  }
0x85: {  	_ =	shalt  }
0x86: {  	_ =	shalt  }
0x87: {  	_ =	shalt  }
.Lfunc_end0:
.L_simem_size_0:
called_computation.1_lowered:
.L_overlay_start_0:
0x88: {  	s2 =	sld [smem:$0x3FD9]  }
0x89: {  	s3 =	sld [smem:$0x3FFE];
	_ =	sdelay $0x1  }
0x8a: {  	s1 =	srdreg.scid  }
0x8b: {  	s0 =	sand.u32 $0x1, s1  }
0x8c: {  	s17 =	sshll.u32 s0, $0xA;
	s2 =	sadd.s32 s3, s2  }
0x8d: {  	s2 =	sadd.s32 s2, s17  }
0x8e: {  	[smem:$0x3FBC] =	sst s2  }
0x8f: {  	_ = 	snop  }
0x90: {  	s2 =	sld [smem:$0x3FD0];
	(tm) =	ssettm $0x1  }
0x91: {  	s18 =	sld [smem:$0x3FFB];
	_ =	sdelay $0x3  }
0x92: {  	_ =	strace s18  }
0x93: {  	s3 =	sld [smem:$0x3FFC];
	_ =	sdelay $0x3  }
0x94: {  	_ =	strace s3  }
0x95: {  	s3 =	sld [smem:$0x3FFD];
	_ =	sdelay $0x3  }
0x96: {  	_ =	strace s3  }
0x97: {  	_ =	strace $0x8FFFFFFF  }
0x98: {  	s19 =	sld [smem:$0x3FDB];
	_ =	sdelay $0x1  }
0x99: {  	s4 =	simm.s32 $_scs_section_size  }
0x9a: {  	s5 =	simm.s32 $_size__tile_overlayer_lowered;
	s6 =	simm.s32 $_tile_overlayer_lowered  }
0x9b: {  	s22 =	simm.s32 $0x1BFF;
	s21 =	sshll.u32 s6, $0x1;
	s3 =	sadd.s32 s4, s19  }
0x9c: {  	s7 =	simm.s32 $0x0;
	s20 =	sshll.u32 s5, $0x1;
	s5 =	sadd.s32 s21, s3  }
0x9d: {  	[timem:s7], [sflag:s22] =	dma.local [hbm:s5], s20  }
0x9e: {  	_ =	swait.ge [sflag:s22], s20  }
0x9f: {  	s4 =	ssub.s32 $0x0, s20;
	[sflag:s22] =	ssyncset.done $0x0  }
0xa0: {  	[sflag:s22] =	ssyncadd.s32 s4;
	_ =	sdelay $0x1  }
0xa1: {  	s23 =	simm.s32 $0x1B8B  }
0xa2: {  	_ =	swait.ge [sflag:s23], $0x1  }
0xa3: {  	[sflag:s23] =	ssyncset.done $0x0  }
0xa4: {  	s25 =	simm.s32 $0x1B8E;
	s24 =	sld [smem:$0x3FFE];
	[sflag:s23] =	ssyncadd.s32 $0xFFFFFFFF  }
0xa5: {  	s26 =	simm.s32 $execute0_lowered;
	[smem:$0x3FD2] =	sst s25  }
0xa6: {  	s5 =	sshll.u32 s26, $0x1;
	_ =	strace $0x80000049;
	[dreg:$0x1] =	wrdreg $0xFFFFFFFF  }
0xa7: {  	s28 =	simm.s32 $_size_execute0_lowered;
	s3 =	sadd.s32 s3, s5;
	[dreg:$0x0] =	wrdreg $0x0  }
0xa8: {  	s5 =	sshll.u32 s28, $0x1;
	[dreg:$0x2] =	wrdreg s3  }
0xa9: {  	[dreg:$0x3] =	wrdreg s5  }
0xaa: {  	[dreg:$0x4] =	wrdreg $0xC0  }
0xab: {  	_ =	task [dreg:s7], $0x5FFFF  }
0xac: {  	[dreg:$0x1] =	wrdreg $0xFFFFFFFF  }
0xad: {  	[dreg:$0x0] =	wrdreg $0x60  }
0xae: {  	[dreg:$0x2] =	wrdreg s24  }
0xaf: {  	[dreg:$0x3] =	wrdreg s2  }
0xb0: {  	[dreg:$0x4] =	wrdreg $0x46100  }
0xb1: {  	[dreg:$0x5] =	wrdreg $0x9  }
0xb2: {  	_ =	task.clear_ibuf [dreg:s7], $0x6FFFF;
	_ =	strace $0x90000049  }
0xb3: {  	s29 =	simm.s32 $0x9;
	_ =	strace $0x8000004B  }
0xb4: {  	_ =	swait.ge [sflag:s29], $0x1  }
0xb5: {  	[sflag:s29] =	ssyncadd.s32 $0xFFFFFFFF  }
0xb6: {  	_ =	strace $0x9000004B  }
0xb7: {  	_ =	sfence  }
0xb8: {  	s30 =	sld [smem:$0x0];
	_ =	sdelay $0x2  }
0xb9: {  	s31 =	sshll.u32 s1, $0xD;
	s1 =	sshrl.u32 s1, $0x2  }
0xba: {  	s3 =	sand.u32 $0x4000, s31;
	s1 =	sadd.s32 s1, s30  }
0xbb: {  	s0 =	sor.u32 s3, s0;
	s1 =	sshll.u32 s1, $0x11  }
0xbc: {  	s0 =	sor.u32 s1, s0  }
0xbd: {  	s0 =	sadd.s32 $0x8F2B, s0  }
0xbe: {  	[sflag:s0] =	ssyncadd.remote.s32 $0x1  }
0xbf: {  	_ =	sfence.sel $0xFFFF  }
0xc0: {  	[dreg:$0x0] =	wrdreg $0xFFFFFFFF;
	(pc) =	sbr.abs _section_cstart, $3  }
0xc1: {  	[dreg:$0x1] =	wrdreg $0xFFFFFFFF  }
0xc2: {  	_ =	task.clear_ibuf [dreg:s7], $0x2FFFF;
	_ =	strace $0x9FFFFFFF  }
0xc3: {  	(tm) =	ssettm $0x7FFFFFFF  }
tec
execute0_lowered:
.L_overlay_start_1:
0x0: {  	(tag) =	ssettag $0x1  }
0x1: {  	s0 =	rddreg [dreg:$0x0]  }
0x2: {  	s2 =	rddreg [dreg:$0x1]  }
0x3: {  	s1 =	rddreg [dreg:$0x2]  }
0x4: {  	s3 =	simm.s32 $0x0;
	s15 =	stileid.u32;
	s7 =	srdreg.scid  }
0x5: {  	s16 =	simm.s32 $0x200;
	s17 =	simm.s32 $0x400;
	s18 =	simm.s32 $0x1  }
0x6: {  	s19 =	simm.s32 $0x80;
	s20 =	simm.s32 $0x610;
	s21 =	simm.s32 $0x1610  }
0x7: {  	s22 =	simm.s32 $0x100;
	s23 =	simm.s32 $0x2610;
	s24 =	simm.s32 $0x180  }
0x8: {  	s28 =	simm.s32 $0x300;
	s29 =	simm.s32 $0x380;
	s30 =	simm.s32 $0x0  }
0x9: {  	[smem:$0x7FF] =	sst s3;
	s4 =	sadd.s32 $0x1D5E00, s0;
	s8 =	smul.u32 $0x18700, s15  }
0xa: {  	s5 =	sadd.s32 $0x15A800, s0;
	s6 =	sadd.s32 $0x1BCE00, s0;
	s11 =	sand.u32 $0x1, s7  }
0xb: {  	s7 =	sadd.s32 $0xDFC00, s0;
	s26 =	sshll.u32 s15, $0x6;
	s12 =	smul.u32 $0x187000, s11  }
0xc: {  	_ =	strace $0x8000004A;
	s10 =	ssub.s32 $0x2, s11;
	s11 =	smul.u32 $0xC8000, s11  }
0xd: {  	s9 =	sshrl.u32 s8, $0x3;
	s25 =	sshrl.u32 s10, $0x1;
	s14 =	sadd.s32 s8, s1  }
0xe: {  	s0 =	sadd.s32 s9, s0;
	s13 =	ssub.s32 s10, s25;
	s9 =	smul.u32 $0xC800, s15  }
0xf: {  	s8 =	sadd.s32 s8, s12;
	s10 =	sor.u32 $0x1C02, s26;
	s14 =	sshrl.u32 s14, $0x3  }
0x10: {  	s15 =	simm.s32 $0x2;
	s0 =	sadd.s32 $0x207E00, s0;
	s31 =	sshrl.u32 s8, $0x3  }
0x11: {  	s25 =	simm.s32 $0x3610;
	[dreg:$0x4] =	wrdreg s0;
	s0 =	sadd.s32 s2, s31  }
0x12: {  	v0 =	vimm.s32 $0x0;
	s26 =	simm.s32 $0x280;
	s13 =	smax.u32 s13, $0x1;
	[dreg:$0x5] =	wrdreg s0  }
.LBB2_1:
0x13: {  	s0 =	rddreg [dreg:$0x4]  }
0x14: {  	[spmem:s14], [sflag:s10] =	dma.local [hbm:s0], $0x30E0  }
0x15: {  	_ =	swait.ge [sflag:s15], $0x30E0  }
0x16: {  	[sflag:s15] =	ssyncset.done $0x0  }
0x17: {  	[sflag:s15] =	ssyncadd.s32 $0xFFFFCF20  }
0x18: {  	s31 =	simm.s32 $0x0;
	[bflag:$0x0] =	sbarrier.arrive $0xFFFF  }
.LBB2_2:
0x19: {  	s0 =	sshll.u32 s31, $0x9  }
0x1a: {  	s0 =	sadd.s32 s9, s0  }
0x1b: {  	s2 =	sadd.s32 s11, s0  }
0x1c: {  	s2 =	sshrl.u32 s2, $0x3  }
0x1d: {  	s0 =	sshrl.u32 s0, $0x3;
	s2 =	sadd.s32 s4, s2  }
0x1e: {  	[tilespmem:s3], [sflag:$0x1] =	stream.linear.gather [hbm4b:s2+s3], $0x200, $0x38;
	[tilespmem:$0x1CD10] =	vst v63  }
0x1f: {  	s8 =	sadd.s32 s5, s0  }
0x20: {  	[tilespmem:s16], [sflag:$0x1] =	stream.linear.gather [hbm4b:s8+s3], $0x200, $0x38;
	[tilespmem:$0x1CD10] =	vst v63  }
0x21: {  	s0 =	sadd.s32 s6, s0  }
0x22: {  	[tilespmem:s17], [sflag:$0x1] =	stream.linear.gather [hbm4b:s0+s3], $0x200, $0x38;
	[tilespmem:$0x1CD10] =	vst v63  }
0x23: {  	_ =	swait.ge [sflag:s18], $0x200  }
0x24: {  	[sflag:s18] =	ssyncset.done $0x0  }
0x25: {  	[sflag:s18] =	ssyncadd.s32 $0xFFFFFE00  }
0x26: {  	_ =	swait.ge [sflag:s18], $0x200  }
0x27: {  	[sflag:s18] =	ssyncset.done $0x0  }
0x28: {  	[sflag:s18] =	ssyncadd.s32 $0xFFFFFE00  }
0x29: {  	_ =	swait.ge [sflag:s18], $0x200  }
0x2a: {  	[sflag:s18] =	ssyncset.done $0x0  }
0x2b: {  	[sflag:s18] =	ssyncadd.s32 $0xFFFFFE00  }
0x2c: {  	[tilespmem:s20], [sflag:$0x1] =	stream.indirect.gather [hbm4b:s7+s19], $0x20, s3, s19, $0xb8;
	[tilespmem:$0x1CD10] =	vst v63  }
0x2d: {  	_ = 	snop  }
0x2e: {  	[tilespmem:s21], [sflag:$0x1] =	stream.indirect.gather [hbm4b:s7+s19], $0x20, s19, s19, $0xb8;
	[tilespmem:$0x1CD10] =	vst v63  }
0x2f: {  	_ = 	snop  }
0x30: {  	[tilespmem:s23], [sflag:$0x1] =	stream.indirect.gather [hbm4b:s7+s19], $0x20, s22, s19, $0xb8;
	[tilespmem:$0x1CD10] =	vst v63  }
0x31: {  	_ = 	snop  }
0x32: {  	[tilespmem:s25], [sflag:$0x1] =	stream.indirect.gather [hbm4b:s7+s19], $0x20, s24, s19, $0xb8;
	[tilespmem:$0x1CD10] =	vst v63  }
0x33: {  	_ =	swait.ge [sflag:s18], $0x1000  }
0x34: {  	[sflag:s18] =	ssyncset.done $0x0  }
0x35: {  	[sflag:s18] =	ssyncadd.s32 $0xFFFFF000  }
0x36: {  	_ =	swait.ge [sflag:s18], $0x1000  }
0x37: {  	[sflag:s18] =	ssyncset.done $0x0  }
0x38: {  	[sflag:s18] =	ssyncadd.s32 $0xFFFFF000  }
0x39: {  	_ =	swait.ge [sflag:s18], $0x1000  }
0x3a: {  	[sflag:s18] =	ssyncset.done $0x0  }
0x3b: {  	[sflag:s18] =	ssyncadd.s32 $0xFFFFF000  }
0x3c: {  	_ =	swait.ge [sflag:s18], $0x1000  }
0x3d: {  	[sflag:s18] =	ssyncset.done $0x0  }
0x3e: {  	s12 =	simm.s32 $0x404;
	[sflag:s18] =	ssyncadd.s32 $0xFFFFF000  }
0x3f: {  	v1 =	vld [tilespmem:s12+$0x3]  }
0x40: {  	s0 =	simm.s32 $0x690;
	v2 =	vld [tilespmem:s12+$0xFFFFFFFD]  }
0x41: {  	v3 =	vld [tilespmem:s0+$0x70]  }
0x42: {  	v4 =	vld [tilespmem:s12+$0xFFFFFFFE]  }
0x43: {  	v5 =	vld [tilespmem:s12+$0xFFFFFFFF]  }
0x44: {  	v6 =	vld [tilespmem:s12+$0x0]  }
0x45: {  	v7 =	vld [tilespmem:s12+$0x1]  }
0x46: {  	v8 =	vld [tilespmem:s12+$0x2]  }
0x47: {  	v9 =	vld [tilespmem:s12+$0xFFFFFFFC]  }
0x48: {  	v10 =	vld [tilespmem:s0+$0xFFFFFF80]  }
0x49: {  	v11 =	vld [tilespmem:s0+$0xFFFFFF90]  }
0x4a: {  	v16 =	vld [tilespmem:s0+$0xFFFFFFE0]  }
0x4b: {  	v12 =	vld [tilespmem:s0+$0xFFFFFFA0];
	v1 =	vperm.xlane v1, v0  }
0x4c: {  	v13 =	vld [tilespmem:s0+$0xFFFFFFB0];
	v9 =	vperm.xlane v9, v0  }
0x4d: {  	v14 =	vld [tilespmem:s0+$0xFFFFFFC0];
	v62 =	vperm.xlane v5, v0;
	v3 =	vmul.f32 v3, v1  }
0x4e: {  	v15 =	vld [tilespmem:s0+$0xFFFFFFD0];
	v2 =	vperm.xlane v2, v0;
	v10 =	vmul.f32 v10, v9  }
0x4f: {  	v61 =	vld [tilespmem:s0+$0x10];
	v63 =	vmul.f32 v16, v62;
	[tilespmem:s0+$0x70] =	vst v3;
	v3 =	vmul.f32 v11, v9  }
0x50: {  	v9 =	vld [tilespmem:s0+$0xFFFFFFF0];
	v11 =	vperm.xlane v4, v0;
	v4 =	vmul.f32 v12, v2;
	[tilespmem:s0+$0xFFFFFF80] =	vst v10  }
0x51: {  	v10 =	vld [tilespmem:s0+$0x0];
	[tilespmem:s0+$0xFFFFFFE0] =	vst v63  }
0x52: {  	v2 =	vmul.f32 v13, v2;
	[tilespmem:s0+$0xFFFFFFA0] =	vst v4;
	v4 =	vld [tilespmem:s0+$0x20]  }
0x53: {  	v17 =	vperm.xlane v6, v0;
	v5 =	vld [tilespmem:s0+$0x30];
	[tilespmem:s0+$0xFFFFFF90] =	vst v3;
	v14 =	vmul.f32 v14, v11  }
0x54: {  	v6 =	vld [tilespmem:s0+$0x40];
	v11 =	vmul.f32 v15, v11;
	[tilespmem:s0+$0xFFFFFFB0] =	vst v2;
	v3 =	vperm.xlane v7, v0  }
0x55: {  	v2 =	vperm.xlane v8, v0;
	v7 =	vld [tilespmem:s0+$0x50];
	[tilespmem:s0+$0xFFFFFFC0] =	vst v14;
	v9 =	vmul.f32 v9, v62  }
0x56: {  	s2 =	simm.s32 $0x690;
	s8 =	simm.s32 $0x0;
	s12 =	simm.s32 $0x40C;
	v8 =	vld [tilespmem:s0+$0x60];
	[tilespmem:s0+$0xFFFFFFD0] =	vst v11;
	v11 =	vmul.f32 v10, v17;
	v10 =	vmul.f32 v61, v17  }
.LBB2_3:
0x57: {  	v12 =	vld [tilespmem:s12+$0x3];
	s8 =	sadd.s32 $0x8, s8;
	[tilespmem:s0+$0xFFFFFFF0] =	vst v9;
	v4 =	vmul.f32 v4, v3  }
0x58: {  	s0 =	sadd.s32 $0x100, s0;
	v9 =	vld [tilespmem:s12+$0xFFFFFFFD];
	p0 =	slt.u32 s8, $0x1F8;
	[tilespmem:s2+$0x0] =	vst v11;
	v3 =	vmul.f32 v5, v3  }
0x59: {  	v5 =	vld [tilespmem:s0+$0x70];
	[tilespmem:s2+$0x10] =	vst v10;
	v6 =	vmul.f32 v6, v2  }
0x5a: {  	v10 =	vld [tilespmem:s12+$0xFFFFFFFE];
	[tilespmem:s2+$0x20] =	vst v4;
	v2 =	vmul.f32 v7, v2  }
0x5b: {  	v4 =	vld [tilespmem:s12+$0xFFFFFFFF];
	[tilespmem:s2+$0x30] =	vst v3;
	v3 =	vmul.f32 v8, v1  }
0x5c: {  	v7 =	vld [tilespmem:s12+$0x0];
	v1 =	vperm.xlane v12, v0;
	[tilespmem:s2+$0x40] =	vst v6  }
0x5d: {  	v6 =	vperm.xlane v9, v0;
	v8 =	vld [tilespmem:s12+$0x1];
	[tilespmem:s2+$0x50] =	vst v2  }
0x5e: {  	v2 =	vld [tilespmem:s12+$0x2];
	v5 =	vmul.f32 v5, v1;
	[tilespmem:s2+$0x60] =	vst v3;
	s2 =	smov.u32 s0  }
0x5f: {  	v9 =	vld [tilespmem:s12+$0xFFFFFFFC];
	v10 =	vperm.xlane v10, v0  }
0x60: {  	v11 =	vld [tilespmem:s0+$0xFFFFFF80];
	v12 =	vperm.xlane v4, v0;
	[tilespmem:s0+$0x70] =	vst v5  }
0x61: {  	v4 =	vld [tilespmem:s0+$0xFFFFFF90];
	v13 =	vperm.xlane v7, v0  }
0x62: {  	v5 =	vld [tilespmem:s0+$0xFFFFFFA0];
	v3 =	vperm.xlane v8, v0  }
0x63: {  	v7 =	vld [tilespmem:s0+$0xFFFFFFB0];
	v2 =	vperm.xlane v2, v0  }
0x64: {  	v8 =	vperm.xlane v9, v0;
	v9 =	vld [tilespmem:s0+$0xFFFFFFC0]  }
0x65: {  	v14 =	vld [tilespmem:s0+$0xFFFFFFD0]  }
0x66: {  	v11 =	vmul.f32 v11, v8;
	v4 =	vmul.f32 v4, v8;
	v8 =	vld [tilespmem:s0+$0xFFFFFFE0]  }
0x67: {  	v5 =	vmul.f32 v5, v6;
	v15 =	vld [tilespmem:s0+$0xFFFFFFF0]  }
0x68: {  	[tilespmem:s0+$0xFFFFFF80] =	vst v11;
	v6 =	vmul.f32 v7, v6;
	v7 =	vld [tilespmem:s0+$0x0]  }
0x69: {  	[tilespmem:s0+$0xFFFFFF90] =	vst v4;
	v9 =	vmul.f32 v9, v10;
	v16 =	vld [tilespmem:s0+$0x10]  }
.Ltmp0:
0x6a: {  	[tilespmem:s0+$0xFFFFFFA0] =	vst v5;
	v10 =	vmul.f32 v14, v10;
	v4 =	vld [tilespmem:s0+$0x20];
	(pc) =	sbr.rel @p0 .LBB2_3-.Ltmp0, $4  }
0x6b: {  	[tilespmem:s0+$0xFFFFFFB0] =	vst v6;
	v8 =	vmul.f32 v8, v12;
	v5 =	vld [tilespmem:s0+$0x30]  }
0x6c: {  	[tilespmem:s0+$0xFFFFFFC0] =	vst v9;
	v9 =	vmul.f32 v15, v12;
	v6 =	vld [tilespmem:s0+$0x40]  }
0x6d: {  	[tilespmem:s0+$0xFFFFFFD0] =	vst v10;
	v11 =	vmul.f32 v7, v13;
	v7 =	vld [tilespmem:s0+$0x50]  }
0x6e: {  	s12 =	sadd.s32 $0x8, s12;
	[tilespmem:s0+$0xFFFFFFE0] =	vst v8;
	v10 =	vmul.f32 v16, v13;
	v8 =	vld [tilespmem:s0+$0x60]  }
0x6f: {  	[tilespmem:s0+$0xFFFFFFF0] =	vst v9  }
0x70: {  	v4 =	vmul.f32 v4, v3;
	[tilespmem:s2+$0x0] =	vst v11  }
0x71: {  	v3 =	vmul.f32 v5, v3;
	[tilespmem:s2+$0x10] =	vst v10  }
0x72: {  	v63 =	vmul.f32 v6, v2;
	[tilespmem:s2+$0x20] =	vst v4  }
0x73: {  	v2 =	vmul.f32 v7, v2;
	[tilespmem:s2+$0x30] =	vst v3  }
0x74: {  	v1 =	vmul.f32 v8, v1;
	[tilespmem:s2+$0x40] =	vst v63  }
0x75: {  	[tilespmem:s2+$0x50] =	vst v2  }
0x76: {  	[tilespmem:s2+$0x60] =	vst v1  }
0x77: {  	[spmem:s1] =	stream.indirect.scatter.add.f32 [tilespmem:s20], [sflag:$0x1], $0x20, s16, s19, $0xb8;
	[tilespmem:$0x1CD10] =	vst v63  }
0x78: {  	_ = 	snop  }
0x79: {  	[spmem:s1] =	stream.indirect.scatter.add.f32 [tilespmem:s21], [sflag:$0x1], $0x20, s26, s19, $0xb8;
	[tilespmem:$0x1CD10] =	vst v63  }
0x7a: {  	_ = 	snop  }
0x7b: {  	[spmem:s1] =	stream.indirect.scatter.add.f32 [tilespmem:s23], [sflag:$0x1], $0x20, s28, s19, $0xb8;
	[tilespmem:$0x1CD10] =	vst v63  }
0x7c: {  	_ = 	snop  }
0x7d: {  	[spmem:s1] =	stream.indirect.scatter.add.f32 [tilespmem:s25], [sflag:$0x1], $0x20, s29, s19, $0xb8;
	[tilespmem:$0x1CD10] =	vst v63  }
0x7e: {  	_ =	swait.ge [sflag:s18], $0x1000  }
0x7f: {  	[sflag:s18] =	ssyncset.done $0x0  }
0x80: {  	[sflag:s18] =	ssyncadd.s32 $0xFFFFF000  }
0x81: {  	_ =	swait.ge [sflag:s18], $0x1000  }
0x82: {  	[sflag:s18] =	ssyncset.done $0x0  }
0x83: {  	s31 =	sadd.s32 $0x1, s31;
	[sflag:s18] =	ssyncadd.s32 $0xFFFFF000  }
0x84: {  	p0 =	sne.s32 s31, $0x64;
	_ =	swait.ge [sflag:s18], $0x1000  }
.Ltmp1:
0x85: {  	[sflag:s18] =	ssyncset.done $0x0;
	(pc) =	sbr.rel @p0 .LBB2_2-.Ltmp1, $4  }
0x86: {  	[sflag:s18] =	ssyncadd.s32 $0xFFFFF000  }
0x87: {  	_ =	swait.ge [sflag:s18], $0x1000  }
0x88: {  	[sflag:s18] =	ssyncset.done $0x0  }
0x89: {  	[sflag:s18] =	ssyncadd.s32 $0xFFFFF000  }
0x8a: {  	s30 =	sadd.s32 $0x1, s30  }
0x8b: {  	[bflag:$0x0] =	sbarrier.arrive $0xFFFF;
	p0 =	sne.s32 s30, s13  }
.Ltmp2:
0x8c: {  	s0 =	rddreg [dreg:$0x5];
	(pc) =	sbr.rel @p0 .LBB2_1-.Ltmp2, $4  }
0x8d: {  	[hbm:s0], [sflag:s10] =	dma.local [spmem:s14], $0x30E0  }
0x8e: {  	_ =	swait.ge [sflag:s15], $0x30E0  }
0x8f: {  	[sflag:s15] =	ssyncset.done $0x0  }
0x90: {  	[sflag:s15] =	ssyncadd.s32 $0xFFFFCF20  }
0x91: {  	_ =	sfence.sel $0x180000  }
0x92: {  	[bflag:$0x0] =	sbarrier.arrive $0xFFFF  }
0x93: {  	_ =	strace $0x9000004A  }
0x94: {  	s0 =	stileid.u32;
	[bflag:$0x2] =	sbarrier.arrive $0xFFFF  }
0x95: {  	p0 =	sne.s32 s0, $0x0;
	s0 =	rddreg [dreg:$0x3]  }
0x96: {  	s0 =	sadd.s32 @!p0 $0x100000, s0  }
0x97: {  	[sflag:s0] =	ssyncadd.tile.s32 @!p0 $0x1;
	_ =	shalt  }
.Lfunc_end2:
_tile_overlayer_lowered:
.L_overlay_start_2:
0x98: {  	(tag) =	ssettag $0x2  }
0x99: {  	s0 =	rddreg [dreg:$0x0];
	s2 =	stileid.u32  }
0x9a: {  	s1 =	rddreg [dreg:$0x1];
	p0 =	sne.s32 s2, $0x0  }
0x9b: {  	s3 =	rddreg [dreg:$0x2];
	[bflag:$0x3] =	sbarrier.arrive $0xFFFF;
	s2 =	simm.s32 @!p0 $0x1C02  }
0x9c: {  	[timem:s3], [sflag:s2] =	dma.local @!p0 [hbm:s0], s1  }
0x9d: {  	s0 =	simm.s32 @!p0 $0x2  }
0x9e: {  	_ =	swait.ge @!p0 [sflag:s0], s1  }
0x9f: {  	s1 =	ssub.s32 @!p0 $0x0, s1;
	[sflag:s0] =	ssyncset.done @!p0 $0x0  }
0xa0: {  	[sflag:s0] =	ssyncadd.s32 @!p0 s1  }
0xa1: {  	[bflag:$0x3] =	sbarrier.arrive $0xFFFF  }
0xa2: {  	_ =	shalt  }

// kernel: kernel.14.cloned.1.call-start
scs
__scs_entry_jumppad:
0x0: {  	(pc) =	sbr.rel $0x88, $3  }
0x1: {  	(tag) =	ssettag $0x0;
	lr =	simm.s32 $0x1  }
0x2: {  	[smem:$0x3F95] =	sst lr;
	_ =	strace $0xD0000000  }
0x3: {  	_ = 	snop  }
0x4: {  	_ = 	snop  }
0x5: {  	_ = 	snop  }
0x6: {  	_ = 	snop  }
0x7: {  	_ = 	snop  }
__scs_overlays_trampoline_lowered:
0x8: {  	[smem:$0x3FA4] =	sst s0  }
0x9: {  	[smem:$0x3FA5] =	sst s1  }
0xa: {  	[smem:$0x3FA6] =	sst s2  }
0xb: {  	[smem:$0x3FA7] =	sst s3  }
0xc: {  	[smem:$0x3FA8] =	sst s4  }
0xd: {  	[smem:$0x3FA9] =	sst s5  }
0xe: {  	[smem:$0x3FAA] =	sst s6  }
0xf: {  	[smem:$0x3FAB] =	sst s7  }
0x10: {  	[smem:$0x3FAC] =	sst s8  }
0x11: {  	[smem:$0x3FAD] =	sst s9;
	s0 =	simm.s32 @!p0 $0x0  }
0x12: {  	s1 =	sld [smem:$0x3F93];
	s0 =	simm.s32 @p0 $0x1  }
0x13: {  	[smem:$0x3FAE] =	sst s0;
	s0 =	simm.s32 @!p1 $0x0  }
0x14: {  	s2 =	sld [smem:$0x3F92];
	s0 =	simm.s32 @p1 $0x1  }
0x15: {  	[smem:$0x3FAF] =	sst s0;
	s0 =	simm.s32 @!p2 $0x0  }
0x16: {  	s3 =	sld [smem:$0x3FDB];
	s0 =	simm.s32 @p2 $0x1  }
0x17: {  	s4 =	simm.s32 $0x1BF5;
	[smem:$0x3FB1] =	sst s0  }
0x18: {  	s0 =	sld [smem:$0x3F94];
	_ =	swait.ge [sflag:s4], $0x0  }
0x19: {  	s7 =	sld [smem:$0x3F95]  }
0x1a: {  	s8 =	sadd.s32 $0xFFFFE003, lr  }
0x1b: {  	s9 =	sadd.s32 $0xFFFFFEF7, lr;
	s5 =	simm.s32 $0xFFFFFFFF;
	p2 =	slt.u32 s8, $0xFFFFF086  }
0x1c: {  	p1 =	slt.u32 s9, $0xF7A;
	s5 =	simm.s32 @!p2 $0x0  }
0x1d: {  	s5 =	simm.s32 @p1 $0x1;
	p0 =	seq.s32 s7, s2  }
0x1e: {  	s7 =	smul.u32 @!p0 $0xF7A, s2;
	p2 =	seq.s32 @!p0 s5, $0x0  }
0x1f: {  	s9 =	smul.u32 $0xF7A, s1;
	s8 =	simm.s32 @!p0 $0x1BF5;
	p2 =	por !p2, p0  }
0x20: {  	[sflag:s8] =	ssyncset.s32 @!p0 $0xFFFFF086;
	s6 =	sadd.s32 @!p0 s3, s7;
	s7 =	simm.s32 @!p0 $0x108  }
0x21: {  	s3 =	sadd.s32 s3, s9;
	s6 =	sadd.s32 @!p0 $0x88, s6;
	s7 =	simm.s32 @p2 $0x1082  }
0x22: {  	[simem:s7], [sflag:s8] =	dma.local @!p0 [hbm:s6], $0xF7A  }
0x23: {  	s9 =	sor.u32 $0xD0000000, s2;
	s6 =	simm.s32 $0x108;
	_ =	swait.ge @!p0 [sflag:s8], $0x0  }
0x24: {  	s3 =	sadd.s32 $0x88, s3;
	s6 =	simm.s32 @!p1 $0x1082;
	[sflag:s4] =	ssyncset.s32 $0xFFFFF086  }
0x25: {  	[simem:s6], [sflag:s4] =	dma.local [hbm:s3], $0xF7A  }
0x26: {  	[smem:$0x3F95] =	sst s1;
	(tag) =	ssettag s2;
	_ =	strace s9  }
0x27: {  	s1 =	sld [smem:$0x3FA5]  }
0x28: {  	s2 =	sld [smem:$0x3FA6]  }
0x29: {  	s4 =	sld [smem:$0x3FA8]  }
0x2a: {  	p0 =	seq.s32 s5, $0x0;
	s5 =	sld [smem:$0x3FA9]  }
0x2b: {  	s6 =	sld [smem:$0x3FAA]  }
0x2c: {  	s7 =	sld [smem:$0x3FAB]  }
0x2d: {  	s3 =	simm.s32 $0x108;
	s8 =	sld [smem:$0x3FAC]  }
0x2e: {  	s3 =	simm.s32 @!p0 $0x1082;
	s9 =	sld [smem:$0x3FAD]  }
0x2f: {  	lr =	sadd.s32 s0, s3;
	s0 =	sld [smem:$0x3FA4]  }
0x30: {  	s3 =	sld [smem:$0x3FA7]  }
0x31: {  	[smem:$0x3FB0] =	sst s10  }
0x32: {  	s10 =	sld [smem:$0x3FAE];
	_ =	sdelay $0x3  }
0x33: {  	p0 =	seq.s32 s10, $0x1;
	s10 =	sld [smem:$0x3FB0];
	_ =	sdelay $0x3  }
0x34: {  	[smem:$0x3FB0] =	sst s10  }
0x35: {  	s10 =	sld [smem:$0x3FAF];
	_ =	sdelay $0x3  }
0x36: {  	p1 =	seq.s32 s10, $0x1;
	s10 =	sld [smem:$0x3FB0];
	_ =	sdelay $0x3  }
0x37: {  	[smem:$0x3FB0] =	sst s10  }
0x38: {  	s10 =	sld [smem:$0x3FB1]  }
0x39: {  	_ = 	snop;
	(pc) =	sbr.ind lr, $3  }
0x3a: {  	_ = 	snop  }
0x3b: {  	_ = 	snop  }
0x3c: {  	p2 =	seq.s32 s10, $0x1;
	s10 =	sld [smem:$0x3FB0]  }
0x3d: {  	_ =	shalt  }
0x3e: {  	_ =	shalt  }
0x3f: {  	_ =	shalt  }
0x40: {  	_ =	shalt  }
0x41: {  	_ =	shalt  }
0x42: {  	_ =	shalt  }
0x43: {  	_ =	shalt  }
0x44: {  	_ =	shalt  }
0x45: {  	_ =	shalt  }
0x46: {  	_ =	shalt  }
0x47: {  	_ =	shalt  }
0x48: {  	_ =	shalt  }
0x49: {  	_ =	shalt  }
0x4a: {  	_ =	shalt  }
0x4b: {  	_ =	shalt  }
0x4c: {  	_ =	shalt  }
0x4d: {  	_ =	shalt  }
0x4e: {  	_ =	shalt  }
0x4f: {  	_ =	shalt  }
0x50: {  	_ =	shalt  }
0x51: {  	_ =	shalt  }
0x52: {  	_ =	shalt  }
0x53: {  	_ =	shalt  }
0x54: {  	_ =	shalt  }
0x55: {  	_ =	shalt  }
0x56: {  	_ =	shalt  }
0x57: {  	_ =	shalt  }
0x58: {  	_ =	shalt  }
0x59: {  	_ =	shalt  }
0x5a: {  	_ =	shalt  }
0x5b: {  	_ =	shalt  }
0x5c: {  	_ =	shalt  }
0x5d: {  	_ =	shalt  }
0x5e: {  	_ =	shalt  }
0x5f: {  	_ =	shalt  }
0x60: {  	_ =	shalt  }
0x61: {  	_ =	shalt  }
0x62: {  	_ =	shalt  }
0x63: {  	_ =	shalt  }
0x64: {  	_ =	shalt  }
0x65: {  	_ =	shalt  }
0x66: {  	_ =	shalt  }
0x67: {  	_ =	shalt  }
0x68: {  	_ =	shalt  }
0x69: {  	_ =	shalt  }
0x6a: {  	_ =	shalt  }
0x6b: {  	_ =	shalt  }
0x6c: {  	_ =	shalt  }
0x6d: {  	_ =	shalt  }
0x6e: {  	_ =	shalt  }
0x6f: {  	_ =	shalt  }
0x70: {  	_ =	shalt  }
0x71: {  	_ =	shalt  }
0x72: {  	_ =	shalt  }
0x73: {  	_ =	shalt  }
0x74: {  	_ =	shalt  }
0x75: {  	_ =	shalt  }
0x76: {  	_ =	shalt  }
0x77: {  	_ =	shalt  }
0x78: {  	_ =	shalt  }
0x79: {  	_ =	shalt  }
0x7a: {  	_ =	shalt  }
0x7b: {  	_ =	shalt  }
0x7c: {  	_ =	shalt  }
0x7d: {  	_ =	shalt  }
0x7e: {  	_ =	shalt  }
0x7f: {  	_ =	shalt  }
0x80: {  	_ =	shalt  }
0x81: {  	_ =	shalt  }
0x82: {  	_ =	shalt  }
0x83: {  	_ =	shalt  }
0x84: {  	_ =	shalt  }
0x85: {  	_ =	shalt  }
0x86: {  	_ =	shalt  }
0x87: {  	_ =	shalt  }
.Lfunc_end0:
.L_simem_size_0:
called_computation.2_lowered:
.L_overlay_start_0:
0x88: {  	s2 =	sld [smem:$0x3FD9]  }
0x89: {  	s3 =	sld [smem:$0x3FFE];
	_ =	sdelay $0x1  }
0x8a: {  	s1 =	srdreg.scid  }
0x8b: {  	s0 =	sand.u32 $0x1, s1  }
0x8c: {  	s17 =	sshll.u32 s0, $0xA;
	s2 =	sadd.s32 s3, s2  }
0x8d: {  	s2 =	sadd.s32 s2, s17  }
0x8e: {  	[smem:$0x3FBC] =	sst s2  }
0x8f: {  	_ = 	snop  }
0x90: {  	s2 =	sld [smem:$0x3FD0];
	(tm) =	ssettm $0x1  }
0x91: {  	s18 =	sld [smem:$0x3FFB];
	_ =	sdelay $0x3  }
0x92: {  	_ =	strace s18  }
0x93: {  	s3 =	sld [smem:$0x3FFC];
	_ =	sdelay $0x3  }
0x94: {  	_ =	strace s3  }
0x95: {  	s3 =	sld [smem:$0x3FFD];
	_ =	sdelay $0x3  }
0x96: {  	_ =	strace s3  }
0x97: {  	_ =	strace $0x8FFFFFFF  }
0x98: {  	s19 =	sld [smem:$0x3FDB];
	_ =	sdelay $0x1  }
0x99: {  	s4 =	simm.s32 $_scs_section_size  }
0x9a: {  	s5 =	simm.s32 $_size__tile_overlayer_lowered;
	s6 =	simm.s32 $_tile_overlayer_lowered  }
0x9b: {  	s22 =	simm.s32 $0x1BFF;
	s21 =	sshll.u32 s6, $0x1;
	s3 =	sadd.s32 s4, s19  }
0x9c: {  	s7 =	simm.s32 $0x0;
	s20 =	sshll.u32 s5, $0x1;
	s5 =	sadd.s32 s21, s3  }
0x9d: {  	[timem:s7], [sflag:s22] =	dma.local [hbm:s5], s20  }
0x9e: {  	_ =	swait.ge [sflag:s22], s20  }
0x9f: {  	s4 =	ssub.s32 $0x0, s20;
	[sflag:s22] =	ssyncset.done $0x0  }
0xa0: {  	[sflag:s22] =	ssyncadd.s32 s4;
	_ =	sdelay $0x1  }
0xa1: {  	s23 =	simm.s32 $0x1B8B  }
0xa2: {  	_ =	swait.ge [sflag:s23], $0x1  }
0xa3: {  	[sflag:s23] =	ssyncset.done $0x0  }
0xa4: {  	s25 =	simm.s32 $0x1B8E;
	s24 =	sld [smem:$0x3FFE];
	[sflag:s23] =	ssyncadd.s32 $0xFFFFFFFF  }
0xa5: {  	s26 =	simm.s32 $execute0_lowered;
	[smem:$0x3FD2] =	sst s25  }
0xa6: {  	s5 =	sshll.u32 s26, $0x1;
	_ =	strace $0x8000004C;
	[dreg:$0x1] =	wrdreg $0xFFFFFFFF  }
0xa7: {  	s28 =	simm.s32 $_size_execute0_lowered;
	s3 =	sadd.s32 s3, s5;
	[dreg:$0x0] =	wrdreg $0x0  }
0xa8: {  	s5 =	sshll.u32 s28, $0x1;
	[dreg:$0x2] =	wrdreg s3  }
0xa9: {  	[dreg:$0x3] =	wrdreg s5  }
0xaa: {  	[dreg:$0x4] =	wrdreg $0xC0  }
0xab: {  	_ =	task [dreg:s7], $0x5FFFF  }
0xac: {  	[dreg:$0x1] =	wrdreg $0xFFFFFFFF  }
0xad: {  	[dreg:$0x0] =	wrdreg $0x60  }
0xae: {  	[dreg:$0x2] =	wrdreg s24  }
0xaf: {  	[dreg:$0x3] =	wrdreg s2  }
0xb0: {  	[dreg:$0x4] =	wrdreg $0x26100  }
0xb1: {  	[dreg:$0x5] =	wrdreg $0x9  }
0xb2: {  	_ =	task.clear_ibuf [dreg:s7], $0x6FFFF;
	_ =	strace $0x9000004C  }
0xb3: {  	s29 =	simm.s32 $0x9;
	_ =	strace $0x8000004E  }
0xb4: {  	_ =	swait.ge [sflag:s29], $0x1  }
0xb5: {  	[sflag:s29] =	ssyncadd.s32 $0xFFFFFFFF  }
0xb6: {  	_ =	strace $0x9000004E  }
0xb7: {  	_ =	sfence  }
0xb8: {  	s30 =	sld [smem:$0x0];
	_ =	sdelay $0x2  }
0xb9: {  	s31 =	sshll.u32 s1, $0xD;
	s1 =	sshrl.u32 s1, $0x2  }
0xba: {  	s3 =	sand.u32 $0x4000, s31;
	s1 =	sadd.s32 s1, s30  }
0xbb: {  	s0 =	sor.u32 s3, s0;
	s1 =	sshll.u32 s1, $0x11  }
0xbc: {  	s0 =	sor.u32 s1, s0  }
0xbd: {  	s0 =	sadd.s32 $0x8F2B, s0  }
0xbe: {  	[sflag:s0] =	ssyncadd.remote.s32 $0x1  }
0xbf: {  	_ =	sfence.sel $0xFFFF  }
0xc0: {  	[dreg:$0x0] =	wrdreg $0xFFFFFFFF;
	(pc) =	sbr.abs _section_cstart, $3  }
0xc1: {  	[dreg:$0x1] =	wrdreg $0xFFFFFFFF  }
0xc2: {  	_ =	task.clear_ibuf [dreg:s7], $0x2FFFF;
	_ =	strace $0x9FFFFFFF  }
0xc3: {  	(tm) =	ssettm $0x7FFFFFFF  }
tec
execute0_lowered:
.L_overlay_start_1:
0x0: {  	(tag) =	ssettag $0x1  }
0x1: {  	s0 =	rddreg [dreg:$0x0]  }
0x2: {  	s2 =	rddreg [dreg:$0x1]  }
0x3: {  	s1 =	rddreg [dreg:$0x2]  }
0x4: {  	s3 =	simm.s32 $0x0;
	s15 =	stileid.u32;
	s7 =	srdreg.scid  }
0x5: {  	s16 =	simm.s32 $0x200;
	s17 =	simm.s32 $0x400;
	s18 =	simm.s32 $0x1  }
0x6: {  	s19 =	simm.s32 $0x80;
	s20 =	simm.s32 $0x610;
	s21 =	simm.s32 $0xE10  }
0x7: {  	s22 =	simm.s32 $0x100;
	s23 =	simm.s32 $0x1610;
	s24 =	simm.s32 $0x180  }
0x8: {  	s28 =	simm.s32 $0x300;
	s29 =	simm.s32 $0x380;
	s30 =	simm.s32 $0x0  }
0x9: {  	[smem:$0x7FF] =	sst s3;
	s4 =	sadd.s32 $0x1D5E00, s0;
	s8 =	smul.u32 $0xC380, s15  }
0xa: {  	s5 =	sadd.s32 $0x15A800, s0;
	s6 =	sadd.s32 $0x1BCE00, s0;
	s11 =	sand.u32 $0x1, s7  }
0xb: {  	s7 =	sadd.s32 $0x18C000, s0;
	s26 =	sshll.u32 s15, $0x6;
	s12 =	smul.u32 $0xC3800, s11  }
0xc: {  	_ =	strace $0x8000004D;
	s10 =	ssub.s32 $0x2, s11;
	s11 =	smul.u32 $0xC8000, s11  }
0xd: {  	s9 =	sshrl.u32 s8, $0x3;
	s25 =	sshrl.u32 s10, $0x1;
	s14 =	sadd.s32 s8, s1  }
0xe: {  	s0 =	sadd.s32 s9, s0;
	s13 =	ssub.s32 s10, s25;
	s9 =	smul.u32 $0xC800, s15  }
0xf: {  	s8 =	sadd.s32 s8, s12;
	s10 =	sor.u32 $0x1C02, s26;
	s14 =	sshrl.u32 s14, $0x3  }
0x10: {  	s15 =	simm.s32 $0x2;
	s0 =	sadd.s32 $0x173800, s0;
	s31 =	sshrl.u32 s8, $0x3  }
0x11: {  	s25 =	simm.s32 $0x1E10;
	[dreg:$0x4] =	wrdreg s0;
	s0 =	sadd.s32 s2, s31  }
0x12: {  	v0 =	vimm.s32 $0x0;
	s26 =	simm.s32 $0x280;
	s13 =	smax.u32 s13, $0x1;
	[dreg:$0x5] =	wrdreg s0  }
.LBB2_1:
0x13: {  	s0 =	rddreg [dreg:$0x4]  }
0x14: {  	[spmem:s14], [sflag:s10] =	dma.local [hbm:s0], $0x1870  }
0x15: {  	_ =	swait.ge [sflag:s15], $0x1870  }
0x16: {  	[sflag:s15] =	ssyncset.done $0x0  }
0x17: {  	[sflag:s15] =	ssyncadd.s32 $0xFFFFE790  }
0x18: {  	s31 =	simm.s32 $0x0;
	[bflag:$0x0] =	sbarrier.arrive $0xFFFF  }
.LBB2_2:
0x19: {  	s0 =	sshll.u32 s31, $0x9  }
0x1a: {  	s0 =	sadd.s32 s9, s0  }
0x1b: {  	s2 =	sadd.s32 s11, s0  }
0x1c: {  	s2 =	sshrl.u32 s2, $0x3  }
0x1d: {  	s0 =	sshrl.u32 s0, $0x3;
	s2 =	sadd.s32 s4, s2  }
0x1e: {  	[tilespmem:s3], [sflag:$0x1] =	stream.linear.gather [hbm4b:s2+s3], $0x200, $0x38;
	[tilespmem:$0xE990] =	vst v63  }
0x1f: {  	s8 =	sadd.s32 s5, s0  }
0x20: {  	[tilespmem:s16], [sflag:$0x1] =	stream.linear.gather [hbm4b:s8+s3], $0x200, $0x38;
	[tilespmem:$0xE990] =	vst v63  }
0x21: {  	s0 =	sadd.s32 s6, s0  }
0x22: {  	[tilespmem:s17], [sflag:$0x1] =	stream.linear.gather [hbm4b:s0+s3], $0x200, $0x38;
	[tilespmem:$0xE990] =	vst v63  }
0x23: {  	_ =	swait.ge [sflag:s18], $0x200  }
0x24: {  	[sflag:s18] =	ssyncset.done $0x0  }
0x25: {  	[sflag:s18] =	ssyncadd.s32 $0xFFFFFE00  }
0x26: {  	_ =	swait.ge [sflag:s18], $0x200  }
0x27: {  	[sflag:s18] =	ssyncset.done $0x0  }
0x28: {  	[sflag:s18] =	ssyncadd.s32 $0xFFFFFE00  }
0x29: {  	_ =	swait.ge [sflag:s18], $0x200  }
0x2a: {  	[sflag:s18] =	ssyncset.done $0x0  }
0x2b: {  	[sflag:s18] =	ssyncadd.s32 $0xFFFFFE00  }
0x2c: {  	[tilespmem:s20], [sflag:$0x1] =	stream.indirect.gather [hbm4b:s7+s19], $0x10, s3, s19, $0xb8;
	[tilespmem:$0xE990] =	vst v63  }
0x2d: {  	_ = 	snop  }
0x2e: {  	[tilespmem:s21], [sflag:$0x1] =	stream.indirect.gather [hbm4b:s7+s19], $0x10, s19, s19, $0xb8;
	[tilespmem:$0xE990] =	vst v63  }
0x2f: {  	_ = 	snop  }
0x30: {  	[tilespmem:s23], [sflag:$0x1] =	stream.indirect.gather [hbm4b:s7+s19], $0x10, s22, s19, $0xb8;
	[tilespmem:$0xE990] =	vst v63  }
0x31: {  	_ = 	snop  }
0x32: {  	[tilespmem:s25], [sflag:$0x1] =	stream.indirect.gather [hbm4b:s7+s19], $0x10, s24, s19, $0xb8;
	[tilespmem:$0xE990] =	vst v63  }
0x33: {  	_ =	swait.ge [sflag:s18], $0x800  }
0x34: {  	[sflag:s18] =	ssyncset.done $0x0  }
0x35: {  	[sflag:s18] =	ssyncadd.s32 $0xFFFFF800  }
0x36: {  	_ =	swait.ge [sflag:s18], $0x800  }
0x37: {  	[sflag:s18] =	ssyncset.done $0x0  }
0x38: {  	[sflag:s18] =	ssyncadd.s32 $0xFFFFF800  }
0x39: {  	_ =	swait.ge [sflag:s18], $0x800  }
0x3a: {  	[sflag:s18] =	ssyncset.done $0x0  }
0x3b: {  	[sflag:s18] =	ssyncadd.s32 $0xFFFFF800  }
0x3c: {  	_ =	swait.ge [sflag:s18], $0x800  }
0x3d: {  	[sflag:s18] =	ssyncset.done $0x0  }
0x3e: {  	s12 =	simm.s32 $0x404;
	[sflag:s18] =	ssyncadd.s32 $0xFFFFF800  }
0x3f: {  	v1 =	vld [tilespmem:s12+$0x3]  }
0x40: {  	s0 =	simm.s32 $0x650;
	v2 =	vld [tilespmem:s12+$0xFFFFFFFD]  }
0x41: {  	v3 =	vld [tilespmem:s0+$0x30]  }
0x42: {  	v4 =	vld [tilespmem:s12+$0xFFFFFFFE]  }
0x43: {  	v6 =	vld [tilespmem:s12+$0xFFFFFFFF]  }
0x44: {  	v8 =	vld [tilespmem:s12+$0x0]  }
0x45: {  	v10 =	vld [tilespmem:s12+$0x1]  }
0x46: {  	v11 =	vld [tilespmem:s12+$0x2]  }
0x47: {  	v12 =	vld [tilespmem:s12+$0xFFFFFFFC]  }
0x48: {  	v13 =	vld [tilespmem:s0+$0xFFFFFFC0]  }
0x49: {  	v14 =	vld [tilespmem:s0+$0xFFFFFFD0];
	v1 =	vperm.xlane v1, v0  }
0x4a: {  	v9 =	vld [tilespmem:s0+$0xFFFFFFE0];
	v15 =	vperm.xlane v2, v0;
	v5 =	vperm.xlane v4, v0  }
0x4b: {  	v7 =	vld [tilespmem:s0+$0xFFFFFFF0];
	v4 =	vperm.xlane v6, v0;
	v2 =	vperm.xlane v8, v0  }
0x4c: {  	v12 =	vperm.xlane v12, v0;
	v8 =	vld [tilespmem:s0+$0x0];
	v16 =	vmul.f32 v3, v1  }
0x4d: {  	v6 =	vld [tilespmem:s0+$0x10];
	v3 =	vperm.xlane v10, v0;
	v1 =	vperm.xlane v11, v0  }
0x4e: {  	s2 =	simm.s32 $0x0;
	s8 =	simm.s32 $0x40C;
	s12 =	simm.s32 $0x650;
	v12 =	vmul.f32 v13, v12;
	v11 =	vmul.f32 v14, v15;
	v10 =	vld [tilespmem:s0+$0x20];
	[tilespmem:s0+$0x30] =	vst v16  }
.LBB2_3:
0x4f: {  	v13 =	vld [tilespmem:s8+$0x3];
	s2 =	sadd.s32 $0x8, s2;
	v5 =	vmul.f32 v9, v5  }
0x50: {  	s12 =	sadd.s32 $0x80, s12;
	v9 =	vld [tilespmem:s8+$0xFFFFFFFD];
	p0 =	slt.u32 s2, $0x1F8;
	[tilespmem:s0+$0xFFFFFFC0] =	vst v12;
	v4 =	vmul.f32 v7, v4  }
0x51: {  	v7 =	vld [tilespmem:s12+$0x30];
	[tilespmem:s0+$0xFFFFFFD0] =	vst v11;
	v2 =	vmul.f32 v8, v2  }
0x52: {  	v8 =	vld [tilespmem:s8+$0xFFFFFFFE];
	[tilespmem:s0+$0xFFFFFFE0] =	vst v5;
	v3 =	vmul.f32 v6, v3  }
0x53: {  	v6 =	vld [tilespmem:s8+$0xFFFFFFFF];
	[tilespmem:s0+$0xFFFFFFF0] =	vst v4;
	v1 =	vmul.f32 v10, v1  }
0x54: {  	v10 =	vld [tilespmem:s8+$0x0];
	v4 =	vperm.xlane v13, v0;
	[tilespmem:s0+$0x0] =	vst v2  }
0x55: {  	v11 =	vperm.xlane v9, v0;
	v12 =	vld [tilespmem:s8+$0x1];
	[tilespmem:s0+$0x10] =	vst v3  }
0x56: {  	v13 =	vld [tilespmem:s8+$0x2];
	v2 =	vmul.f32 v7, v4;
	[tilespmem:s0+$0x20] =	vst v1;
	s0 =	smov.u32 s12  }
0x57: {  	v14 =	vld [tilespmem:s8+$0xFFFFFFFC];
	v5 =	vperm.xlane v8, v0  }
0x58: {  	v15 =	vld [tilespmem:s12+$0xFFFFFFC0];
	v4 =	vperm.xlane v6, v0;
	[tilespmem:s12+$0x30] =	vst v2  }
0x59: {  	v16 =	vld [tilespmem:s12+$0xFFFFFFD0];
	v2 =	vperm.xlane v10, v0  }
.Ltmp0:
0x5a: {  	v9 =	vld [tilespmem:s12+$0xFFFFFFE0];
	v3 =	vperm.xlane v12, v0;
	(pc) =	sbr.rel @p0 .LBB2_3-.Ltmp0, $4  }
0x5b: {  	v7 =	vld [tilespmem:s12+$0xFFFFFFF0];
	v1 =	vperm.xlane v13, v0  }
0x5c: {  	v10 =	vperm.xlane v14, v0;
	v8 =	vld [tilespmem:s12+$0x0]  }
0x5d: {  	v6 =	vld [tilespmem:s12+$0x10]  }
0x5e: {  	s8 =	sadd.s32 $0x8, s8;
	v12 =	vmul.f32 v15, v10;
	v11 =	vmul.f32 v16, v11;
	v10 =	vld [tilespmem:s12+$0x20]  }
0x5f: {  	_ = 	snop  }
0x60: {  	v5 =	vmul.f32 v9, v5;
	[tilespmem:s0+$0xFFFFFFC0] =	vst v12  }
0x61: {  	v4 =	vmul.f32 v7, v4;
	[tilespmem:s0+$0xFFFFFFD0] =	vst v11  }
0x62: {  	v2 =	vmul.f32 v8, v2;
	[tilespmem:s0+$0xFFFFFFE0] =	vst v5  }
0x63: {  	v3 =	vmul.f32 v6, v3;
	[tilespmem:s0+$0xFFFFFFF0] =	vst v4  }
0x64: {  	v1 =	vmul.f32 v10, v1;
	[tilespmem:s0+$0x0] =	vst v2  }
0x65: {  	[tilespmem:s0+$0x10] =	vst v3  }
0x66: {  	[tilespmem:s0+$0x20] =	vst v1  }
0x67: {  	[spmem:s1] =	stream.indirect.scatter.add.f32 [tilespmem:s20], [sflag:$0x1], $0x10, s16, s19, $0xb8;
	[tilespmem:$0xE990] =	vst v63  }
0x68: {  	_ = 	snop  }
0x69: {  	[spmem:s1] =	stream.indirect.scatter.add.f32 [tilespmem:s21], [sflag:$0x1], $0x10, s26, s19, $0xb8;
	[tilespmem:$0xE990] =	vst v63  }
0x6a: {  	_ = 	snop  }
0x6b: {  	[spmem:s1] =	stream.indirect.scatter.add.f32 [tilespmem:s23], [sflag:$0x1], $0x10, s28, s19, $0xb8;
	[tilespmem:$0xE990] =	vst v63  }
0x6c: {  	_ = 	snop  }
0x6d: {  	[spmem:s1] =	stream.indirect.scatter.add.f32 [tilespmem:s25], [sflag:$0x1], $0x10, s29, s19, $0xb8;
	[tilespmem:$0xE990] =	vst v63  }
0x6e: {  	_ =	swait.ge [sflag:s18], $0x800  }
0x6f: {  	[sflag:s18] =	ssyncset.done $0x0  }
0x70: {  	[sflag:s18] =	ssyncadd.s32 $0xFFFFF800  }
0x71: {  	_ =	swait.ge [sflag:s18], $0x800  }
0x72: {  	[sflag:s18] =	ssyncset.done $0x0  }
0x73: {  	s31 =	sadd.s32 $0x1, s31;
	[sflag:s18] =	ssyncadd.s32 $0xFFFFF800  }
0x74: {  	p0 =	sne.s32 s31, $0x64;
	_ =	swait.ge [sflag:s18], $0x800  }
.Ltmp1:
0x75: {  	[sflag:s18] =	ssyncset.done $0x0;
	(pc) =	sbr.rel @p0 .LBB2_2-.Ltmp1, $4  }
0x76: {  	[sflag:s18] =	ssyncadd.s32 $0xFFFFF800  }
0x77: {  	_ =	swait.ge [sflag:s18], $0x800  }
0x78: {  	[sflag:s18] =	ssyncset.done $0x0  }
0x79: {  	[sflag:s18] =	ssyncadd.s32 $0xFFFFF800  }
0x7a: {  	s30 =	sadd.s32 $0x1, s30  }
0x7b: {  	[bflag:$0x0] =	sbarrier.arrive $0xFFFF;
	p0 =	sne.s32 s30, s13  }
.Ltmp2:
0x7c: {  	s0 =	rddreg [dreg:$0x5];
	(pc) =	sbr.rel @p0 .LBB2_1-.Ltmp2, $4  }
0x7d: {  	[hbm:s0], [sflag:s10] =	dma.local [spmem:s14], $0x1870  }
0x7e: {  	_ =	swait.ge [sflag:s15], $0x1870  }
0x7f: {  	[sflag:s15] =	ssyncset.done $0x0  }
0x80: {  	[sflag:s15] =	ssyncadd.s32 $0xFFFFE790  }
0x81: {  	_ =	sfence.sel $0x180000  }
0x82: {  	[bflag:$0x0] =	sbarrier.arrive $0xFFFF  }
0x83: {  	_ =	strace $0x9000004D  }
0x84: {  	s0 =	stileid.u32;
	[bflag:$0x2] =	sbarrier.arrive $0xFFFF  }
0x85: {  	p0 =	sne.s32 s0, $0x0;
	s0 =	rddreg [dreg:$0x3]  }
0x86: {  	s0 =	sadd.s32 @!p0 $0x100000, s0  }
0x87: {  	[sflag:s0] =	ssyncadd.tile.s32 @!p0 $0x1;
	_ =	shalt  }
.Lfunc_end2:
_tile_overlayer_lowered:
.L_overlay_start_2:
0x88: {  	(tag) =	ssettag $0x2  }
0x89: {  	s0 =	rddreg [dreg:$0x0];
	s2 =	stileid.u32  }
0x8a: {  	s1 =	rddreg [dreg:$0x1];
	p0 =	sne.s32 s2, $0x0  }
0x8b: {  	s3 =	rddreg [dreg:$0x2];
	[bflag:$0x3] =	sbarrier.arrive $0xFFFF;
	s2 =	simm.s32 @!p0 $0x1C02  }
0x8c: {  	[timem:s3], [sflag:s2] =	dma.local @!p0 [hbm:s0], s1  }
0x8d: {  	s0 =	simm.s32 @!p0 $0x2  }
0x8e: {  	_ =	swait.ge @!p0 [sflag:s0], s1  }
0x8f: {  	s1 =	ssub.s32 @!p0 $0x0, s1;
	[sflag:s0] =	ssyncset.done @!p0 $0x0  }
0x90: {  	[sflag:s0] =	ssyncadd.s32 @!p0 s1  }
0x91: {  	[bflag:$0x3] =	sbarrier.arrive $0xFFFF  }
0x92: {  	_ =	shalt  }

// kernel: kernel.8.cloned.1.call-start
scs
__scs_entry_jumppad:
0x0: {  	(pc) =	sbr.rel $0x88, $3  }
0x1: {  	(tag) =	ssettag $0x0;
	lr =	simm.s32 $0x1  }
0x2: {  	[smem:$0x3F95] =	sst lr;
	_ =	strace $0xD0000000  }
0x3: {  	_ = 	snop  }
0x4: {  	_ = 	snop  }
0x5: {  	_ = 	snop  }
0x6: {  	_ = 	snop  }
0x7: {  	_ = 	snop  }
__scs_overlays_trampoline_lowered:
0x8: {  	[smem:$0x3FA4] =	sst s0  }
0x9: {  	[smem:$0x3FA5] =	sst s1  }
0xa: {  	[smem:$0x3FA6] =	sst s2  }
0xb: {  	[smem:$0x3FA7] =	sst s3  }
0xc: {  	[smem:$0x3FA8] =	sst s4  }
0xd: {  	[smem:$0x3FA9] =	sst s5  }
0xe: {  	[smem:$0x3FAA] =	sst s6  }
0xf: {  	[smem:$0x3FAB] =	sst s7  }
0x10: {  	[smem:$0x3FAC] =	sst s8  }
0x11: {  	[smem:$0x3FAD] =	sst s9;
	s0 =	simm.s32 @!p0 $0x0  }
0x12: {  	s1 =	sld [smem:$0x3F93];
	s0 =	simm.s32 @p0 $0x1  }
0x13: {  	[smem:$0x3FAE] =	sst s0;
	s0 =	simm.s32 @!p1 $0x0  }
0x14: {  	s2 =	sld [smem:$0x3F92];
	s0 =	simm.s32 @p1 $0x1  }
0x15: {  	[smem:$0x3FAF] =	sst s0;
	s0 =	simm.s32 @!p2 $0x0  }
0x16: {  	s3 =	sld [smem:$0x3FDB];
	s0 =	simm.s32 @p2 $0x1  }
0x17: {  	s4 =	simm.s32 $0x1BF5;
	[smem:$0x3FB1] =	sst s0  }
0x18: {  	s0 =	sld [smem:$0x3F94];
	_ =	swait.ge [sflag:s4], $0x0  }
0x19: {  	s7 =	sld [smem:$0x3F95]  }
0x1a: {  	s8 =	sadd.s32 $0xFFFFE003, lr  }
0x1b: {  	s9 =	sadd.s32 $0xFFFFFEF7, lr;
	s5 =	simm.s32 $0xFFFFFFFF;
	p2 =	slt.u32 s8, $0xFFFFF086  }
0x1c: {  	p1 =	slt.u32 s9, $0xF7A;
	s5 =	simm.s32 @!p2 $0x0  }
0x1d: {  	s5 =	simm.s32 @p1 $0x1;
	p0 =	seq.s32 s7, s2  }
0x1e: {  	s7 =	smul.u32 @!p0 $0xF7A, s2;
	p2 =	seq.s32 @!p0 s5, $0x0  }
0x1f: {  	s9 =	smul.u32 $0xF7A, s1;
	s8 =	simm.s32 @!p0 $0x1BF5;
	p2 =	por !p2, p0  }
0x20: {  	[sflag:s8] =	ssyncset.s32 @!p0 $0xFFFFF086;
	s6 =	sadd.s32 @!p0 s3, s7;
	s7 =	simm.s32 @!p0 $0x108  }
0x21: {  	s3 =	sadd.s32 s3, s9;
	s6 =	sadd.s32 @!p0 $0x88, s6;
	s7 =	simm.s32 @p2 $0x1082  }
0x22: {  	[simem:s7], [sflag:s8] =	dma.local @!p0 [hbm:s6], $0xF7A  }
0x23: {  	s9 =	sor.u32 $0xD0000000, s2;
	s6 =	simm.s32 $0x108;
	_ =	swait.ge @!p0 [sflag:s8], $0x0  }
0x24: {  	s3 =	sadd.s32 $0x88, s3;
	s6 =	simm.s32 @!p1 $0x1082;
	[sflag:s4] =	ssyncset.s32 $0xFFFFF086  }
0x25: {  	[simem:s6], [sflag:s4] =	dma.local [hbm:s3], $0xF7A  }
0x26: {  	[smem:$0x3F95] =	sst s1;
	(tag) =	ssettag s2;
	_ =	strace s9  }
0x27: {  	s1 =	sld [smem:$0x3FA5]  }
0x28: {  	s2 =	sld [smem:$0x3FA6]  }
0x29: {  	s4 =	sld [smem:$0x3FA8]  }
0x2a: {  	p0 =	seq.s32 s5, $0x0;
	s5 =	sld [smem:$0x3FA9]  }
0x2b: {  	s6 =	sld [smem:$0x3FAA]  }
0x2c: {  	s7 =	sld [smem:$0x3FAB]  }
0x2d: {  	s3 =	simm.s32 $0x108;
	s8 =	sld [smem:$0x3FAC]  }
0x2e: {  	s3 =	simm.s32 @!p0 $0x1082;
	s9 =	sld [smem:$0x3FAD]  }
0x2f: {  	lr =	sadd.s32 s0, s3;
	s0 =	sld [smem:$0x3FA4]  }
0x30: {  	s3 =	sld [smem:$0x3FA7]  }
0x31: {  	[smem:$0x3FB0] =	sst s10  }
0x32: {  	s10 =	sld [smem:$0x3FAE];
	_ =	sdelay $0x3  }
0x33: {  	p0 =	seq.s32 s10, $0x1;
	s10 =	sld [smem:$0x3FB0];
	_ =	sdelay $0x3  }
0x34: {  	[smem:$0x3FB0] =	sst s10  }
0x35: {  	s10 =	sld [smem:$0x3FAF];
	_ =	sdelay $0x3  }
0x36: {  	p1 =	seq.s32 s10, $0x1;
	s10 =	sld [smem:$0x3FB0];
	_ =	sdelay $0x3  }
0x37: {  	[smem:$0x3FB0] =	sst s10  }
0x38: {  	s10 =	sld [smem:$0x3FB1]  }
0x39: {  	_ = 	snop;
	(pc) =	sbr.ind lr, $3  }
0x3a: {  	_ = 	snop  }
0x3b: {  	_ = 	snop  }
0x3c: {  	p2 =	seq.s32 s10, $0x1;
	s10 =	sld [smem:$0x3FB0]  }
0x3d: {  	_ =	shalt  }
0x3e: {  	_ =	shalt  }
0x3f: {  	_ =	shalt  }
0x40: {  	_ =	shalt  }
0x41: {  	_ =	shalt  }
0x42: {  	_ =	shalt  }
0x43: {  	_ =	shalt  }
0x44: {  	_ =	shalt  }
0x45: {  	_ =	shalt  }
0x46: {  	_ =	shalt  }
0x47: {  	_ =	shalt  }
0x48: {  	_ =	shalt  }
0x49: {  	_ =	shalt  }
0x4a: {  	_ =	shalt  }
0x4b: {  	_ =	shalt  }
0x4c: {  	_ =	shalt  }
0x4d: {  	_ =	shalt  }
0x4e: {  	_ =	shalt  }
0x4f: {  	_ =	shalt  }
0x50: {  	_ =	shalt  }
0x51: {  	_ =	shalt  }
0x52: {  	_ =	shalt  }
0x53: {  	_ =	shalt  }
0x54: {  	_ =	shalt  }
0x55: {  	_ =	shalt  }
0x56: {  	_ =	shalt  }
0x57: {  	_ =	shalt  }
0x58: {  	_ =	shalt  }
0x59: {  	_ =	shalt  }
0x5a: {  	_ =	shalt  }
0x5b: {  	_ =	shalt  }
0x5c: {  	_ =	shalt  }
0x5d: {  	_ =	shalt  }
0x5e: {  	_ =	shalt  }
0x5f: {  	_ =	shalt  }
0x60: {  	_ =	shalt  }
0x61: {  	_ =	shalt  }
0x62: {  	_ =	shalt  }
0x63: {  	_ =	shalt  }
0x64: {  	_ =	shalt  }
0x65: {  	_ =	shalt  }
0x66: {  	_ =	shalt  }
0x67: {  	_ =	shalt  }
0x68: {  	_ =	shalt  }
0x69: {  	_ =	shalt  }
0x6a: {  	_ =	shalt  }
0x6b: {  	_ =	shalt  }
0x6c: {  	_ =	shalt  }
0x6d: {  	_ =	shalt  }
0x6e: {  	_ =	shalt  }
0x6f: {  	_ =	shalt  }
0x70: {  	_ =	shalt  }
0x71: {  	_ =	shalt  }
0x72: {  	_ =	shalt  }
0x73: {  	_ =	shalt  }
0x74: {  	_ =	shalt  }
0x75: {  	_ =	shalt  }
0x76: {  	_ =	shalt  }
0x77: {  	_ =	shalt  }
0x78: {  	_ =	shalt  }
0x79: {  	_ =	shalt  }
0x7a: {  	_ =	shalt  }
0x7b: {  	_ =	shalt  }
0x7c: {  	_ =	shalt  }
0x7d: {  	_ =	shalt  }
0x7e: {  	_ =	shalt  }
0x7f: {  	_ =	shalt  }
0x80: {  	_ =	shalt  }
0x81: {  	_ =	shalt  }
0x82: {  	_ =	shalt  }
0x83: {  	_ =	shalt  }
0x84: {  	_ =	shalt  }
0x85: {  	_ =	shalt  }
0x86: {  	_ =	shalt  }
0x87: {  	_ =	shalt  }
.Lfunc_end0:
.L_simem_size_0:
called_computation_lowered:
.L_overlay_start_0:
0x88: {  	s2 =	sld [smem:$0x3FD9]  }
0x89: {  	s3 =	sld [smem:$0x3FFE];
	_ =	sdelay $0x1  }
0x8a: {  	s1 =	srdreg.scid  }
0x8b: {  	s0 =	sand.u32 $0x1, s1  }
0x8c: {  	s17 =	sshll.u32 s0, $0xA;
	s2 =	sadd.s32 s3, s2  }
0x8d: {  	s2 =	sadd.s32 s2, s17  }
0x8e: {  	[smem:$0x3FBC] =	sst s2  }
0x8f: {  	_ = 	snop  }
0x90: {  	s2 =	sld [smem:$0x3FD0];
	(tm) =	ssettm $0x1  }
0x91: {  	s18 =	sld [smem:$0x3FFB];
	_ =	sdelay $0x3  }
0x92: {  	_ =	strace s18  }
0x93: {  	s3 =	sld [smem:$0x3FFC];
	_ =	sdelay $0x3  }
0x94: {  	_ =	strace s3  }
0x95: {  	s3 =	sld [smem:$0x3FFD];
	_ =	sdelay $0x3  }
0x96: {  	_ =	strace s3  }
0x97: {  	_ =	strace $0x8FFFFFFF  }
0x98: {  	s19 =	sld [smem:$0x3FDB];
	_ =	sdelay $0x1  }
0x99: {  	s4 =	simm.s32 $_scs_section_size  }
0x9a: {  	s5 =	simm.s32 $_size__tile_overlayer_lowered;
	s6 =	simm.s32 $_tile_overlayer_lowered  }
0x9b: {  	s22 =	simm.s32 $0x1BFF;
	s21 =	sshll.u32 s6, $0x1;
	s3 =	sadd.s32 s4, s19  }
0x9c: {  	s7 =	simm.s32 $0x0;
	s20 =	sshll.u32 s5, $0x1;
	s5 =	sadd.s32 s21, s3  }
0x9d: {  	[timem:s7], [sflag:s22] =	dma.local [hbm:s5], s20  }
0x9e: {  	_ =	swait.ge [sflag:s22], s20  }
0x9f: {  	s4 =	ssub.s32 $0x0, s20;
	[sflag:s22] =	ssyncset.done $0x0  }
0xa0: {  	[sflag:s22] =	ssyncadd.s32 s4;
	_ =	sdelay $0x1  }
0xa1: {  	s23 =	simm.s32 $0x1B8B  }
0xa2: {  	_ =	swait.ge [sflag:s23], $0x1  }
0xa3: {  	[sflag:s23] =	ssyncset.done $0x0  }
0xa4: {  	s25 =	simm.s32 $0x1B8E;
	s24 =	sld [smem:$0x3FFE];
	[sflag:s23] =	ssyncadd.s32 $0xFFFFFFFF  }
0xa5: {  	s26 =	simm.s32 $execute0_lowered;
	[smem:$0x3FD2] =	sst s25  }
0xa6: {  	s5 =	sshll.u32 s26, $0x1;
	_ =	strace $0x80000046;
	[dreg:$0x1] =	wrdreg $0xFFFFFFFF  }
0xa7: {  	s28 =	simm.s32 $_size_execute0_lowered;
	s3 =	sadd.s32 s3, s5;
	[dreg:$0x0] =	wrdreg $0x0  }
0xa8: {  	s5 =	sshll.u32 s28, $0x1;
	[dreg:$0x2] =	wrdreg s3  }
0xa9: {  	[dreg:$0x3] =	wrdreg s5  }
0xaa: {  	[dreg:$0x4] =	wrdreg $0xC0  }
0xab: {  	_ =	task [dreg:s7], $0x5FFFF  }
0xac: {  	[dreg:$0x1] =	wrdreg $0xFFFFFFFF  }
0xad: {  	[dreg:$0x0] =	wrdreg $0x60  }
0xae: {  	[dreg:$0x2] =	wrdreg s2  }
0xaf: {  	[dreg:$0x3] =	wrdreg s24  }
0xb0: {  	[dreg:$0x4] =	wrdreg $0x12C200  }
0xb1: {  	[dreg:$0x5] =	wrdreg $0x9  }
0xb2: {  	_ =	task.clear_ibuf [dreg:s7], $0x6FFFF;
	_ =	strace $0x90000046  }
0xb3: {  	s29 =	simm.s32 $0x9;
	_ =	strace $0x80000048  }
0xb4: {  	_ =	swait.ge [sflag:s29], $0x1  }
0xb5: {  	[sflag:s29] =	ssyncadd.s32 $0xFFFFFFFF  }
0xb6: {  	_ =	strace $0x90000048  }
0xb7: {  	_ =	sfence  }
0xb8: {  	s30 =	sld [smem:$0x0];
	_ =	sdelay $0x2  }
0xb9: {  	s31 =	sshll.u32 s1, $0xD;
	s1 =	sshrl.u32 s1, $0x2  }
0xba: {  	s3 =	sand.u32 $0x4000, s31;
	s1 =	sadd.s32 s1, s30  }
0xbb: {  	s0 =	sor.u32 s3, s0;
	s1 =	sshll.u32 s1, $0x11  }
0xbc: {  	s0 =	sor.u32 s1, s0  }
0xbd: {  	s0 =	sadd.s32 $0x8F2B, s0  }
0xbe: {  	[sflag:s0] =	ssyncadd.remote.s32 $0x1  }
0xbf: {  	_ =	sfence.sel $0xFFFF  }
0xc0: {  	[dreg:$0x0] =	wrdreg $0xFFFFFFFF;
	(pc) =	sbr.abs _section_cstart, $3  }
0xc1: {  	[dreg:$0x1] =	wrdreg $0xFFFFFFFF  }
0xc2: {  	_ =	task.clear_ibuf [dreg:s7], $0x2FFFF;
	_ =	strace $0x9FFFFFFF  }
0xc3: {  	(tm) =	ssettm $0x7FFFFFFF  }
tec
execute0_lowered:
.L_overlay_start_1:
0x0: {  	(tag) =	ssettag $0x1  }
0x1: {  	s0 =	rddreg [dreg:$0x1]  }
0x2: {  	s2 =	rddreg [dreg:$0x2];
	s4 =	simm.s32 $0x0  }
0x3: {  	s13 =	stileid.u32;
	s1 =	srdreg.scid;
	s15 =	simm.s32 $0x10610  }
0x4: {  	s16 =	simm.s32 $0x2;
	s17 =	simm.s32 $0x10810;
	s20 =	simm.s32 $0x200  }
0x5: {  	s22 =	simm.s32 $0x1;
	s23 =	simm.s32 $0x80;
	s28 =	simm.s32 $0x280  }
0x6: {  	s14 =	simm.s32 $0x10C20;
	s18 =	simm.s32 $0x10A10;
	s19 =	simm.s32 $0x11420  }
0x7: {  	v0 =	vimm.s32 $0xFEDCBA9;
	v1 =	vimm.s32 $0x87654321;
	s21 =	simm.s32 $0x12420;
	s24 =	simm.s32 $0x0;
	[smem:$0x7FF] =	sst s4  }
0x8: {  	s5 =	sadd.s32 $0x15A800, s0;
	s3 =	smul.u32 $0xC380, s13;
	s1 =	sand.u32 $0x1, s1;
	v0 =	vunpack.c.l.s4.s8 v0;
	v1 =	vunpack.c.l.s4.s8 v1  }
0x9: {  	s6 =	sadd.s32 $0x141800, s0;
	s7 =	sadd.s32 $0xDFC00, s0;
	s9 =	sadd.s32 $0x3A00, s0  }
0xa: {  	v2 =	vimm.s32 $0x10FEDCBA;
	s10 =	sadd.s32 $0x3C00, s0;
	_ =	strace $0x80000047;
	[dreg:$0x4] =	wrdreg s9;
	v0 =	vunpack.c.0.s8.s32 v0;
	v1 =	vunpack.c.0.s8.s32 v1  }
0xb: {  	v4 =	vimm.s32 $0xBA987654;
	v5 =	vimm.s32 $0xFEDCBA98;
	v2 =	vunpack.c.l.s4.s8 v2;
	s31 =	sshll.u32 s13, $0x6;
	s8 =	smul.u32 $0xC3800, s1;
	[dreg:$0x5] =	wrdreg s10  }
0xc: {  	v5 =	vunpack.c.l.s4.s8 v5;
	s10 =	sadd.s32 $0x1BCE00, s0;
	s11 =	ssub.s32 $0x2, s1;
	s1 =	sshll.u32 s1, $0x4;
	v3 =	vcombine.low v1, v0;
	v0 =	vimm.s32 $0x98765432  }
0xd: {  	s26 =	sshrl.u32 s3, $0x3;
	s29 =	sshrl.u32 s11, $0x1;
	s1 =	sor.u32 s13, s1;
	v1 =	vunpack.c.0.s8.s32 v2;
	v2 =	vimm.s32 $0x3210FEDC;
	v0 =	vunpack.c.l.s4.s8 v0  }
0xe: {  	v4 =	vunpack.c.l.s4.s8 v4;
	s13 =	simm.s32 $0xE610;
	s9 =	sadd.s32 s26, s0;
	s8 =	sadd.s32 s3, s8;
	v2 =	vunpack.c.l.s4.s8 v2  }
0xf: {  	v5 =	vunpack.c.0.s8.s32 v5;
	s3 =	sadd.s32 s3, s2;
	s8 =	sshrl.u32 s8, $0x3;
	s9 =	sadd.s32 $0x173800, s9;
	v6 =	vunpack.c.0.s8.s32 v0;
	v0 =	vimm.s32 $0x76543210  }
0x10: {  	v4 =	vunpack.c.0.s8.s32 v4;
	s0 =	sadd.s32 s8, s0;
	[dreg:$0x6] =	wrdreg s9;
	s9 =	sshrl.u32 s3, $0x3;
	v2 =	vunpack.c.0.s8.s32 v2;
	v7 =	vunpack.c.l.s4.s8 v0  }
0x11: {  	v9 =	vand.u32 $0xF, v5;
	s8 =	ssub.s32 s11, s29;
	s0 =	sadd.s32 $0x18C000, s0;
	[dreg:$0xa] =	wrdreg s9;
	v6 =	vcombine.low v6, v1  }
0x12: {  	s12 =	smul.u32 $0x6400, s1;
	s30 =	smax.u32 s8, $0x1;
	[dreg:$0x7] =	wrdreg s0;
	v1 =	vlaneseq.u32;
	v8 =	vcombine.low v4, v2;
	v7 =	vunpack.c.0.s8.s32 v7  }
0x13: {  	s1 =	simm.s32 $0x11C20;
	s8 =	sor.u32 $0x1C02, s31;
	v3 =	vand.u32 $0xF, v3;
	[dreg:$0x8] =	wrdreg s30;
	v0 =	vimm.s32 $0x0;
	v2 =	vor.u32 $0x10, v1  }
0x14: {  	s11 =	simm.s32 $0x380;
	s0 =	simm.s32 $0x300;
	[dreg:$0x9] =	wrdreg s8;
	v4 =	vand.u32 $0xF, v6;
	v5 =	vand.u32 $0xF, v8;
	v6 =	vcombine.low v9, v7  }
.LBB2_1:
0x15: {  	[dreg:$0xb] =	wrdreg s24  }
0x16: {  	s3 =	rddreg [dreg:$0x4]  }
0x17: {  	[tilespmem:s15], [sflag:$0x2] =	stream.linear.gather [hbm4b:s3+s4], $0x200, $0x38;
	[tilespmem:$0x1EFA0] =	vst v63  }
0x18: {  	_ =	swait.ge [sflag:s16], $0x200  }
0x19: {  	[sflag:s16] =	ssyncset.done $0x0  }
0x1a: {  	s30 =	rddreg [dreg:$0x5];
	[sflag:s16] =	ssyncadd.s32 $0xFFFFFE00  }
0x1b: {  	[tilespmem:s17], [sflag:$0x2] =	stream.linear.gather [hbm4b:s30+s4], $0x200, $0x38;
	[tilespmem:$0x1EFA0] =	vst v63  }
0x1c: {  	_ =	swait.ge [sflag:s16], $0x200  }
0x1d: {  	[sflag:s16] =	ssyncset.done $0x0  }
0x1e: {  	s31 =	rddreg [dreg:$0x6];
	[sflag:s16] =	ssyncadd.s32 $0xFFFFFE00  }
0x1f: {  	[spmem:s9], [sflag:s8] =	dma.local [hbm:s31], $0x1870  }
0x20: {  	_ =	swait.ge [sflag:s16], $0x1870  }
0x21: {  	[sflag:s16] =	ssyncset.done $0x0  }
0x22: {  	[sflag:s16] =	ssyncadd.s32 $0xFFFFE790  }
0x23: {  	s24 =	simm.s32 $0x0;
	[bflag:$0x0] =	sbarrier.arrive $0xFFFF  }
.LBB2_2:
0x24: {  	s3 =	sshll.u32 s24, $0x9  }
0x25: {  	s26 =	sadd.s32 s12, s3  }
0x26: {  	s9 =	rddreg [dreg:$0x0];
	s25 =	sshrl.u32 s26, $0x3  }
0x27: {  	s3 =	sadd.s32 s9, s25  }
0x28: {  	[tilespmem:s4], [sflag:$0x1] =	stream.linear.gather [hbm4b:s3+s4], $0x200, $0x38;
	[tilespmem:$0x1EFA0] =	vst v63  }
0x29: {  	s8 =	sadd.s32 s5, s25  }
0x2a: {  	[tilespmem:s20], [sflag:$0x1] =	stream.linear.gather [hbm4b:s8+s4], $0x200, $0x38;
	[tilespmem:$0x1EFA0] =	vst v63  }
0x2b: {  	s9 =	sadd.s32 s6, s25;
	s8 =	simm.s32 $0x400  }
0x2c: {  	[tilespmem:s8], [sflag:$0x1] =	stream.linear.gather [hbm4b:s9+s4], $0x200, $0x38;
	[tilespmem:$0x1EFA0] =	vst v63  }
0x2d: {  	_ =	swait.ge [sflag:s22], $0x200  }
0x2e: {  	[sflag:s22] =	ssyncset.done $0x0  }
0x2f: {  	[sflag:s22] =	ssyncadd.s32 $0xFFFFFE00  }
0x30: {  	_ =	swait.ge [sflag:s22], $0x200  }
0x31: {  	[sflag:s22] =	ssyncset.done $0x0  }
0x32: {  	[sflag:s22] =	ssyncadd.s32 $0xFFFFFE00  }
0x33: {  	_ =	swait.ge [sflag:s22], $0x200  }
0x34: {  	[sflag:s22] =	ssyncset.done $0x0  }
0x35: {  	s8 =	simm.s32 $0x610;
	[sflag:s22] =	ssyncadd.s32 $0xFFFFFE00  }
0x36: {  	[tilespmem:s8], [sflag:$0x1] =	stream.indirect.gather [hbm4b:s7+s23], $0x40, s4, s23, $0xb8;
	[tilespmem:$0x1EFA0] =	vst v63  }
0x37: {  	s9 =	simm.s32 $0x8610  }
0x38: {  	[tilespmem:s9], [sflag:$0x1] =	stream.indirect.gather [hbm4b:s7+s23], $0x40, s20, s23, $0xb8;
	[tilespmem:$0x1EFA0] =	vst v63  }
0x39: {  	s8 =	simm.s32 $0x2610  }
0x3a: {  	[tilespmem:s8], [sflag:$0x1] =	stream.indirect.gather [hbm4b:s7+s23], $0x40, s23, s23, $0xb8;
	[tilespmem:$0x1EFA0] =	vst v63  }
0x3b: {  	s9 =	simm.s32 $0xA610  }
0x3c: {  	[tilespmem:s9], [sflag:$0x1] =	stream.indirect.gather [hbm4b:s7+s23], $0x40, s28, s23, $0xb8;
	[tilespmem:$0x1EFA0] =	vst v63  }
0x3d: {  	s8 =	simm.s32 $0x100;
	s9 =	simm.s32 $0x4610  }
0x3e: {  	[tilespmem:s9], [sflag:$0x1] =	stream.indirect.gather [hbm4b:s7+s23], $0x40, s8, s23, $0xb8;
	[tilespmem:$0x1EFA0] =	vst v63  }
0x3f: {  	s9 =	simm.s32 $0xC610  }
0x40: {  	[tilespmem:s9], [sflag:$0x1] =	stream.indirect.gather [hbm4b:s7+s23], $0x40, s0, s23, $0xb8;
	[tilespmem:$0x1EFA0] =	vst v63  }
0x41: {  	s8 =	simm.s32 $0x180;
	s9 =	simm.s32 $0x6610  }
0x42: {  	[tilespmem:s9], [sflag:$0x1] =	stream.indirect.gather [hbm4b:s7+s23], $0x40, s8, s23, $0xb8;
	[tilespmem:$0x1EFA0] =	vst v63  }
0x43: {  	_ = 	snop  }
0x44: {  	[tilespmem:s13], [sflag:$0x1] =	stream.indirect.gather [hbm4b:s7+s23], $0x40, s11, s23, $0xb8;
	[tilespmem:$0x1EFA0] =	vst v63  }
0x45: {  	_ =	swait.ge [sflag:s22], $0x2000  }
0x46: {  	[sflag:s22] =	ssyncset.done $0x0  }
0x47: {  	[sflag:s22] =	ssyncadd.s32 $0xFFFFE000  }
0x48: {  	_ =	swait.ge [sflag:s22], $0x2000  }
0x49: {  	[sflag:s22] =	ssyncset.done $0x0  }
0x4a: {  	[sflag:s22] =	ssyncadd.s32 $0xFFFFE000  }
0x4b: {  	_ =	swait.ge [sflag:s22], $0x2000  }
0x4c: {  	[sflag:s22] =	ssyncset.done $0x0  }
0x4d: {  	[sflag:s22] =	ssyncadd.s32 $0xFFFFE000  }
0x4e: {  	_ =	swait.ge [sflag:s22], $0x2000  }
0x4f: {  	[sflag:s22] =	ssyncset.done $0x0  }
0x50: {  	[sflag:s22] =	ssyncadd.s32 $0xFFFFE000  }
0x51: {  	_ =	swait.ge [sflag:s22], $0x2000  }
0x52: {  	[sflag:s22] =	ssyncset.done $0x0  }
0x53: {  	[sflag:s22] =	ssyncadd.s32 $0xFFFFE000  }
0x54: {  	_ =	swait.ge [sflag:s22], $0x2000  }
0x55: {  	[sflag:s22] =	ssyncset.done $0x0  }
0x56: {  	[sflag:s22] =	ssyncadd.s32 $0xFFFFE000  }
0x57: {  	_ =	swait.ge [sflag:s22], $0x2000  }
0x58: {  	[sflag:s22] =	ssyncset.done $0x0  }
0x59: {  	[sflag:s22] =	ssyncadd.s32 $0xFFFFE000  }
0x5a: {  	_ =	swait.ge [sflag:s22], $0x2000  }
0x5b: {  	[sflag:s22] =	ssyncset.done $0x0  }
0x5c: {  	s9 =	simm.s32 $0x404;
	[sflag:s22] =	ssyncadd.s32 $0xFFFFE000  }
0x5d: {  	v7 =	vld [tilespmem:s9+$0x3]  }
0x5e: {  	v8 =	vld [tilespmem:s9+$0xFFFFFFFD]  }
0x5f: {  	v9 =	vld [tilespmem:s9+$0xFFFFFFFE]  }
0x60: {  	v10 =	vld [tilespmem:s9+$0xFFFFFFFF]  }
0x61: {  	v11 =	vld [tilespmem:s9+$0x0]  }
0x62: {  	v12 =	vld [tilespmem:s9+$0x1]  }
0x63: {  	v13 =	vld [tilespmem:s9+$0x2]  }
0x64: {  	s31 =	simm.s32 $0x710;
	v15 =	vld [tilespmem:s9+$0xFFFFFFFC]  }
0x65: {  	v16 =	vld [tilespmem:s31+$0xC0];
	v7 =	vperm.xlane v7, v0  }
0x66: {  	v17 =	vld [tilespmem:s31+$0xD0]  }
0x67: {  	v18 =	vld [tilespmem:s31+$0xE0];
	v7 =	vshll.u32 v7, $0x5  }
0x68: {  	s30 =	simm.s32 $0x8710;
	v23 =	vld [tilespmem:s31+$0xF0];
	v14 =	vor.u32 v1, v7  }
0x69: {  	v25 =	vld [tilespmem:s30+$0xC0]  }
0x6a: {  	v26 =	vld [tilespmem:s30+$0xD0];
	v7 =	vor.u32 v2, v7  }
0x6b: {  	v27 =	vld [tilespmem:s30+$0xE0]  }
0x6c: {  	v30 =	vld [tilespmem:s30+$0xF0]  }
0x6d: {  	v20 =	vld.idx.msk [tilespmem:v14+s15+$0x0], $0xffff  }
0x6e: {  	v14 =	vld.idx.msk [tilespmem:v14+s17+$0x0], $0xffff  }
0x6f: {  	v15 =	vperm.xlane v15, v0;
	v21 =	vld.idx.msk [tilespmem:v7+s15+$0x0], $0xffff  }
0x70: {  	v8 =	vperm.xlane v8, v0;
	v22 =	vld.idx.msk [tilespmem:v7+s17+$0x0], $0xffff  }
0x71: {  	v41 =	vld [tilespmem:s31+$0xFFFFFF00];
	v15 =	vshll.u32 v15, $0x5  }
0x72: {  	v42 =	vld [tilespmem:s31+$0xFFFFFF10];
	v8 =	vshll.u32 v8, $0x5;
	v24 =	vor.u32 v1, v15  }
0x73: {  	v43 =	vld [tilespmem:s31+$0xFFFFFF60];
	v19 =	vor.u32 v1, v8;
	v28 =	vmul.f32 v20, v16;
	v29 =	vmul.f32 v14, v18  }
0x74: {  	v45 =	vld [tilespmem:s31+$0xFFFFFF70];
	v8 =	vor.u32 v2, v8;
	v14 =	vmul.f32 v14, v16;
	v16 =	vmul.f32 v20, v18  }
0x75: {  	v47 =	vld [tilespmem:s31+$0xFFFFFF80];
	v20 =	vmul.f32 v21, v17;
	v31 =	vmul.f32 v22, v23  }
0x76: {  	v48 =	vld [tilespmem:s31+$0xFFFFFF90];
	v17 =	vmul.f32 v22, v17;
	v21 =	vmul.f32 v21, v23  }
0x77: {  	v10 =	vperm.xlane v10, v0;
	v18 =	vld.idx.msk [tilespmem:v24+s15+$0x0], $0xffff;
	v23 =	vsub.f32 v28, v29;
	v14 =	vadd.f32 v14, v16  }
0x78: {  	v22 =	vld.idx.msk [tilespmem:v24+s17+$0x0], $0xffff;
	v16 =	vsub.f32 v20, v31;
	v17 =	vadd.f32 v17, v21  }
0x79: {  	v10 =	vshll.u32 v10, $0x5;
	v24 =	vld.idx.msk [tilespmem:v8+s17+$0x0], $0xffff;
	v21 =	vsub.f32 v23, v25;
	v14 =	vsub.f32 v14, v27  }
0x7a: {  	v20 =	vld.idx.msk [tilespmem:v8+s15+$0x0], $0xffff;
	v8 =	vor.u32 v2, v10;
	v16 =	vsub.f32 v16, v26;
	v17 =	vsub.f32 v17, v30  }
0x7b: {  	v52 =	vld [tilespmem:s31+$0xFFFFFFA0];
	v23 =	vor.u32 v1, v10;
	v10 =	vmul.f32 v21, v21;
	v14 =	vmul.f32 v14, v14  }
0x7c: {  	v53 =	vld [tilespmem:s31+$0xFFFFFFB0];
	v16 =	vmul.f32 v16, v16;
	v17 =	vmul.f32 v17, v17  }
0x7d: {  	v55 =	vld [tilespmem:s31+$0xFFFFFFC0];
	v9 =	vperm.xlane v9, v0;
	v12 =	vperm.xlane v12, v0;
	v10 =	vadd.f32 v14, v10  }
0x7e: {  	v57 =	vld [tilespmem:s31+$0xFFFFFFD0];
	v16 =	vadd.f32 v17, v16  }
0x7f: {  	v58 =	vld [tilespmem:s31+$0xFFFFFFF0];
	v9 =	vshll.u32 v9, $0x5;
	v12 =	vshll.u32 v12, $0x5;
	v10 =	vmax.f32 v10, $9.999999960e-13  }
0x80: {  	v50 =	vld [tilespmem:s31+$0x0];
	v15 =	vor.u32 v2, v15;
	v16 =	vmax.f32 v16, $9.999999960e-13;
	v27 =	vshra.s32 v10, $0x1  }
0x81: {  	v60 =	vld [tilespmem:s31+$0x10];
	v29 =	vmul.f32 $5.000000000e-01, v10;
	v30 =	vshra.s32 v16, $0x1;
	v31 =	vmul.f32 $5.000000000e-01, v16  }
0x82: {  	v51 =	vor.u32 v1, v12;
	v28 =	vld.idx.msk [tilespmem:v8+s15+$0x0], $0xffff;
	v27 =	vsub.s32 $0x5F3759DF, v27;
	v30 =	vsub.s32 $0x5F3759DF, v30  }
0x83: {  	v34 =	vld.idx.msk [tilespmem:v8+s17+$0x0], $0xffff;
	v8 =	vor.u32 v2, v12;
	v12 =	vmul.f32 v27, v29;
	v35 =	vmul.f32 v30, v31  }
0x84: {  	v62 =	vld [tilespmem:s31+$0x30];
	v33 =	vor.u32 v1, v9  }
0x85: {  	v9 =	vor.u32 v2, v9;
	v7 =	vld.idx.msk [tilespmem:v19+s15+$0x0], $0xffff;
	v12 =	vmul.f32 v27, v12;
	v35 =	vmul.f32 v30, v35  }
0x86: {  	v32 =	vld.idx.msk [tilespmem:v15+s15+$0x0], $0xffff  }
0x87: {  	v15 =	vld.idx.msk [tilespmem:v15+s17+$0x0], $0xffff;
	v12 =	vsub.f32 $1.500000000e+00, v12;
	v35 =	vsub.f32 $1.500000000e+00, v35  }
0x88: {  	v11 =	vperm.xlane v11, v0;
	v19 =	vld.idx.msk [tilespmem:v19+s17+$0x0], $0xffff  }
0x89: {  	v39 =	vld.idx.msk [tilespmem:v51+s15+$0x0], $0xffff;
	v12 =	vmul.f32 v27, v12;
	v27 =	vmul.f32 v30, v35  }
0x8a: {  	v11 =	vshll.u32 v11, $0x5;
	v25 =	vld.idx.msk [tilespmem:v9+s15+$0x0], $0xffff  }
0x8b: {  	v26 =	vor.u32 v1, v11;
	v9 =	vld.idx.msk [tilespmem:v9+s17+$0x0], $0xffff;
	v29 =	vmul.f32 v12, v29;
	v31 =	vmul.f32 v27, v31  }
0x8c: {  	v21 =	vld.idx.msk [tilespmem:v33+s15+$0x0], $0xffff  }
0x8d: {  	v14 =	vld.idx.msk [tilespmem:v33+s17+$0x0], $0xffff;
	v29 =	vmul.f32 v29, v12;
	v31 =	vmul.f32 v31, v27  }
0x8e: {  	v11 =	vor.u32 v2, v11;
	v17 =	vld.idx.msk [tilespmem:v23+s15+$0x0], $0xffff  }
0x8f: {  	v23 =	vld.idx.msk [tilespmem:v23+s17+$0x0], $0xffff;
	v29 =	vsub.f32 $1.500000000e+00, v29;
	v31 =	vsub.f32 $1.500000000e+00, v31  }
0x90: {  	v13 =	vperm.xlane v13, v0;
	v44 =	vmul.f32 v32, v42;
	v36 =	vld.idx.msk [tilespmem:v26+s15+$0x0], $0xffff  }
0x91: {  	v12 =	vmul.f32 v29, v12;
	v27 =	vmul.f32 v31, v27;
	v29 =	vld [tilespmem:s31+$0xFFFFFF20]  }
0x92: {  	v13 =	vshll.u32 v13, $0x5;
	v49 =	vmul.f32 v24, v45;
	v61 =	vmul.f32 v25, v48;
	v31 =	vld [tilespmem:s31+$0xFFFFFF30]  }
0x93: {  	v38 =	vor.u32 v1, v13;
	v37 =	vld.idx.msk [tilespmem:v11+s15+$0x0], $0xffff;
	v10 =	vmul.f32 v12, v10;
	v12 =	vmul.f32 v27, v16  }
0x94: {  	v13 =	vor.u32 v2, v13;
	v25 =	vmul.f32 v25, v53;
	v59 =	vmul.f32 v14, v52;
	v16 =	vld [tilespmem:s31+$0xFFFFFF40]  }
0x95: {  	v26 =	vld.idx.msk [tilespmem:v26+s17+$0x0], $0xffff;
	v14 =	vmul.f32 v14, v47;
	v10 =	vadd.f32 v12, v10;
	v12 =	vmul.f32 v18, v41  }
0x96: {  	v27 =	vld [tilespmem:s31+$0xFFFFFF50];
	v41 =	vmul.f32 v22, v41;
	v22 =	vmul.f32 v22, v29  }
0x97: {  	v11 =	vld.idx.msk [tilespmem:v11+s17+$0x0], $0xffff;
	v18 =	vmul.f32 v18, v29;
	v29 =	vmul.f32 v15, v31  }
0x98: {  	v40 =	vld.idx.msk [tilespmem:v8+s15+$0x0], $0xffff;
	v15 =	vmul.f32 v15, v42;
	v31 =	vmul.f32 v32, v31  }
0x99: {  	v33 =	vld.idx.msk [tilespmem:v8+s17+$0x0], $0xffff;
	v46 =	vperm.xlane v10, v3;
	v12 =	vsub.f32 v12, v22;
	v22 =	vmul.f32 v7, v16  }
0x9a: {  	v8 =	vld.idx.msk [tilespmem:v13+s15+$0x0], $0xffff;
	v16 =	vmul.f32 v19, v16;
	v19 =	vmul.f32 v19, v43  }
0x9b: {  	v18 =	vadd.f32 v41, v18;
	v56 =	vmul.f32 v20, v27;
	v24 =	vmul.f32 v24, v27;
	v27 =	vld [tilespmem:s31+$0xFFFFFFE0]  }
0x9c: {  	v29 =	vsub.f32 v44, v29;
	v7 =	vmul.f32 v7, v43;
	v20 =	vmul.f32 v20, v45;
	v45 =	vld [tilespmem:s30+$0xFFFFFF00]  }
0x9d: {  	v15 =	vadd.f32 v15, v31;
	v31 =	vmul.f32 v21, v47;
	v44 =	vld [tilespmem:s30+$0xFFFFFF10];
	v10 =	vadd.f32 v10, v46  }
0x9e: {  	v13 =	vld.idx.msk [tilespmem:v13+s17+$0x0], $0xffff;
	v19 =	vsub.f32 v22, v19;
	v7 =	vadd.f32 v16, v7;
	v16 =	vmul.f32 v21, v52  }
0x9f: {  	v30 =	vld.idx.msk [tilespmem:v51+s17+$0x0], $0xffff;
	v20 =	vadd.f32 v24, v20;
	v24 =	vmul.f32 v17, v55;
	v54 =	vperm.xlane v10, v4  }
0xa0: {  	v35 =	vld.idx.msk [tilespmem:v38+s15+$0x0], $0xffff;
	v14 =	vadd.f32 v14, v16;
	v16 =	vmul.f32 v28, v57;
	v63 =	vmul.f32 v23, v27  }
0xa1: {  	v51 =	vld [tilespmem:s30+$0xFFFFFFC0];
	v10 =	vadd.f32 v10, v54;
	v23 =	vmul.f32 v23, v55;
	v17 =	vmul.f32 v17, v27  }
0xa2: {  	v52 =	vld [tilespmem:s31+$0x40];
	v28 =	vmul.f32 v28, v58;
	v12 =	vsub.f32 v12, v45;
	v29 =	vsub.f32 v29, v44  }
0xa3: {  	v54 =	vld [tilespmem:s31+$0x60];
	v22 =	vperm.xlane v10, v5;
	v17 =	vadd.f32 v23, v17;
	v23 =	vmul.f32 v37, v60  }
0xa4: {  	v43 =	vsub.f32 v56, v49;
	v55 =	vld [tilespmem:s31+$0x70];
	v12 =	vmul.f32 v12, v12;
	v29 =	vmul.f32 v29, v29  }
0xa5: {  	v38 =	vld.idx.msk [tilespmem:v38+s17+$0x0], $0xffff;
	v21 =	vadd.f32 v10, v22;
	v10 =	vmul.f32 v9, v53;
	v9 =	vmul.f32 v9, v48  }
0xa6: {  	v47 =	vld [tilespmem:s30+$0xFFFFFF90];
	v24 =	vsub.f32 v24, v63;
	v53 =	vmul.f32 v34, v58;
	v34 =	vmul.f32 v34, v57  }
0xa7: {  	v31 =	vsub.f32 v31, v59;
	v59 =	vld [tilespmem:s31+$0xA0];
	v58 =	vmul.f32 v11, v62;
	v11 =	vmul.f32 v11, v60  }
0xa8: {  	v22 =	vld [tilespmem:s31+$0x20];
	v60 =	vmul.f32 v37, v62;
	v24 =	vsub.f32 v24, v51;
	v62 =	vmul.f32 v30, v54  }
0xa9: {  	v27 =	vld [tilespmem:s31+$0x50];
	v30 =	vmul.f32 v30, v52;
	v63 =	vmul.f32 v33, v55;
	v10 =	vsub.f32 v61, v10  }
0xaa: {  	v57 =	vld [tilespmem:s31+$0x80];
	v9 =	vadd.f32 v9, v25;
	v25 =	vmul.f32 v36, v50;
	v16 =	vsub.f32 v16, v53  }
0xab: {  	v37 =	vld [tilespmem:s31+$0xB0];
	v28 =	vadd.f32 v34, v28;
	v61 =	vmul.f32 v39, v52;
	v39 =	vmul.f32 v39, v54  }
0xac: {  	v23 =	vsub.f32 v23, v58;
	v52 =	vmul.f32 v40, v55;
	v53 =	vld [tilespmem:s30+$0xFFFFFF30];
	v55 =	vmul.f32 v38, v59  }
0xad: {  	v11 =	vadd.f32 v11, v60;
	v60 =	vld [tilespmem:s30+$0xFFFFFF60];
	v24 =	vmul.f32 v24, v24;
	v56 =	vmul.f32 v26, v22  }
0xae: {  	v34 =	vsub.f32 v61, v62;
	v61 =	vld [tilespmem:s30+$0xFFFFFF70];
	v26 =	vmul.f32 v26, v50;
	v22 =	vmul.f32 v36, v22  }
0xaf: {  	v30 =	vadd.f32 v30, v39;
	v36 =	vld [tilespmem:s31+$0x90];
	v54 =	vmul.f32 v35, v57;
	v38 =	vmul.f32 v38, v57  }
0xb0: {  	v62 =	vld [tilespmem:s30+$0xFFFFFF80];
	v10 =	vsub.f32 v10, v47;
	v35 =	vmul.f32 v35, v59;
	v59 =	vmul.f32 v13, v37  }
0xb1: {  	v57 =	vld [tilespmem:s30+$0xFFFFFF50];
	v25 =	vsub.f32 v25, v56;
	v26 =	vadd.f32 v26, v22;
	v22 =	vmul.f32 v40, v27  }
0xb2: {  	v49 =	vld [tilespmem:s30+$0xFFFFFF20];
	v27 =	vmul.f32 v33, v27;
	v32 =	vsub.f32 v54, v55;
	v35 =	vadd.f32 v38, v35  }
0xb3: {  	v10 =	vmul.f32 v10, v10;
	v56 =	vld [tilespmem:s30+$0xFFFFFF40];
	v15 =	vsub.f32 v15, v53;
	v7 =	vsub.f32 v7, v60  }
0xb4: {  	v53 =	vld [tilespmem:s30+$0xFFFFFFD0];
	v46 =	vsub.f32 v22, v63;
	v27 =	vadd.f32 v27, v52;
	v58 =	vmul.f32 v8, v36  }
0xb5: {  	v54 =	vld [tilespmem:s30+$0xFFFFFFE0];
	v20 =	vsub.f32 v20, v61;
	v13 =	vmul.f32 v13, v36;
	v8 =	vmul.f32 v8, v37  }
0xb6: {  	v31 =	vsub.f32 v31, v62;
	v15 =	vmul.f32 v15, v15;
	v52 =	vsub.f32 v43, v57;
	v57 =	vld [tilespmem:s30+$0x10]  }
0xb7: {  	v22 =	vperm.xlane v21, v6;
	v8 =	vadd.f32 v13, v8;
	v13 =	vsub.f32 v18, v49;
	v18 =	vld [tilespmem:s30+$0xFFFFFFA0]  }
0xb8: {  	v20 =	vmul.f32 v20, v20;
	v15 =	vadd.f32 v15, v29;
	v63 =	vsub.f32 v58, v59;
	v49 =	vld [tilespmem:s30+$0xFFFFFFB0]  }
0xb9: {  	v29 =	vld [tilespmem:s30+$0x30];
	v19 =	vsub.f32 v19, v56;
	v55 =	vmul.f32 v52, v52;
	v13 =	vmul.f32 v13, v13  }
0xba: {  	v7 =	vmul.f32 v7, v7;
	v56 =	vld [tilespmem:s30+$0x0];
	v16 =	vsub.f32 v16, v53;
	v17 =	vsub.f32 v17, v54  }
0xbb: {  	v19 =	vmul.f32 v19, v19;
	v20 =	vadd.f32 v20, v55;
	v12 =	vadd.f32 v13, v12;
	v13 =	vld [tilespmem:s30+$0x20]  }
0xbc: {  	v17 =	vmul.f32 v17, v17;
	v23 =	vsub.f32 v23, v57;
	v14 =	vsub.f32 v14, v18;
	v18 =	vld [tilespmem:s30+$0xFFFFFFF0]  }
0xbd: {  	v31 =	vmul.f32 v31, v31;
	v7 =	vadd.f32 v7, v19;
	v9 =	vsub.f32 v9, v49  }
0xbe: {  	v19 =	vld [tilespmem:s30+$0x40];
	v24 =	vadd.f32 v17, v24;
	v11 =	vsub.f32 v11, v29;
	v14 =	vmul.f32 v14, v14  }
0xbf: {  	v25 =	vsub.f32 v25, v56;
	v17 =	vmul.f32 v23, v23;
	v23 =	vld [tilespmem:s30+$0x80];
	v9 =	vmul.f32 v9, v9  }
0xc0: {  	v16 =	vmul.f32 v16, v16;
	v14 =	vadd.f32 v14, v31;
	v31 =	vld [tilespmem:s30+$0x60];
	v13 =	vsub.f32 v26, v13  }
0xc1: {  	v11 =	vmul.f32 v11, v11;
	v9 =	vadd.f32 v9, v10;
	v10 =	vld [tilespmem:s30+$0x70];
	v18 =	vsub.f32 v28, v18  }
0xc2: {  	v20 =	vmax.f32 v20, $9.999999960e-13;
	v25 =	vmul.f32 v25, v25;
	v28 =	vld [tilespmem:s30+$0x50];
	v13 =	vmul.f32 v13, v13  }
0xc3: {  	v11 =	vadd.f32 v11, v17;
	v17 =	vmax.f32 v15, $9.999999960e-13;
	v18 =	vmul.f32 v18, v18  }
0xc4: {  	v15 =	vsub.f32 v32, v23;
	v32 =	vmul.f32 $5.000000000e-01, v17;
	v13 =	vadd.f32 v13, v25  }
0xc5: {  	v26 =	vadd.f32 v18, v16;
	v18 =	vsub.f32 v34, v19;
	v16 =	vmax.f32 v12, $9.999999960e-13  }
0xc6: {  	v19 =	vld [tilespmem:s30+$0x90];
	v29 =	vsub.f32 v30, v31;
	v10 =	vsub.f32 v27, v10;
	v34 =	vmul.f32 $5.000000000e-01, v20  }
0xc7: {  	v30 =	vld [tilespmem:s30+$0xB0];
	v12 =	vsub.f32 v46, v28;
	v31 =	vmul.f32 $5.000000000e-01, v16;
	v25 =	vmul.f32 v18, v18  }
0xc8: {  	v13 =	vmax.f32 v13, $9.999999960e-13;
	v27 =	vmul.f32 v29, v29;
	v10 =	vmul.f32 v10, v10  }
0xc9: {  	v28 =	vld [tilespmem:s30+$0xA0];
	v18 =	vmax.f32 v7, $9.999999960e-13;
	v58 =	vshra.s32 v13, $0x1;
	v40 =	vmul.f32 $5.000000000e-01, v13  }
0xca: {  	v12 =	vmul.f32 v12, v12;
	v33 =	vmul.f32 $5.000000000e-01, v18;
	v39 =	vsub.s32 $0x5F3759DF, v58  }
0xcb: {  	v23 =	vadd.f32 v27, v25;
	v27 =	vmul.f32 v15, v15;
	v15 =	vmax.f32 v24, $9.999999960e-13  }
0xcc: {  	v7 =	vsub.f32 v63, v19;
	v8 =	vsub.f32 v8, v30;
	v19 =	vmax.f32 v14, $9.999999960e-13  }
0xcd: {  	v14 =	vmax.f32 v9, $9.999999960e-13;
	v29 =	vshra.s32 v15, $0x1;
	v37 =	vmul.f32 $5.000000000e-01, v15  }
0xce: {  	v25 =	vsub.f32 v35, v28;
	v28 =	vadd.f32 v10, v12;
	v12 =	vmax.f32 v26, $9.999999960e-13  }
0xcf: {  	v26 =	vshra.s32 v20, $0x1;
	v35 =	vmul.f32 $5.000000000e-01, v19;
	v36 =	vmul.f32 $5.000000000e-01, v14  }
0xd0: {  	v29 =	vsub.s32 $0x5F3759DF, v29;
	v7 =	vmul.f32 v7, v7;
	v8 =	vmul.f32 v8, v8  }
0xd1: {  	v30 =	vshra.s32 v12, $0x1;
	v38 =	vmul.f32 $5.000000000e-01, v12;
	v26 =	vsub.s32 $0x5F3759DF, v26  }
0xd2: {  	v57 =	vmul.f32 v29, v37;
	v10 =	vmul.f32 v25, v25;
	v9 =	vmax.f32 v28, $9.999999960e-13  }
0xd3: {  	v25 =	vshra.s32 v18, $0x1;
	v28 =	vshra.s32 v14, $0x1;
	v30 =	vsub.s32 $0x5F3759DF, v30  }
0xd4: {  	v54 =	vmul.f32 v26, v34;
	v8 =	vadd.f32 v8, v7;
	v61 =	vshra.s32 v9, $0x1  }
0xd5: {  	v46 =	vmul.f32 $5.000000000e-01, v9;
	v25 =	vsub.s32 $0x5F3759DF, v25;
	v28 =	vsub.s32 $0x5F3759DF, v28  }
0xd6: {  	v58 =	vmul.f32 v30, v38;
	v57 =	vmul.f32 v29, v57;
	v24 =	vadd.f32 v10, v27  }
0xd7: {  	v10 =	vmax.f32 v11, $9.999999960e-13;
	v11 =	vmax.f32 v23, $9.999999960e-13;
	v23 =	vshra.s32 v16, $0x1  }
0xd8: {  	v27 =	vshra.s32 v19, $0x1;
	v53 =	vmul.f32 v25, v33;
	v56 =	vmul.f32 v28, v36  }
0xd9: {  	v45 =	vsub.s32 $0x5F3759DF, v61;
	v54 =	vmul.f32 v26, v54;
	v8 =	vmax.f32 v8, $9.999999960e-13  }
0xda: {  	v59 =	vshra.s32 v10, $0x1;
	v42 =	vmul.f32 $5.000000000e-01, v10;
	v60 =	vshra.s32 v11, $0x1  }
0xdb: {  	v44 =	vmul.f32 $5.000000000e-01, v11;
	v23 =	vsub.s32 $0x5F3759DF, v23;
	v27 =	vsub.s32 $0x5F3759DF, v27  }
0xdc: {  	v62 =	vmul.f32 v45, v46;
	v58 =	vmul.f32 v30, v58;
	v57 =	vsub.f32 $1.500000000e+00, v57  }
0xdd: {  	v7 =	vmax.f32 v24, $9.999999960e-13;
	v24 =	vshra.s32 v17, $0x1;
	v50 =	vmul.f32 $5.000000000e-01, v8  }
0xde: {  	v51 =	vmul.f32 v23, v31;
	v41 =	vsub.s32 $0x5F3759DF, v59;
	v55 =	vmul.f32 v27, v35  }
0xdf: {  	v43 =	vsub.s32 $0x5F3759DF, v60;
	v59 =	vmul.f32 v39, v40;
	v53 =	vmul.f32 v25, v53  }
0xe0: {  	v56 =	vmul.f32 v28, v56;
	v54 =	vsub.f32 $1.500000000e+00, v54;
	v47 =	vshra.s32 v7, $0x1  }
0xe1: {  	v48 =	vmul.f32 $5.000000000e-01, v7;
	v24 =	vsub.s32 $0x5F3759DF, v24;
	v60 =	vmul.f32 v41, v42  }
0xe2: {  	v61 =	vmul.f32 v43, v44;
	v62 =	vmul.f32 v45, v62;
	v58 =	vsub.f32 $1.500000000e+00, v58  }
0xe3: {  	v52 =	vmul.f32 v24, v32;
	v51 =	vmul.f32 v23, v51;
	v47 =	vsub.s32 $0x5F3759DF, v47  }
0xe4: {  	v55 =	vmul.f32 v27, v55;
	v53 =	vsub.f32 $1.500000000e+00, v53;
	v59 =	vmul.f32 v39, v59  }
0xe5: {  	v56 =	vsub.f32 $1.500000000e+00, v56;
	v54 =	vmul.f32 v26, v54;
	v60 =	vmul.f32 v41, v60  }
0xe6: {  	v61 =	vmul.f32 v43, v61;
	v26 =	vsub.f32 $1.500000000e+00, v62;
	v52 =	vmul.f32 v24, v52  }
0xe7: {  	v51 =	vsub.f32 $1.500000000e+00, v51;
	v53 =	vmul.f32 v25, v53;
	v56 =	vmul.f32 v28, v56  }
0xe8: {  	v55 =	vsub.f32 $1.500000000e+00, v55;
	v28 =	vmul.f32 v30, v58;
	v34 =	vmul.f32 v54, v34  }
0xe9: {  	v59 =	vsub.f32 $1.500000000e+00, v59;
	v26 =	vmul.f32 v45, v26;
	v51 =	vmul.f32 v23, v51  }
0xea: {  	v49 =	vshra.s32 v8, $0x1;
	v23 =	vmul.f32 v47, v48;
	v55 =	vmul.f32 v27, v55  }
0xeb: {  	v25 =	vsub.f32 $1.500000000e+00, v60;
	v27 =	vmul.f32 v29, v57;
	v29 =	vmul.f32 v39, v59  }
0xec: {  	v60 =	vsub.f32 $1.500000000e+00, v61;
	v33 =	vmul.f32 v53, v33;
	v36 =	vmul.f32 v56, v36  }
0xed: {  	v52 =	vsub.f32 $1.500000000e+00, v52;
	v38 =	vmul.f32 v28, v38;
	v30 =	vmul.f32 v41, v25  }
0xee: {  	v49 =	vsub.s32 $0x5F3759DF, v49;
	v25 =	vmul.f32 v43, v60;
	v63 =	vmul.f32 v26, v46  }
0xef: {  	v52 =	vmul.f32 v24, v52;
	v24 =	vmul.f32 v49, v50  }
0xf0: {  	v23 =	vmul.f32 v47, v23;
	v31 =	vmul.f32 v51, v31  }
0xf1: {  	v35 =	vmul.f32 v55, v35;
	v37 =	vmul.f32 v27, v37  }
0xf2: {  	v39 =	vmul.f32 v29, v40;
	v58 =	vmul.f32 v36, v56  }
0xf3: {  	v60 =	vmul.f32 v38, v28;
	v62 =	vmul.f32 v30, v42  }
0xf4: {  	v41 =	vmul.f32 v25, v44;
	v42 =	vmul.f32 v63, v26  }
0xf5: {  	v24 =	vmul.f32 v49, v24;
	v32 =	vmul.f32 v52, v32  }
0xf6: {  	v31 =	vmul.f32 v31, v51;
	v57 =	vmul.f32 v35, v55  }
0xf7: {  	v23 =	vsub.f32 $1.500000000e+00, v23;
	v59 =	vmul.f32 v37, v27;
	v39 =	vmul.f32 v39, v29  }
0xf8: {  	v38 =	vsub.f32 $1.500000000e+00, v60;
	v40 =	vmul.f32 v62, v30;
	v24 =	vsub.f32 $1.500000000e+00, v24  }
0xf9: {  	v41 =	vmul.f32 v41, v25;
	v23 =	vmul.f32 v47, v23;
	v31 =	vsub.f32 $1.500000000e+00, v31  }
0xfa: {  	v63 =	vsub.f32 $1.500000000e+00, v57;
	v35 =	vsub.f32 $1.500000000e+00, v59;
	v24 =	vmul.f32 v49, v24  }
0xfb: {  	v32 =	vmul.f32 v32, v52;
	v36 =	vsub.f32 $1.500000000e+00, v39;
	v40 =	vsub.f32 $1.500000000e+00, v40  }
0xfc: {  	v37 =	vsub.f32 $1.500000000e+00, v41;
	v48 =	vmul.f32 v23, v48;
	v49 =	vmul.f32 v24, v50  }
0xfd: {  	v50 =	vadd.f32 v21, v22;
	v21 =	vmul.f32 v33, v53;
	v22 =	vmul.f32 v34, v54  }
0xfe: {  	v41 =	vsub.f32 $1.500000000e+00, v42;
	v32 =	vsub.f32 $1.500000000e+00, v32;
	v43 =	vmul.f32 v48, v23  }
0xff: {  	v34 =	vmul.f32 v63, v55;
	v61 =	vsub.f32 $1.500000000e+00, v21;
	v62 =	vsub.f32 $1.500000000e+00, v22  }
0x100: {  	v44 =	vmul.f32 v49, v24;
	v21 =	vmul.f32 v31, v51;
	v31 =	vsub.f32 $1.500000000e+00, v58  }
0x101: {  	s29 =	simm.s32 $0x10C60;
	v22 =	vmul.f32 v32, v52;
	v39 =	vsub.f32 $1.500000000e+00, v43;
	v32 =	vmul.f32 v61, v53  }
0x102: {  	s3 =	simm.s32 $0x10C60;
	s8 =	simm.s32 $0x0;
	s9 =	simm.s32 $0x40C;
	[tilespmem:s29+$0x30] =	vst v50;
	v33 =	vmul.f32 v62, v54;
	v31 =	vmul.f32 v31, v56;
	v42 =	vsub.f32 $1.500000000e+00, v44  }
.LBB2_3:
0x103: {  	v43 =	vld [tilespmem:s9+$0x3];
	v27 =	vmul.f32 v35, v27;
	v28 =	vmul.f32 v38, v28  }
0x104: {  	v29 =	vmul.f32 v36, v29;
	v30 =	vmul.f32 v40, v30;
	v35 =	vld [tilespmem:s9+$0xFFFFFFFD]  }
0x105: {  	v25 =	vmul.f32 v37, v25;
	v26 =	vmul.f32 v41, v26;
	v36 =	vld [tilespmem:s9+$0xFFFFFFFE]  }
0x106: {  	v23 =	vmul.f32 v39, v23;
	v24 =	vmul.f32 v42, v24;
	v37 =	vld [tilespmem:s9+$0xFFFFFFFF]  }
0x107: {  	s8 =	sadd.s32 $0x8, s8;
	v16 =	vmul.f32 v21, v16;
	v17 =	vmul.f32 v22, v17;
	v38 =	vld [tilespmem:s9+$0x0]  }
0x108: {  	v18 =	vmul.f32 v32, v18;
	p0 =	slt.u32 s8, $0x1F8;
	v21 =	vld [tilespmem:s9+$0x1];
	v22 =	vperm.xlane v43, v0  }
0x109: {  	v17 =	vadd.f32 v17, v16;
	v16 =	vmul.f32 v33, v20;
	v32 =	vperm.xlane v35, v0;
	v35 =	vld [tilespmem:s9+$0x2]  }
0x10a: {  	v34 =	vmul.f32 v34, v19;
	v20 =	vld [tilespmem:s9+$0xFFFFFFFC];
	v33 =	vperm.xlane v36, v0;
	v22 =	vshll.u32 v22, $0x5  }
0x10b: {  	v19 =	vshll.u32 v32, $0x5;
	v32 =	vperm.xlane v37, v0;
	v36 =	vor.u32 v1, v22  }
0x10c: {  	s31 =	sadd.s32 $0x200, s31;
	v37 =	vor.u32 v1, v19;
	v33 =	vshll.u32 v33, $0x5;
	v38 =	vperm.xlane v38, v0  }
0x10d: {  	v40 =	vor.u32 v2, v22;
	v32 =	vshll.u32 v32, $0x5;
	v21 =	vperm.xlane v21, v0;
	v39 =	vld [tilespmem:s31+$0xC0]  }
0x10e: {  	v41 =	vor.u32 v2, v19;
	v19 =	vshll.u32 v38, $0x5;
	v22 =	vperm.xlane v35, v0;
	v38 =	vld [tilespmem:s31+$0xD0]  }
0x10f: {  	v42 =	vor.u32 v1, v33;
	v20 =	vperm.xlane v20, v0;
	v21 =	vshll.u32 v21, $0x5;
	v35 =	vld [tilespmem:s31+$0xE0]  }
0x110: {  	v43 =	vor.u32 v2, v33;
	v44 =	vor.u32 v1, v32;
	v33 =	vshll.u32 v22, $0x5;
	v45 =	vld.idx.msk [tilespmem:v36+s15+$0x0], $0xffff  }
0x111: {  	v46 =	vor.u32 v2, v32;
	v47 =	vor.u32 v1, v19;
	v20 =	vshll.u32 v20, $0x5;
	v32 =	vld.idx.msk [tilespmem:v36+s17+$0x0], $0xffff  }
0x112: {  	v49 =	vor.u32 v2, v19;
	v36 =	vor.u32 v1, v20;
	v48 =	vor.u32 v2, v20;
	v50 =	vld.idx.msk [tilespmem:v40+s15+$0x0], $0xffff  }
0x113: {  	v22 =	vor.u32 v1, v21;
	v20 =	vor.u32 v2, v21;
	v21 =	vor.u32 v1, v33;
	v40 =	vld.idx.msk [tilespmem:v40+s17+$0x0], $0xffff  }
0x114: {  	v31 =	vmul.f32 v31, v14;
	v15 =	vmul.f32 v27, v15;
	v19 =	vor.u32 v2, v33;
	v33 =	vld [tilespmem:s31+$0xF0]  }
0x115: {  	s30 =	sadd.s32 $0x200, s30;
	v12 =	vmul.f32 v28, v12;
	v13 =	vmul.f32 v29, v13;
	v27 =	vadd.f32 v16, v18;
	v14 =	vld.idx.msk [tilespmem:v37+s15+$0x0], $0xffff  }
0x116: {  	v10 =	vmul.f32 v30, v10;
	v11 =	vmul.f32 v25, v11;
	v29 =	vadd.f32 v31, v34;
	v16 =	vld [tilespmem:s30+$0xC0]  }
0x117: {  	v12 =	vadd.f32 v12, v15;
	v25 =	vmul.f32 v45, v39;
	v30 =	vmul.f32 v32, v35;
	v18 =	vld [tilespmem:s30+$0xD0]  }
0x118: {  	v13 =	vadd.f32 v10, v13;
	v31 =	vmul.f32 v32, v39;
	v32 =	vmul.f32 v45, v35;
	v15 =	vld [tilespmem:s30+$0xE0]  }
0x119: {  	v34 =	vmul.f32 v50, v38;
	v10 =	vld [tilespmem:s30+$0xF0];
	v45 =	vmul.f32 v40, v33  }
0x11a: {  	v38 =	vmul.f32 v40, v38;
	v33 =	vmul.f32 v50, v33;
	v35 =	vld.idx.msk [tilespmem:v36+s15+$0x0], $0xffff  }
0x11b: {  	v9 =	vmul.f32 v26, v9;
	v25 =	vsub.f32 v25, v30;
	v30 =	vadd.f32 v31, v32;
	v28 =	vld.idx.msk [tilespmem:v48+s15+$0x0], $0xffff  }
0x11c: {  	v7 =	vmul.f32 v23, v7;
	v26 =	vsub.f32 v34, v45;
	v31 =	vadd.f32 v38, v33;
	v39 =	vld.idx.msk [tilespmem:v36+s17+$0x0], $0xffff  }
0x11d: {  	v8 =	vmul.f32 v24, v8;
	v23 =	vsub.f32 v25, v16;
	v38 =	vld.idx.msk [tilespmem:v48+s17+$0x0], $0xffff;
	v15 =	vsub.f32 v30, v15  }
0x11e: {  	v24 =	vperm.xlane v17, v3;
	v18 =	vsub.f32 v26, v18;
	v16 =	vld.idx.msk [tilespmem:v41+s15+$0x0], $0xffff;
	v10 =	vsub.f32 v31, v10  }
0x11f: {  	v9 =	vadd.f32 v9, v11;
	v23 =	vmul.f32 v23, v23;
	v37 =	vld.idx.msk [tilespmem:v37+s17+$0x0], $0xffff;
	v15 =	vmul.f32 v15, v15  }
0x120: {  	v7 =	vadd.f32 v8, v7;
	v25 =	vmul.f32 v18, v18;
	v33 =	vld.idx.msk [tilespmem:v41+s17+$0x0], $0xffff;
	v10 =	vmul.f32 v10, v10  }
0x121: {  	v18 =	vld.idx.msk [tilespmem:v42+s15+$0x0], $0xffff;
	v8 =	vadd.f32 v15, v23;
	v15 =	vperm.xlane v27, v3;
	v23 =	vperm.xlane v29, v3  }
0x122: {  	v26 =	vperm.xlane v13, v3;
	v11 =	vld.idx.msk [tilespmem:v43+s15+$0x0], $0xffff;
	v10 =	vadd.f32 v10, v25;
	v25 =	vperm.xlane v12, v3  }
0x123: {  	v30 =	vperm.xlane v7, v3;
	v36 =	vld.idx.msk [tilespmem:v42+s17+$0x0], $0xffff;
	v40 =	vmax.f32 v8, $9.999999960e-13;
	v8 =	vperm.xlane v9, v3  }
0x124: {  	v24 =	vadd.f32 v17, v24;
	v32 =	vld.idx.msk [tilespmem:v43+s17+$0x0], $0xffff;
	v41 =	vmax.f32 v10, $9.999999960e-13;
	v31 =	vshra.s32 v40, $0x1  }
0x125: {  	v42 =	vmul.f32 $5.000000000e-01, v40;
	v17 =	vld.idx.msk [tilespmem:v44+s15+$0x0], $0xffff;
	v34 =	vshra.s32 v41, $0x1;
	v43 =	vmul.f32 $5.000000000e-01, v41  }
0x126: {  	v50 =	vadd.f32 v27, v15;
	v45 =	vsub.s32 $0x5F3759DF, v31;
	v10 =	vld.idx.msk [tilespmem:v46+s15+$0x0], $0xffff;
	v48 =	vsub.s32 $0x5F3759DF, v34  }
0x127: {  	v23 =	vadd.f32 v29, v23;
	v31 =	vmul.f32 v45, v42;
	v34 =	vld.idx.msk [tilespmem:v44+s17+$0x0], $0xffff;
	v44 =	vmul.f32 v48, v43  }
0x128: {  	v13 =	vadd.f32 v13, v26;
	v29 =	vperm.xlane v24, v4;
	v25 =	vadd.f32 v12, v25;
	v27 =	vld.idx.msk [tilespmem:v46+s17+$0x0], $0xffff  }
0x129: {  	v12 =	vmul.f32 v45, v31;
	v15 =	vld.idx.msk [tilespmem:v47+s15+$0x0], $0xffff;
	v26 =	vmul.f32 v48, v44;
	v44 =	vadd.f32 v9, v8  }
0x12a: {  	v7 =	vadd.f32 v7, v30;
	v46 =	vperm.xlane v23, v4;
	v8 =	vperm.xlane v50, v4;
	v9 =	vld.idx.msk [tilespmem:v49+s15+$0x0], $0xffff  }
0x12b: {  	v51 =	vperm.xlane v25, v4;
	v30 =	vsub.f32 $1.500000000e+00, v12;
	v31 =	vld.idx.msk [tilespmem:v47+s17+$0x0], $0xffff;
	v47 =	vsub.f32 $1.500000000e+00, v26  }
0x12c: {  	v24 =	vadd.f32 v24, v29;
	v29 =	vperm.xlane v13, v4;
	v26 =	vld.idx.msk [tilespmem:v49+s17+$0x0], $0xffff;
	v49 =	vperm.xlane v44, v4  }
0x12d: {  	v45 =	vmul.f32 v45, v30;
	v12 =	vld.idx.msk [tilespmem:v22+s15+$0x0], $0xffff;
	v47 =	vmul.f32 v48, v47;
	v48 =	vadd.f32 v50, v8  }
0x12e: {  	v25 =	vadd.f32 v25, v51;
	v23 =	vadd.f32 v23, v46;
	v46 =	vperm.xlane v7, v4;
	v8 =	vld.idx.msk [tilespmem:v20+s15+$0x0], $0xffff  }
0x12f: {  	v30 =	vld.idx.msk [tilespmem:v22+s17+$0x0], $0xffff;
	v22 =	vmul.f32 v45, v42;
	v42 =	vmul.f32 v47, v43;
	v43 =	vadd.f32 v13, v29  }
0x130: {  	v46 =	vadd.f32 v7, v46;
	v44 =	vadd.f32 v44, v49;
	v29 =	vperm.xlane v24, v5;
	v20 =	vld.idx.msk [tilespmem:v20+s17+$0x0], $0xffff  }
0x131: {  	v13 =	vld.idx.msk [tilespmem:v21+s15+$0x0], $0xffff;
	v22 =	vmul.f32 v22, v45;
	v42 =	vmul.f32 v42, v47  }
0x132: {  	v50 =	vperm.xlane v23, v5;
	v49 =	vadd.f32 v24, v29;
	v24 =	vperm.xlane v48, v5;
	v7 =	vld.idx.msk [tilespmem:v19+s15+$0x0], $0xffff  }
0x133: {  	v29 =	vld.idx.msk [tilespmem:v21+s17+$0x0], $0xffff;
	v21 =	vsub.f32 $1.500000000e+00, v22;
	v22 =	vsub.f32 $1.500000000e+00, v42;
	v42 =	vperm.xlane v25, v5  }
0x134: {  	v52 =	vperm.xlane v44, v5;
	v51 =	vperm.xlane v43, v5;
	v48 =	vadd.f32 v48, v24;
	v19 =	vld.idx.msk [tilespmem:v19+s17+$0x0], $0xffff  }
0x135: {  	v53 =	vld [tilespmem:s31+$0xFFFFFF00];
	v45 =	vmul.f32 v21, v45;
	v22 =	vmul.f32 v22, v47;
	v47 =	vadd.f32 v23, v50  }
0x136: {  	v24 =	vadd.f32 v25, v42;
	v21 =	vadd.f32 v43, v51;
	v23 =	vperm.xlane v46, v5;
	v50 =	vld [tilespmem:s31+$0xFFFFFF10]  }
0x137: {  	v42 =	vld [tilespmem:s31+$0xFFFFFF20];
	v25 =	vmul.f32 v45, v40;
	v40 =	vmul.f32 v22, v41;
	v22 =	vadd.f32 v44, v52  }
0x138: {  	v43 =	vperm.xlane v49, v6;
	v44 =	vperm.xlane v48, v6;
	v23 =	vadd.f32 v46, v23;
	v41 =	vld [tilespmem:s31+$0xFFFFFF30]  }
0x139: {  	v46 =	vperm.xlane v47, v6;
	v45 =	vld [tilespmem:s31+$0xFFFFFF40];
	v40 =	vadd.f32 v40, v25;
	v25 =	vperm.xlane v24, v6  }
0x13a: {  	v43 =	vadd.f32 v49, v43;
	v51 =	vmul.f32 v35, v53;
	v52 =	vmul.f32 v39, v53;
	v53 =	vld [tilespmem:s31+$0xFFFFFF50]  }
0x13b: {  	v44 =	vadd.f32 v48, v44;
	v49 =	vmul.f32 v28, v50;
	v54 =	vld [tilespmem:s31+$0xFFFFFF60];
	v55 =	vperm.xlane v40, v3  }
0x13c: {  	v39 =	vmul.f32 v39, v42;
	v42 =	vmul.f32 v35, v42;
	v48 =	vld [tilespmem:s31+$0xFFFFFF70];
	[tilespmem:s29+$0xFFFFFFC0] =	vst v43;
	v43 =	vadd.f32 v47, v46  }
0x13d: {  	v47 =	vmul.f32 v38, v50;
	v46 =	vmul.f32 v38, v41;
	v50 =	vld [tilespmem:s31+$0xFFFFFF80];
	v40 =	vadd.f32 v40, v55;
	[tilespmem:s29+$0xFFFFFFD0] =	vst v44  }
0x13e: {  	v28 =	vmul.f32 v28, v41;
	v35 =	vsub.f32 v51, v39;
	v41 =	vmul.f32 v14, v45;
	v44 =	vld [tilespmem:s31+$0xFFFFFF90];
	[tilespmem:s29+$0xFFFFFFE0] =	vst v43  }
0x13f: {  	v38 =	vadd.f32 v52, v42;
	v42 =	vmul.f32 v37, v45;
	v43 =	vld [tilespmem:s31+$0xFFFFFFA0];
	v45 =	vperm.xlane v40, v4  }
0x140: {  	v39 =	vsub.f32 v49, v46;
	v37 =	vmul.f32 v37, v54;
	v46 =	vmul.f32 v14, v54;
	v49 =	vld [tilespmem:s31+$0xFFFFFFB0]  }
0x141: {  	v51 =	vmul.f32 v16, v53;
	v52 =	vmul.f32 v33, v48;
	v54 =	vld [tilespmem:s31+$0xFFFFFFC0];
	v40 =	vadd.f32 v40, v45  }
0x142: {  	v14 =	vadd.f32 v47, v28;
	v28 =	vmul.f32 v33, v53;
	v16 =	vmul.f32 v16, v48;
	v33 =	vld [tilespmem:s31+$0xFFFFFFD0]  }
0x143: {  	v37 =	vsub.f32 v41, v37;
	v41 =	vmul.f32 v18, v50;
	v45 =	vld [tilespmem:s31+$0xFFFFFFE0];
	v47 =	vperm.xlane v40, v5  }
0x144: {  	v42 =	vadd.f32 v42, v46;
	v46 =	vmul.f32 v36, v43;
	v36 =	vmul.f32 v36, v50;
	v48 =	vld [tilespmem:s31+$0xFFFFFFF0]  }
0x145: {  	v18 =	vmul.f32 v18, v43;
	v43 =	vmul.f32 v11, v44;
	v50 =	vld [tilespmem:s31+$0x0];
	v40 =	vadd.f32 v40, v47  }
0x146: {  	v47 =	vsub.f32 v51, v52;
	v51 =	vmul.f32 v32, v49;
	v32 =	vmul.f32 v32, v44;
	v44 =	vld [tilespmem:s31+$0x10]  }
0x147: {  	v16 =	vadd.f32 v28, v16;
	v11 =	vmul.f32 v11, v49;
	v28 =	vld [tilespmem:s31+$0x20];
	v49 =	vperm.xlane v40, v6  }
0x148: {  	v41 =	vsub.f32 v41, v46;
	v46 =	vmul.f32 v17, v54;
	v52 =	vmul.f32 v34, v45;
	v53 =	vld [tilespmem:s31+$0x30]  }
0x149: {  	v34 =	vmul.f32 v34, v54;
	v17 =	vmul.f32 v17, v45;
	v45 =	vld [tilespmem:s31+$0x40];
	v40 =	vadd.f32 v40, v49  }
0x14a: {  	s29 =	sadd.s32 $0x80, s29;
	v18 =	vadd.f32 v36, v18;
	v36 =	vmul.f32 v10, v33;
	v49 =	vmul.f32 v27, v48;
	v54 =	vld [tilespmem:s31+$0x50]  }
0x14b: {  	v43 =	vsub.f32 v43, v51;
	v27 =	vmul.f32 v27, v33;
	v10 =	vmul.f32 v10, v48;
	v33 =	vld [tilespmem:s31+$0x60];
	[tilespmem:s29+$0x30] =	vst v40  }
0x14c: {  	v11 =	vadd.f32 v32, v11;
	v32 =	vmul.f32 v15, v50;
	v40 =	vmul.f32 v31, v28;
	v48 =	vld [tilespmem:s31+$0x70]  }
0x14d: {  	v46 =	vsub.f32 v46, v52;
	v31 =	vmul.f32 v31, v50;
	v15 =	vmul.f32 v15, v28;
	v28 =	vld [tilespmem:s31+$0x80]  }
0x14e: {  	v17 =	vadd.f32 v34, v17;
	v34 =	vmul.f32 v9, v44;
	v50 =	vmul.f32 v26, v53;
	v51 =	vld [tilespmem:s31+$0x90]  }
0x14f: {  	v36 =	vsub.f32 v36, v49;
	v26 =	vmul.f32 v26, v44;
	v9 =	vmul.f32 v9, v53;
	v44 =	vld [tilespmem:s31+$0xA0]  }
0x150: {  	v10 =	vadd.f32 v27, v10;
	v27 =	vmul.f32 v12, v45;
	v49 =	vmul.f32 v30, v33;
	v52 =	vld [tilespmem:s31+$0xB0]  }
0x151: {  	v32 =	vsub.f32 v32, v40;
	v30 =	vmul.f32 v30, v45;
	v12 =	vmul.f32 v12, v33;
	v53 =	vld [tilespmem:s30+$0xFFFFFF00]  }
0x152: {  	v15 =	vadd.f32 v31, v15;
	v31 =	vmul.f32 v8, v54;
	v40 =	vmul.f32 v20, v48;
	v33 =	vld [tilespmem:s30+$0xFFFFFF10]  }
0x153: {  	v34 =	vsub.f32 v34, v50;
	v20 =	vmul.f32 v20, v54;
	v8 =	vmul.f32 v8, v48;
	v45 =	vld [tilespmem:s30+$0xFFFFFF20]  }
0x154: {  	v9 =	vadd.f32 v26, v9;
	v26 =	vmul.f32 v13, v28;
	v48 =	vld [tilespmem:s30+$0xFFFFFF30];
	v50 =	vmul.f32 v29, v44  }
0x155: {  	v49 =	vsub.f32 v27, v49;
	v27 =	vmul.f32 v29, v28;
	v13 =	vmul.f32 v13, v44;
	v54 =	vld [tilespmem:s30+$0xFFFFFF40]  }
0x156: {  	v12 =	vadd.f32 v30, v12;
	v28 =	vmul.f32 v7, v51;
	v30 =	vmul.f32 v19, v52;
	v29 =	vld [tilespmem:s30+$0xFFFFFF50]  }
0x157: {  	v31 =	vsub.f32 v31, v40;
	v19 =	vmul.f32 v19, v51;
	v7 =	vmul.f32 v7, v52;
	v44 =	vld [tilespmem:s30+$0xFFFFFF60]  }
0x158: {  	v8 =	vadd.f32 v20, v8;
	v20 =	vsub.f32 v26, v50;
	v26 =	vperm.xlane v21, v6;
	v40 =	vld [tilespmem:s30+$0xFFFFFF70]  }
0x159: {  	v13 =	vadd.f32 v27, v13;
	v27 =	vperm.xlane v22, v6;
	v30 =	vsub.f32 v28, v30;
	v50 =	vld [tilespmem:s30+$0xFFFFFF80]  }
0x15a: {  	v35 =	vsub.f32 v35, v53;
	v7 =	vadd.f32 v19, v7;
	v28 =	vperm.xlane v23, v6;
	v51 =	vld [tilespmem:s30+$0xFFFFFF90]  }
0x15b: {  	v33 =	vsub.f32 v39, v33;
	v19 =	vsub.f32 v38, v45;
	v38 =	vld [tilespmem:s30+$0xFFFFFFA0]  }
0x15c: {  	v35 =	vmul.f32 v35, v35;
	v14 =	vsub.f32 v14, v48;
	v37 =	vsub.f32 v37, v54;
	v39 =	vld [tilespmem:s30+$0xFFFFFFB0]  }
0x15d: {  	v19 =	vmul.f32 v19, v19;
	v29 =	vsub.f32 v47, v29;
	v42 =	vsub.f32 v42, v44;
	v44 =	vld [tilespmem:s30+$0xFFFFFFC0]  }
0x15e: {  	v33 =	vmul.f32 v33, v33;
	v16 =	vsub.f32 v16, v40;
	v40 =	vsub.f32 v41, v50;
	v41 =	vld [tilespmem:s30+$0xFFFFFFD0]  }
0x15f: {  	v14 =	vmul.f32 v14, v14;
	v37 =	vmul.f32 v37, v37;
	v43 =	vsub.f32 v43, v51;
	v45 =	vld [tilespmem:s30+$0xFFFFFFE0]  }
0x160: {  	v29 =	vmul.f32 v29, v29;
	v42 =	vmul.f32 v42, v42;
	v18 =	vsub.f32 v18, v38;
	v38 =	vld [tilespmem:s30+$0xFFFFFFF0]  }
0x161: {  	v16 =	vmul.f32 v16, v16;
	v11 =	vsub.f32 v11, v39;
	v39 =	vmul.f32 v40, v40;
	v40 =	vld [tilespmem:s30+$0x0]  }
0x162: {  	v43 =	vmul.f32 v43, v43;
	v18 =	vmul.f32 v18, v18;
	v44 =	vsub.f32 v46, v44;
	v46 =	vld [tilespmem:s30+$0x10]  }
0x163: {  	v19 =	vadd.f32 v19, v35;
	v11 =	vmul.f32 v11, v11;
	v35 =	vsub.f32 v36, v41;
	v36 =	vld [tilespmem:s30+$0x20]  }
0x164: {  	v14 =	vadd.f32 v14, v33;
	v17 =	vsub.f32 v17, v45;
	v33 =	vmul.f32 v44, v44;
	v41 =	vld [tilespmem:s30+$0x30]  }
0x165: {  	v37 =	vadd.f32 v42, v37;
	v10 =	vsub.f32 v10, v38;
	v35 =	vmul.f32 v35, v35;
	v38 =	vld [tilespmem:s30+$0x40]  }
0x166: {  	v29 =	vadd.f32 v16, v29;
	v16 =	vmul.f32 v17, v17;
	v17 =	vsub.f32 v32, v40;
	v32 =	vld [tilespmem:s30+$0x50]  }
0x167: {  	v39 =	vadd.f32 v18, v39;
	v10 =	vmul.f32 v10, v10;
	v18 =	vsub.f32 v34, v46;
	v34 =	vld [tilespmem:s30+$0x60]  }
0x168: {  	v11 =	vadd.f32 v11, v43;
	v15 =	vsub.f32 v15, v36;
	v17 =	vmul.f32 v17, v17;
	v36 =	vld [tilespmem:s30+$0x70]  }
0x169: {  	v33 =	vadd.f32 v16, v33;
	v9 =	vsub.f32 v9, v41;
	v18 =	vmul.f32 v18, v18;
	v40 =	vld [tilespmem:s30+$0x80]  }
0x16a: {  	v10 =	vadd.f32 v10, v35;
	v15 =	vmul.f32 v15, v15;
	v35 =	vsub.f32 v49, v38;
	v38 =	vld [tilespmem:s30+$0x90]  }
0x16b: {  	v16 =	vmax.f32 v19, $9.999999960e-13;
	v9 =	vmul.f32 v9, v9;
	v19 =	vsub.f32 v31, v32;
	v31 =	vld [tilespmem:s30+$0xA0]  }
0x16c: {  	v32 =	vadd.f32 v15, v17;
	v12 =	vsub.f32 v12, v34;
	v15 =	vmul.f32 v35, v35;
	v34 =	vld [tilespmem:s30+$0xB0]  }
0x16d: {  	v9 =	vadd.f32 v9, v18;
	v8 =	vsub.f32 v8, v36;
	v19 =	vmul.f32 v19, v19  }
0x16e: {  	v17 =	vmax.f32 v14, $9.999999960e-13;
	v12 =	vmul.f32 v12, v12;
	v14 =	vsub.f32 v20, v40  }
0x16f: {  	v18 =	vmax.f32 v37, $9.999999960e-13;
	v8 =	vmul.f32 v8, v8;
	v20 =	vsub.f32 v30, v38  }
0x170: {  	v30 =	vadd.f32 v12, v15;
	v12 =	vsub.f32 v13, v31;
	v31 =	vmul.f32 v14, v14  }
0x171: {  	v8 =	vadd.f32 v8, v19;
	v7 =	vsub.f32 v7, v34;
	v34 =	vmul.f32 v20, v20  }
0x172: {  	v20 =	vmax.f32 v29, $9.999999960e-13;
	v19 =	vmax.f32 v39, $9.999999960e-13;
	v29 =	vmul.f32 v12, v12  }
0x173: {  	v14 =	vmax.f32 v11, $9.999999960e-13;
	v15 =	vmax.f32 v33, $9.999999960e-13;
	v7 =	vmul.f32 v7, v7  }
0x174: {  	v13 =	vmax.f32 v32, $9.999999960e-13;
	v12 =	vmax.f32 v10, $9.999999960e-13;
	v29 =	vadd.f32 v29, v31  }
0x175: {  	v10 =	vmax.f32 v9, $9.999999960e-13;
	v11 =	vmax.f32 v30, $9.999999960e-13;
	v30 =	vadd.f32 v7, v34  }
0x176: {  	v44 =	vshra.s32 v16, $0x1;
	v9 =	vmax.f32 v8, $9.999999960e-13;
	v7 =	vmax.f32 v29, $9.999999960e-13  }
0x177: {  	v31 =	vmul.f32 $5.000000000e-01, v16;
	v29 =	vshra.s32 v17, $0x1;
	v8 =	vmax.f32 v30, $9.999999960e-13  }
0x178: {  	v32 =	vmul.f32 $5.000000000e-01, v17;
	v33 =	vmul.f32 $5.000000000e-01, v18;
	v30 =	vshra.s32 v18, $0x1  }
0x179: {  	v45 =	vshra.s32 v20, $0x1;
	v46 =	vshra.s32 v19, $0x1;
	v34 =	vmul.f32 $5.000000000e-01, v20  }
0x17a: {  	v47 =	vshra.s32 v14, $0x1;
	v36 =	vmul.f32 $5.000000000e-01, v14;
	v35 =	vmul.f32 $5.000000000e-01, v19  }
0x17b: {  	v48 =	vshra.s32 v15, $0x1;
	v37 =	vmul.f32 $5.000000000e-01, v15;
	v49 =	vshra.s32 v12, $0x1  }
0x17c: {  	v50 =	vshra.s32 v13, $0x1;
	v39 =	vmul.f32 $5.000000000e-01, v13;
	v38 =	vmul.f32 $5.000000000e-01, v12  }
0x17d: {  	v51 =	vshra.s32 v10, $0x1;
	v40 =	vmul.f32 $5.000000000e-01, v10;
	v52 =	vshra.s32 v11, $0x1  }
0x17e: {  	v41 =	vmul.f32 $5.000000000e-01, v11;
	v53 =	vshra.s32 v9, $0x1;
	v42 =	vmul.f32 $5.000000000e-01, v9  }
0x17f: {  	v54 =	vshra.s32 v7, $0x1;
	v43 =	vmul.f32 $5.000000000e-01, v7;
	v55 =	vshra.s32 v8, $0x1  }
0x180: {  	v44 =	vsub.s32 $0x5F3759DF, v44;
	v29 =	vsub.s32 $0x5F3759DF, v29;
	v56 =	vmul.f32 $5.000000000e-01, v8  }
0x181: {  	v45 =	vsub.s32 $0x5F3759DF, v45;
	v46 =	vsub.s32 $0x5F3759DF, v46;
	v30 =	vsub.s32 $0x5F3759DF, v30  }
0x182: {  	v47 =	vsub.s32 $0x5F3759DF, v47;
	v48 =	vsub.s32 $0x5F3759DF, v48;
	v49 =	vsub.s32 $0x5F3759DF, v49  }
0x183: {  	v50 =	vsub.s32 $0x5F3759DF, v50;
	v51 =	vsub.s32 $0x5F3759DF, v51;
	v52 =	vsub.s32 $0x5F3759DF, v52  }
0x184: {  	v53 =	vsub.s32 $0x5F3759DF, v53;
	v54 =	vsub.s32 $0x5F3759DF, v54;
	v55 =	vsub.s32 $0x5F3759DF, v55  }
0x185: {  	v24 =	vadd.f32 v24, v25;
	v57 =	vmul.f32 v44, v31;
	v58 =	vmul.f32 v29, v32  }
0x186: {  	v21 =	vadd.f32 v21, v26;
	v59 =	vmul.f32 v45, v34;
	v25 =	vmul.f32 v30, v33  }
0x187: {  	v22 =	vadd.f32 v22, v27;
	v60 =	vmul.f32 v47, v36;
	v26 =	vmul.f32 v46, v35;
	[tilespmem:s3+$0xFFFFFFF0] =	vst v24  }
0x188: {  	v27 =	vmul.f32 v49, v38;
	v24 =	vmul.f32 v48, v37;
	[tilespmem:s3+$0x0] =	vst v21;
	v21 =	vadd.f32 v23, v28  }
0x189: {  	v23 =	vmul.f32 v50, v39;
	v28 =	vmul.f32 v51, v40;
	[tilespmem:s3+$0x10] =	vst v22  }
0x18a: {  	v61 =	vmul.f32 v53, v42;
	v22 =	vmul.f32 v52, v41;
	[tilespmem:s3+$0x20] =	vst v21;
	s3 =	smov.u32 s29  }
0x18b: {  	v62 =	vmul.f32 v55, v56;
	v21 =	vmul.f32 v54, v43  }
0x18c: {  	v57 =	vmul.f32 v44, v57;
	v58 =	vmul.f32 v29, v58  }
0x18d: {  	v59 =	vmul.f32 v45, v59;
	v25 =	vmul.f32 v30, v25  }
0x18e: {  	v60 =	vmul.f32 v47, v60;
	v26 =	vmul.f32 v46, v26;
	v57 =	vsub.f32 $1.500000000e+00, v57  }
0x18f: {  	v27 =	vmul.f32 v49, v27;
	v58 =	vsub.f32 $1.500000000e+00, v58;
	v24 =	vmul.f32 v48, v24  }
0x190: {  	v25 =	vsub.f32 $1.500000000e+00, v25;
	v23 =	vmul.f32 v50, v23;
	v28 =	vmul.f32 v51, v28  }
0x191: {  	v61 =	vmul.f32 v53, v61;
	v59 =	vsub.f32 $1.500000000e+00, v59;
	v22 =	vmul.f32 v52, v22  }
0x192: {  	v26 =	vsub.f32 $1.500000000e+00, v26;
	v62 =	vmul.f32 v55, v62;
	v21 =	vmul.f32 v54, v21  }
0x193: {  	v44 =	vmul.f32 v44, v57;
	v57 =	vsub.f32 $1.500000000e+00, v60;
	v24 =	vsub.f32 $1.500000000e+00, v24  }
0x194: {  	v58 =	vmul.f32 v29, v58;
	v29 =	vsub.f32 $1.500000000e+00, v27;
	v23 =	vsub.f32 $1.500000000e+00, v23  }
0x195: {  	v60 =	vmul.f32 v30, v25;
	v25 =	vsub.f32 $1.500000000e+00, v28;
	v22 =	vsub.f32 $1.500000000e+00, v22  }
0x196: {  	v45 =	vmul.f32 v45, v59;
	v59 =	vsub.f32 $1.500000000e+00, v61;
	v21 =	vsub.f32 $1.500000000e+00, v21  }
0x197: {  	v46 =	vmul.f32 v46, v26;
	v47 =	vmul.f32 v47, v57;
	v57 =	vsub.f32 $1.500000000e+00, v62  }
0x198: {  	v28 =	vmul.f32 v49, v29;
	v27 =	vmul.f32 v48, v24  }
0x199: {  	v29 =	vmul.f32 v50, v23;
	v30 =	vmul.f32 v51, v25  }
0x19a: {  	v26 =	vmul.f32 v53, v59;
	v25 =	vmul.f32 v52, v22  }
0x19b: {  	v24 =	vmul.f32 v55, v57;
	v23 =	vmul.f32 v54, v21  }
0x19c: {  	v22 =	vmul.f32 v58, v32;
	v21 =	vmul.f32 v44, v31  }
0x19d: {  	v32 =	vmul.f32 v45, v34;
	v31 =	vmul.f32 v60, v33  }
0x19e: {  	v34 =	vmul.f32 v47, v36;
	v33 =	vmul.f32 v46, v35  }
0x19f: {  	v36 =	vmul.f32 v28, v38;
	v35 =	vmul.f32 v27, v37  }
0x1a0: {  	v37 =	vmul.f32 v29, v39;
	v38 =	vmul.f32 v30, v40  }
0x1a1: {  	v40 =	vmul.f32 v26, v42;
	v39 =	vmul.f32 v25, v41  }
0x1a2: {  	v42 =	vmul.f32 v24, v56;
	v41 =	vmul.f32 v23, v43  }
0x1a3: {  	v22 =	vmul.f32 v22, v58;
	v21 =	vmul.f32 v21, v44  }
0x1a4: {  	v32 =	vmul.f32 v32, v45;
	v31 =	vmul.f32 v31, v60  }
0x1a5: {  	v34 =	vmul.f32 v34, v47;
	v33 =	vmul.f32 v33, v46;
	v21 =	vsub.f32 $1.500000000e+00, v21  }
0x1a6: {  	v36 =	vmul.f32 v36, v28;
	v35 =	vmul.f32 v35, v27;
	v22 =	vsub.f32 $1.500000000e+00, v22  }
0x1a7: {  	v37 =	vmul.f32 v37, v29;
	v43 =	vmul.f32 v38, v30;
	v31 =	vsub.f32 $1.500000000e+00, v31  }
0x1a8: {  	v49 =	vmul.f32 v40, v26;
	v48 =	vsub.f32 $1.500000000e+00, v32;
	v39 =	vmul.f32 v39, v25  }
0x1a9: {  	v42 =	vmul.f32 v42, v24;
	v50 =	vsub.f32 $1.500000000e+00, v33;
	v51 =	vmul.f32 v41, v23  }
.Ltmp0:
0x1aa: {  	v35 =	vsub.f32 $1.500000000e+00, v35;
	v21 =	vmul.f32 v21, v44;
	v44 =	vsub.f32 $1.500000000e+00, v34;
	(pc) =	sbr.rel @p0 .LBB2_3-.Ltmp0, $4  }
0x1ab: {  	v38 =	vsub.f32 $1.500000000e+00, v36;
	v36 =	vsub.f32 $1.500000000e+00, v37;
	v22 =	vmul.f32 v22, v58  }
0x1ac: {  	v40 =	vsub.f32 $1.500000000e+00, v43;
	v37 =	vsub.f32 $1.500000000e+00, v39;
	v32 =	vmul.f32 v31, v60  }
0x1ad: {  	v41 =	vsub.f32 $1.500000000e+00, v49;
	v33 =	vmul.f32 v48, v45;
	v39 =	vsub.f32 $1.500000000e+00, v51  }
0x1ae: {  	s9 =	sadd.s32 $0x8, s9;
	v42 =	vsub.f32 $1.500000000e+00, v42;
	v34 =	vmul.f32 v50, v46;
	v31 =	vmul.f32 v44, v47  }
0x1af: {  	v27 =	vmul.f32 v35, v27;
	v28 =	vmul.f32 v38, v28  }
0x1b0: {  	v29 =	vmul.f32 v36, v29;
	v30 =	vmul.f32 v40, v30  }
0x1b1: {  	v25 =	vmul.f32 v37, v25;
	v26 =	vmul.f32 v41, v26  }
0x1b2: {  	v23 =	vmul.f32 v39, v23;
	v16 =	vmul.f32 v21, v16  }
0x1b3: {  	v17 =	vmul.f32 v22, v17;
	v18 =	vmul.f32 v32, v18  }
0x1b4: {  	v20 =	vmul.f32 v33, v20;
	v24 =	vmul.f32 v42, v24  }
0x1b5: {  	v19 =	vmul.f32 v34, v19;
	v14 =	vmul.f32 v31, v14  }
0x1b6: {  	v15 =	vmul.f32 v27, v15;
	v12 =	vmul.f32 v28, v12  }
0x1b7: {  	v37 =	vadd.f32 v20, v18;
	v11 =	vmul.f32 v25, v11;
	v9 =	vmul.f32 v26, v9  }
0x1b8: {  	v7 =	vmul.f32 v23, v7;
	v8 =	vmul.f32 v24, v8  }
0x1b9: {  	v12 =	vadd.f32 v12, v15;
	v9 =	vadd.f32 v9, v11;
	v11 =	vperm.xlane v37, v3  }
0x1ba: {  	v13 =	vmul.f32 v29, v13;
	v10 =	vmul.f32 v30, v10;
	v7 =	vadd.f32 v8, v7  }
0x1bb: {  	v16 =	vadd.f32 v17, v16;
	v8 =	vperm.xlane v12, v3;
	v11 =	vadd.f32 v37, v11  }
0x1bc: {  	v14 =	vadd.f32 v14, v19;
	v10 =	vadd.f32 v10, v13;
	v42 =	vperm.xlane v7, v3  }
0x1bd: {  	v41 =	vperm.xlane v9, v3;
	v8 =	vadd.f32 v12, v8;
	v44 =	vperm.xlane v11, v4  }
0x1be: {  	v38 =	vperm.xlane v16, v3;
	v39 =	vperm.xlane v14, v3;
	v7 =	vadd.f32 v7, v42  }
0x1bf: {  	v9 =	vadd.f32 v9, v41;
	v46 =	vperm.xlane v8, v4;
	v11 =	vadd.f32 v11, v44  }
0x1c0: {  	v40 =	vperm.xlane v10, v3;
	v13 =	vadd.f32 v16, v38;
	v49 =	vperm.xlane v7, v4  }
0x1c1: {  	v48 =	vperm.xlane v9, v4;
	v8 =	vadd.f32 v8, v46;
	v51 =	vperm.xlane v11, v5  }
0x1c2: {  	v14 =	vadd.f32 v14, v39;
	v43 =	vperm.xlane v13, v4;
	v7 =	vadd.f32 v7, v49  }
0x1c3: {  	v9 =	vadd.f32 v9, v48;
	v53 =	vperm.xlane v8, v5;
	v11 =	vadd.f32 v11, v51  }
0x1c4: {  	v10 =	vadd.f32 v10, v40;
	v45 =	vperm.xlane v14, v4;
	v58 =	vperm.xlane v7, v5  }
0x1c5: {  	v55 =	vperm.xlane v9, v5;
	v8 =	vadd.f32 v8, v53;
	v57 =	vperm.xlane v11, v6  }
0x1c6: {  	v12 =	vadd.f32 v13, v43;
	v47 =	vperm.xlane v10, v4;
	v7 =	vadd.f32 v7, v58  }
0x1c7: {  	v9 =	vadd.f32 v9, v55;
	v60 =	vperm.xlane v8, v6;
	v11 =	vadd.f32 v11, v57  }
0x1c8: {  	v14 =	vadd.f32 v14, v45;
	v50 =	vperm.xlane v12, v5;
	v63 =	vperm.xlane v7, v6  }
0x1c9: {  	v10 =	vadd.f32 v10, v47;
	[tilespmem:s29+$0xFFFFFFD0] =	vst v11;
	v11 =	vperm.xlane v9, v6;
	v8 =	vadd.f32 v8, v60  }
0x1ca: {  	v52 =	vperm.xlane v14, v5;
	v12 =	vadd.f32 v12, v50;
	v7 =	vadd.f32 v7, v63  }
0x1cb: {  	v54 =	vperm.xlane v10, v5;
	[tilespmem:s3+$0xFFFFFFF0] =	vst v8;
	v8 =	vadd.f32 v9, v11  }
0x1cc: {  	s9 =	simm.s32 $0x0;
	v14 =	vadd.f32 v14, v52;
	v56 =	vperm.xlane v12, v6;
	[tilespmem:s3+$0x20] =	vst v7  }
0x1cd: {  	v10 =	vadd.f32 v10, v54;
	v7 =	vmul.u32 $0x10, v1;
	[tilespmem:s3+$0x10] =	vst v8;
	v8 =	vmov s9  }
0x1ce: {  	v59 =	vperm.xlane v14, v6;
	v8 =	vshll.u32 v8, $0x4  }
0x1cf: {  	v12 =	vadd.f32 v12, v56;
	v62 =	vperm.xlane v10, v6;
	v8 =	vor.u32 v7, v8  }
0x1d0: {  	v61 =	vadd.f32 v14, v59  }
0x1d1: {  	[tilespmem:s29+$0xFFFFFFC0] =	vst v12;
	v10 =	vadd.f32 v10, v62  }
0x1d2: {  	[tilespmem:s29+$0xFFFFFFE0] =	vst v61  }
0x1d3: {  	[tilespmem:s3+$0x0] =	vst v10  }
0x1d4: {  	v8 =	vld.idx.msk [tilespmem:v8+s14+$0x0], $0xffff;
	_ =	sdelay $0x4  }
0x1d5: {  	v8 =	vadd.f32 $-6.000000000e+01, v8;
	_ =	sdelay $0x1  }
0x1d6: {  	v8 =	vmul.f32 $1.442695020e+00, v8;
	_ =	sdelay $0x1  }
0x1d7: {  	(erf) = vpow2.f32 v8;
	_ =	sdelay $0x3  }
0x1d8: {  	s8 =	simm.s32 $0x10  }
0x1d9: {  	v8 =	vmov s8  }
0x1da: {  	v8 =	vshll.u32 v8, $0x4  }
0x1db: {  	v8 =	vor.u32 v7, v8  }
0x1dc: {  	s9 =	sor.u32 s26, s9  }
0x1dd: {  	p0 =	slt.u32 s9, $0xC3500;
	v9 =	vpop (erf)  }
0x1de: {  	s3 =	simm.s32 $0x10A10;
	v9 =	vpsel !p0, $0x0, v9  }
0x1df: {  	[tilespmem:s3+$0x0] =	vst v9  }
0x1e0: {  	v8 =	vld.idx.msk [tilespmem:v8+s14+$0x0], $0xffff;
	_ =	sdelay $0x4  }
0x1e1: {  	v8 =	vadd.f32 $-6.000000000e+01, v8;
	_ =	sdelay $0x1  }
0x1e2: {  	v8 =	vmul.f32 $1.442695020e+00, v8;
	_ =	sdelay $0x1  }
0x1e3: {  	(erf) = vpow2.f32 v8;
	_ =	sdelay $0x3  }
0x1e4: {  	s9 =	simm.s32 $0x20  }
0x1e5: {  	s29 =	simm.s32 $0x30;
	v8 =	vmov s9  }
.LBB2_5:
0x1e6: {  	p0 =	sne.s32 s29, $0x1F0;
	v8 =	vshll.u32 v8, $0x4  }
0x1e7: {  	v8 =	vor.u32 v7, v8  }
0x1e8: {  	s30 =	sor.u32 s26, s8;
	s8 =	smov.u32 s9;
	s9 =	smov.u32 s29  }
0x1e9: {  	p1 =	slt.u32 s30, $0xC3500;
	v9 =	vpop (erf)  }
0x1ea: {  	s3 =	sadd.s32 $0x10, s3;
	v9 =	vpsel !p1, $0x0, v9  }
0x1eb: {  	[tilespmem:s3+$0x0] =	vst v9  }
0x1ec: {  	v8 =	vld.idx.msk [tilespmem:v8+s14+$0x0], $0xffff;
	_ =	sdelay $0x5  }
0x1ed: {  	v8 =	vadd.f32 $-6.000000000e+01, v8;
	_ =	sdelay $0x1  }
0x1ee: {  	v8 =	vmul.f32 $1.442695020e+00, v8;
	_ =	sdelay $0x1  }
0x1ef: {  	(erf) = vpow2.f32 v8  }
.Ltmp1:
0x1f0: {  	(pc) =	sbr.rel @p0 .LBB2_5-.Ltmp1, $2  }
0x1f1: {  	_ =	sdelay $0x2  }
0x1f2: {  	s29 =	sadd.s32 $0x10, s29;
	v8 =	vmov s9  }
0x1f3: {  	v8 =	vshll.u32 v8, $0x4  }
0x1f4: {  	v7 =	vor.u32 v7, v8  }
0x1f5: {  	s8 =	sor.u32 s26, s8  }
0x1f6: {  	p0 =	slt.u32 s8, $0xC3500;
	v8 =	vpop (erf)  }
0x1f7: {  	s3 =	sadd.s32 $0x10, s3;
	v8 =	vpsel !p0, $0x0, v8  }
0x1f8: {  	[tilespmem:s3+$0x0] =	vst v8  }
0x1f9: {  	v7 =	vld.idx.msk [tilespmem:v7+s14+$0x0], $0xffff;
	_ =	sdelay $0x4  }
0x1fa: {  	v7 =	vadd.f32 $-6.000000000e+01, v7;
	_ =	sdelay $0x1  }
0x1fb: {  	v7 =	vmul.f32 $1.442695020e+00, v7;
	_ =	sdelay $0x1  }
0x1fc: {  	(erf) = vpow2.f32 v7;
	_ =	sdelay $0x7  }
0x1fd: {  	s30 =	sor.u32 s26, s9  }
0x1fe: {  	p6 =	slt.u32 s30, $0xC3500;
	v7 =	vpop (erf)  }
0x1ff: {  	s3 =	sadd.s32 $0x10, s3;
	v7 =	vpsel !p6, $0x0, v7  }
0x200: {  	s31 =	simm.s32 $0x10A14;
	[tilespmem:s3+$0x0] =	vst v7  }
0x201: {  	v9 =	vld [tilespmem:s31+$0x3]  }
0x202: {  	v11 =	vld [tilespmem:s31+$0xFFFFFFFD]  }
0x203: {  	v13 =	vld [tilespmem:s31+$0xFFFFFFFE]  }
0x204: {  	v10 =	vld [tilespmem:s31+$0xFFFFFFFF]  }
0x205: {  	v8 =	vld [tilespmem:s31+$0x0]  }
0x206: {  	v7 =	vld [tilespmem:s31+$0x1];
	v14 =	vperm.xlane v9, v0  }
0x207: {  	s3 =	simm.s32 $0x10C60;
	v9 =	vld [tilespmem:s31+$0x2];
	v12 =	vperm.xlane v11, v0  }
0x208: {  	s9 =	simm.s32 $0x10A1C;
	s8 =	simm.s32 $0x0;
	v11 =	vld [tilespmem:s31+$0xFFFFFFFC];
	v13 =	vperm.xlane v13, v0;
	[tilespmem:s3+$0x30] =	vst v14  }
.LBB2_7:
0x209: {  	v14 =	vld [tilespmem:s9+$0x3];
	s8 =	sadd.s32 $0x8, s8;
	[tilespmem:s3+$0xFFFFFFD0] =	vst v12;
	v10 =	vperm.xlane v10, v0  }
0x20a: {  	v12 =	vld [tilespmem:s9+$0xFFFFFFFD];
	p0 =	slt.u32 s8, $0x1F8;
	[tilespmem:s3+$0xFFFFFFE0] =	vst v13;
	v8 =	vperm.xlane v8, v0  }
0x20b: {  	v13 =	vld [tilespmem:s9+$0xFFFFFFFE];
	[tilespmem:s3+$0xFFFFFFF0] =	vst v10;
	v7 =	vperm.xlane v7, v0  }
.Ltmp2:
0x20c: {  	v10 =	vld [tilespmem:s9+$0xFFFFFFFF];
	[tilespmem:s3+$0x0] =	vst v8;
	v9 =	vperm.xlane v9, v0;
	(pc) =	sbr.rel @p0 .LBB2_7-.Ltmp2, $4  }
0x20d: {  	v8 =	vld [tilespmem:s9+$0x0];
	v11 =	vperm.xlane v11, v0;
	[tilespmem:s3+$0x10] =	vst v7  }
0x20e: {  	v7 =	vld [tilespmem:s9+$0x1];
	v14 =	vperm.xlane v14, v0;
	[tilespmem:s3+$0x20] =	vst v9  }
0x20f: {  	v12 =	vperm.xlane v12, v0;
	v9 =	vld [tilespmem:s9+$0x2];
	[tilespmem:s3+$0xFFFFFFC0] =	vst v11;
	s3 =	sadd.s32 $0x80, s3  }
0x210: {  	v11 =	vld [tilespmem:s9+$0xFFFFFFFC];
	v13 =	vperm.xlane v13, v0;
	[tilespmem:s3+$0x30] =	vst v14;
	s9 =	sadd.s32 $0x8, s9  }
0x211: {  	[tilespmem:s3+$0xFFFFFFD0] =	vst v12;
	v10 =	vperm.xlane v10, v0  }
0x212: {  	[tilespmem:s3+$0xFFFFFFE0] =	vst v13;
	v8 =	vperm.xlane v8, v0  }
0x213: {  	[tilespmem:s3+$0xFFFFFFF0] =	vst v10;
	v7 =	vperm.xlane v7, v0  }
0x214: {  	[tilespmem:s3+$0x0] =	vst v8;
	v8 =	vperm.xlane v9, v0  }
0x215: {  	v63 =	vperm.xlane v11, v0;
	[tilespmem:s3+$0x10] =	vst v7  }
0x216: {  	[tilespmem:s3+$0x20] =	vst v8  }
0x217: {  	s31 =	sadd.s32 s10, s25;
	[tilespmem:s3+$0xFFFFFFC0] =	vst v63  }
0x218: {  	[hbm4b:s31+s4] =	stream.linear.scatter [tilespmem:s18], [sflag:$0x2], $0x200, $0x38;
	[tilespmem:$0x1EFA0] =	vst v63  }
0x219: {  	_ =	swait.ge [sflag:s16], $0x200  }
0x21a: {  	[sflag:s16] =	ssyncset.done $0x0  }
0x21b: {  	[sflag:s16] =	ssyncadd.s32 $0xFFFFFE00  }
0x21c: {  	[spmem:s2] =	stream.indirect.scatter.add.f32 [tilespmem:s14], [sflag:$0x1], $0x10, s20, s23, $0xb8;
	[tilespmem:$0x1EFA0] =	vst v63  }
0x21d: {  	_ = 	snop  }
0x21e: {  	[spmem:s2] =	stream.indirect.scatter.add.f32 [tilespmem:s19], [sflag:$0x1], $0x10, s28, s23, $0xb8;
	[tilespmem:$0x1EFA0] =	vst v63  }
0x21f: {  	_ = 	snop  }
0x220: {  	[spmem:s2] =	stream.indirect.scatter.add.f32 [tilespmem:s1], [sflag:$0x1], $0x10, s0, s23, $0xb8;
	[tilespmem:$0x1EFA0] =	vst v63  }
0x221: {  	_ = 	snop  }
0x222: {  	[spmem:s2] =	stream.indirect.scatter.add.f32 [tilespmem:s21], [sflag:$0x1], $0x10, s11, s23, $0xb8;
	[tilespmem:$0x1EFA0] =	vst v63  }
0x223: {  	_ =	swait.ge [sflag:s22], $0x800  }
0x224: {  	[sflag:s22] =	ssyncset.done $0x0  }
0x225: {  	[sflag:s22] =	ssyncadd.s32 $0xFFFFF800  }
0x226: {  	_ =	swait.ge [sflag:s22], $0x800  }
0x227: {  	[sflag:s22] =	ssyncset.done $0x0  }
0x228: {  	s24 =	sadd.s32 $0x1, s24;
	[sflag:s22] =	ssyncadd.s32 $0xFFFFF800  }
0x229: {  	p0 =	sne.s32 s24, $0x32;
	_ =	swait.ge [sflag:s22], $0x800  }
.Ltmp3:
0x22a: {  	[sflag:s22] =	ssyncset.done $0x0;
	(pc) =	sbr.rel @p0 .LBB2_2-.Ltmp3, $4  }
0x22b: {  	[sflag:s22] =	ssyncadd.s32 $0xFFFFF800  }
0x22c: {  	_ =	swait.ge [sflag:s22], $0x800  }
0x22d: {  	[sflag:s22] =	ssyncset.done $0x0  }
0x22e: {  	[sflag:s22] =	ssyncadd.s32 $0xFFFFF800  }
0x22f: {  	[bflag:$0x0] =	sbarrier.arrive $0xFFFF  }
0x230: {  	s3 =	rddreg [dreg:$0x7]  }
0x231: {  	s8 =	rddreg [dreg:$0x9]  }
0x232: {  	s9 =	rddreg [dreg:$0xa]  }
0x233: {  	[hbm:s3], [sflag:s8] =	dma.local [spmem:s9], $0x1870  }
0x234: {  	_ =	swait.ge [sflag:s16], $0x1870  }
0x235: {  	s24 =	rddreg [dreg:$0xb]  }
0x236: {  	s31 =	rddreg [dreg:$0x8];
	s24 =	sadd.s32 $0x1, s24  }
0x237: {  	p0 =	sne.s32 s24, s31  }
.Ltmp4:
0x238: {  	_ = 	snop;
	(pc) =	sbr.rel @p0 .LBB2_1-.Ltmp4, $3  }
0x239: {  	_ =	sdelay $0x1  }
0x23a: {  	[sflag:s16] =	ssyncset.done $0x0  }
0x23b: {  	[sflag:s16] =	ssyncadd.s32 $0xFFFFE790  }
0x23c: {  	_ =	sfence.sel $0x180000  }
0x23d: {  	[bflag:$0x0] =	sbarrier.arrive $0xFFFF  }
0x23e: {  	_ =	strace $0x90000047  }
0x23f: {  	s0 =	stileid.u32;
	[bflag:$0x2] =	sbarrier.arrive $0xFFFF  }
0x240: {  	p0 =	sne.s32 s0, $0x0;
	s0 =	rddreg [dreg:$0x3]  }
0x241: {  	s0 =	sadd.s32 @!p0 $0x100000, s0  }
0x242: {  	[sflag:s0] =	ssyncadd.tile.s32 @!p0 $0x1;
	_ =	shalt  }
.Lfunc_end2:
_tile_overlayer_lowered:
.L_overlay_start_2:
0x243: {  	(tag) =	ssettag $0x2  }
0x244: {  	s0 =	rddreg [dreg:$0x0];
	s2 =	stileid.u32  }
0x245: {  	s1 =	rddreg [dreg:$0x1];
	p0 =	sne.s32 s2, $0x0  }
0x246: {  	s3 =	rddreg [dreg:$0x2];
	[bflag:$0x3] =	sbarrier.arrive $0xFFFF;
	s2 =	simm.s32 @!p0 $0x1C02  }
0x247: {  	[timem:s3], [sflag:s2] =	dma.local @!p0 [hbm:s0], s1  }
0x248: {  	s0 =	simm.s32 @!p0 $0x2  }
0x249: {  	_ =	swait.ge @!p0 [sflag:s0], s1  }
0x24a: {  	s1 =	ssub.s32 @!p0 $0x0, s1;
	[sflag:s0] =	ssyncset.done @!p0 $0x0  }
0x24b: {  	[sflag:s0] =	ssyncadd.s32 @!p0 s1  }
0x24c: {  	[bflag:$0x3] =	sbarrier.arrive $0xFFFF  }
0x24d: {  	_ =	shalt  }

</sc_bundles>
